<compile_context>
chip_gen: v7x
topology: tpu7x:2x2x1
jax: 0.10.2.dev20260603
libtpu: 0.0.44.dev20260713+nightly
codegen_flags: <defaults>
</compile_context>

<pallas_src>
import jax
import jax.numpy as jnp
from jax import lax
from jax.experimental import pallas as pl
from jax.experimental.pallas import tpu as pltpu
from jax.experimental.pallas import tpu_sc as plsc

N_IDX = 16384 * 50
D = 64
NSPLIT = 1
N_HALF = N_IDX // NSPLIT
NC = 2
NS = 16
NW = NC * NS
PER_W = N_HALF // NW
CHUNK = 128
N_CHUNKS = PER_W // CHUNK
NBUF = 8
LOOK = 4
N_GROUPS = N_CHUNKS // NBUF


def _emb_body(idx_hbm, table_hbm, out_hbm, idx_v, rows_v, *sems):
    gsems = sems[:NBUF]
    wsems = sems[NBUF:]
    wid = lax.axis_index("s") * NC + lax.axis_index("c")
    base = wid * PER_W
    pltpu.sync_copy(idx_hbm.at[wid], idx_v)

    def fire_gather(j, b):
        pltpu.async_copy(table_hbm.at[idx_v.at[j]], rows_v.at[b], gsems[b])

    def wait_gather(j, b):
        pltpu.make_async_copy(
            table_hbm.at[idx_v.at[j]], rows_v.at[b], gsems[b]).wait()

    def fire_write(j, b):
        pltpu.async_copy(
            rows_v.at[b], out_hbm.at[pl.ds(base + j * CHUNK, CHUNK)], wsems[b])

    def wait_write(j, b):
        pltpu.make_async_copy(
            rows_v.at[b], out_hbm.at[pl.ds(base + j * CHUNK, CHUNK)],
            wsems[b]).wait()

    for b in range(LOOK):
        fire_gather(b, b)
    for j in range(NBUF):
        b = j % NBUF
        wait_gather(j, b)
        fire_write(j, b)
        b2 = (b + LOOK) % NBUF
        if j >= LOOK:
            wait_write(j - LOOK, b2)
        fire_gather(j + LOOK, b2)

    def group(g, carry):
        j0 = g * NBUF
        for b in range(NBUF):
            j = j0 + b
            wait_gather(j, b)
            fire_write(j, b)
            b2 = (b + LOOK) % NBUF
            wait_write(j - LOOK, b2)
            fire_gather(j + LOOK, b2)
        return carry

    lax.fori_loop(1, N_GROUPS - 1, group, 0)

    j0 = (N_GROUPS - 1) * NBUF
    for b in range(NBUF):
        j = j0 + b
        wait_gather(j, b)
        fire_write(j, b)
        b2 = (b + LOOK) % NBUF
        wait_write(j - LOOK, b2)
        if j + LOOK < N_CHUNKS:
            fire_gather(j + LOOK, b2)
    for b in range(NBUF - LOOK, NBUF):
        wait_write(j0 + b, b)


@jax.jit
def _emb_call(idx32, table):
    mesh = plsc.VectorSubcoreMesh(core_axis_name="c", subcore_axis_name="s")
    f = pl.kernel(
        _emb_body,
        out_type=jax.ShapeDtypeStruct((N_HALF, D), jnp.float32),
        mesh=mesh,
        scratch_types=(
            [pltpu.VMEM((N_CHUNKS, CHUNK), jnp.int32),
             pltpu.VMEM((NBUF, CHUNK, D), jnp.float32)]
            + [pltpu.SemaphoreType.DMA] * (2 * NBUF)
        ),
        compiler_params=pltpu.CompilerParams(use_tc_tiling_on_sc=False),
    )
    return f(idx32, table)


def kernel(idx, table):
    b, q = idx.shape
    qh = q // NSPLIT
    idx32 = idx.astype(jnp.int32)
    halves = []
    for h in range(NSPLIT):
        ih = idx32[:, h * qh:(h + 1) * qh].reshape(NW, N_CHUNKS, CHUNK)
        halves.append(_emb_call(ih, table).reshape(b, qh, D))
    return jnp.concatenate(halves, axis=1)

# --- scband reference (transcript-rebuilt; emitter-appended) ---
"""Pipeline reference for scband-embedding-layer-4879082848862 (READ-ONLY COPY).

The authoritative reference and input builder live on the scoring server;
editing this copy changes nothing except your own understanding.
"""

import jax, jax.numpy as jnp
import numpy as np

N_POI = 1000000
EMBED_DIM = 64

def setup_inputs(seed: int = 0) -> dict:
    key = jax.random.key(seed)
    k_idx, k_w = jax.random.split(key)
    idx = jax.random.randint(k_idx, (16384, 50), 0, N_POI, dtype=jnp.int64)
    # xavier normal init: std = sqrt(2/(fan_in+fan_out)) = sqrt(2/(n_poi+embed_dim))
    std = (2.0 / (N_POI + EMBED_DIM)) ** 0.5
    table = jax.random.normal(k_w, (N_POI, EMBED_DIM), dtype=jnp.float32) * std
    return {"idx": idx, "table": table}

def reference(idx, table):
    # nn.Embedding lookup
    return jnp.take(table, idx, axis=0)

if __name__ == "__main__":
    import jax
    _d = setup_inputs()
    print(jax.jit(kernel)(*tuple(_d.values())))

</pallas_src>

<mosaic_0001>
#map = affine_map<(d0, d1) -> (0, 0, 0)>
#map1 = affine_map<(d0, d1) -> (0, 0)>
module attributes {stable_mosaic.version = 14 : i64} {
  func.func @_emb_body(%arg0: i32, %arg1: i32, %arg2: memref<32x200x128xi32, #tpu.memory_space<hbm>>, %arg3: memref<1000000x64xf32, #tpu.memory_space<hbm>>, %arg4: memref<819200x64xf32, #tpu.memory_space<hbm>>, %arg5: memref<200x128xi32, #tpu.memory_space<vmem>>, %arg6: memref<8x128x64xf32, #tpu.memory_space<vmem>>, %arg7: memref<!tpu.dma_semaphore, #tpu.memory_space<semaphore_mem>>, %arg8: memref<!tpu.dma_semaphore, #tpu.memory_space<semaphore_mem>>, %arg9: memref<!tpu.dma_semaphore, #tpu.memory_space<semaphore_mem>>, %arg10: memref<!tpu.dma_semaphore, #tpu.memory_space<semaphore_mem>>, %arg11: memref<!tpu.dma_semaphore, #tpu.memory_space<semaphore_mem>>, %arg12: memref<!tpu.dma_semaphore, #tpu.memory_space<semaphore_mem>>, %arg13: memref<!tpu.dma_semaphore, #tpu.memory_space<semaphore_mem>>, %arg14: memref<!tpu.dma_semaphore, #tpu.memory_space<semaphore_mem>>, %arg15: memref<!tpu.dma_semaphore, #tpu.memory_space<semaphore_mem>>, %arg16: memref<!tpu.dma_semaphore, #tpu.memory_space<semaphore_mem>>, %arg17: memref<!tpu.dma_semaphore, #tpu.memory_space<semaphore_mem>>, %arg18: memref<!tpu.dma_semaphore, #tpu.memory_space<semaphore_mem>>, %arg19: memref<!tpu.dma_semaphore, #tpu.memory_space<semaphore_mem>>, %arg20: memref<!tpu.dma_semaphore, #tpu.memory_space<semaphore_mem>>, %arg21: memref<!tpu.dma_semaphore, #tpu.memory_space<semaphore_mem>>, %arg22: memref<!tpu.dma_semaphore, #tpu.memory_space<semaphore_mem>>) attributes {dimension_semantics = [#tpu.dimension_semantics<core_parallel>, #tpu.dimension_semantics<subcore_parallel>], iteration_bounds = array<i64: 2, 16>, scalar_prefetch = 0 : i64, scratch_operands = 18 : i64, tpu.core_type = #tpu.core_type<sc_vector_subcore>, window_params = [{transform_indices = #map}, {transform_indices = #map1}, {transform_indices = #map1}]} {
    %mul3A = arith.constant 2 : i32
    %mul3A_0 = arith.muli %arg1, %mul3A : i32
    %add3A = arith.addi %mul3A_0, %arg0 : i32
    %mul3A_1 = arith.constant 25600 : i32
    %mul3A_2 = arith.muli %add3A, %mul3A_1 : i32
    "tpu.region"() ({
      %run_scoped3A = tpu.sem_alloc : memref<!tpu.dma_semaphore, #tpu.memory_space<semaphore_mem>>
      %dma_start3A_870 = arith.constant 0 : i32
      %dma_start3A_871 = arith.constant 0 : i32
      %dma_start3A_872 = tpu.memref_slice %arg2[%add3A, %dma_start3A_870, %dma_start3A_871] : memref<32x200x128xi32, #tpu.memory_space<hbm>> -> memref<1x200x128xi32, #tpu.memory_space<hbm>>
      %dma_start3A_873 = tpu.memref_squeeze %dma_start3A_872 : memref<1x200x128xi32, #tpu.memory_space<hbm>> -> memref<200x128xi32, #tpu.memory_space<hbm>>
      %dma_start3A_874 = arith.constant 0 : i32
      %dma_start3A_875 = arith.constant 0 : i32
      %dma_start3A_876 = tpu.memref_slice %arg2[%add3A, %dma_start3A_874, %dma_start3A_875] : memref<32x200x128xi32, #tpu.memory_space<hbm>> -> memref<1x200x128xi32, #tpu.memory_space<hbm>>
      %dma_start3A_877 = tpu.memref_squeeze %dma_start3A_876 : memref<1x200x128xi32, #tpu.memory_space<hbm>> -> memref<200x128xi32, #tpu.memory_space<hbm>>
      tpu.enqueue_dma source(%dma_start3A_877 : memref<200x128xi32, #tpu.memory_space<hbm>>) target(%arg5 : memref<200x128xi32, #tpu.memory_space<vmem>>) target_semaphore(%run_scoped3A : memref<!tpu.dma_semaphore, #tpu.memory_space<semaphore_mem>>)
      %dma_wait3A_878 = arith.constant 0 : i32
      %dma_wait3A_879 = arith.constant 0 : i32
      %dma_wait3A_880 = tpu.memref_slice %arg2[%add3A, %dma_wait3A_878, %dma_wait3A_879] : memref<32x200x128xi32, #tpu.memory_space<hbm>> -> memref<1x200x128xi32, #tpu.memory_space<hbm>>
      %dma_wait3A_881 = tpu.memref_squeeze %dma_wait3A_880 : memref<1x200x128xi32, #tpu.memory_space<hbm>> -> memref<200x128xi32, #tpu.memory_space<hbm>>
      %dma_wait3A_882 = arith.constant 0 : i32
      %dma_wait3A_883 = arith.constant 0 : i32
      %dma_wait3A_884 = tpu.memref_slice %arg2[%add3A, %dma_wait3A_882, %dma_wait3A_883] : memref<32x200x128xi32, #tpu.memory_space<hbm>> -> memref<1x200x128xi32, #tpu.memory_space<hbm>>
      %dma_wait3A_885 = tpu.memref_squeeze %dma_wait3A_884 : memref<1x200x128xi32, #tpu.memory_space<hbm>> -> memref<200x128xi32, #tpu.memory_space<hbm>>
      tpu.wait_dma2 semaphore(%run_scoped3A : memref<!tpu.dma_semaphore, #tpu.memory_space<semaphore_mem>>) src(%dma_wait3A_885 : memref<200x128xi32, #tpu.memory_space<hbm>>) dst(%arg5 : memref<200x128xi32, #tpu.memory_space<vmem>>)
      tpu.yield
    }) : () -> ()
    %dma_start3A = arith.constant 0 : i32
    %dma_start3A_3 = arith.constant 0 : i32
    %dma_start3A_4 = arith.constant 0 : i32
    %dma_start3A_5 = arith.constant 0 : i32
    %dma_start3A_6 = tpu.memref_slice %arg6[%dma_start3A_3, %dma_start3A_4, %dma_start3A_5] : memref<8x128x64xf32, #tpu.memory_space<vmem>> -> memref<1x128x64xf32, #tpu.memory_space<vmem>>
    %dma_start3A_7 = tpu.memref_squeeze %dma_start3A_6 : memref<1x128x64xf32, #tpu.memory_space<vmem>> -> memref<128x64xf32, #tpu.memory_space<vmem>>
    %dma_start3A_8 = arith.constant 0 : i32
    %dma_start3A_9 = tpu.memref_slice %arg5[%dma_start3A, %dma_start3A_8] : memref<200x128xi32, #tpu.memory_space<vmem>> -> memref<1x128xi32, #tpu.memory_space<vmem>>
    %dma_start3A_10 = tpu.memref_squeeze %dma_start3A_9 : memref<1x128xi32, #tpu.memory_space<vmem>> -> memref<128xi32, #tpu.memory_space<vmem>>
    %dma_start3A_11 = arith.constant 0 : i32
    %dma_start3A_12 = arith.constant 0 : i32
    %dma_start3A_13 = tpu.memref_slice %arg3[%dma_start3A_11, %dma_start3A_12] : memref<1000000x64xf32, #tpu.memory_space<hbm>> -> memref<1000000x64xf32, #tpu.memory_space<hbm>>
    tpu.enqueue_indirect_dma source(%dma_start3A_13 : memref<1000000x64xf32, #tpu.memory_space<hbm>>) target(%dma_start3A_7 : memref<128x64xf32, #tpu.memory_space<vmem>>) offsets(%dma_start3A_10 : memref<128xi32, #tpu.memory_space<vmem>>) semaphore(%arg7 : memref<!tpu.dma_semaphore, #tpu.memory_space<semaphore_mem>>)
    %dma_start3A_14 = arith.constant 1 : i32
    %dma_start3A_15 = arith.constant 1 : i32
    %dma_start3A_16 = arith.constant 0 : i32
    %dma_start3A_17 = arith.constant 0 : i32
    %dma_start3A_18 = tpu.memref_slice %arg6[%dma_start3A_15, %dma_start3A_16, %dma_start3A_17] : memref<8x128x64xf32, #tpu.memory_space<vmem>> -> memref<1x128x64xf32, #tpu.memory_space<vmem>>
    %dma_start3A_19 = tpu.memref_squeeze %dma_start3A_18 : memref<1x128x64xf32, #tpu.memory_space<vmem>> -> memref<128x64xf32, #tpu.memory_space<vmem>>
    %dma_start3A_20 = arith.constant 0 : i32
    %dma_start3A_21 = tpu.memref_slice %arg5[%dma_start3A_14, %dma_start3A_20] : memref<200x128xi32, #tpu.memory_space<vmem>> -> memref<1x128xi32, #tpu.memory_space<vmem>>
    %dma_start3A_22 = tpu.memref_squeeze %dma_start3A_21 : memref<1x128xi32, #tpu.memory_space<vmem>> -> memref<128xi32, #tpu.memory_space<vmem>>
    %dma_start3A_23 = arith.constant 0 : i32
    %dma_start3A_24 = arith.constant 0 : i32
    %dma_start3A_25 = tpu.memref_slice %arg3[%dma_start3A_23, %dma_start3A_24] : memref<1000000x64xf32, #tpu.memory_space<hbm>> -> memref<1000000x64xf32, #tpu.memory_space<hbm>>
    tpu.enqueue_indirect_dma source(%dma_start3A_25 : memref<1000000x64xf32, #tpu.memory_space<hbm>>) target(%dma_start3A_19 : memref<128x64xf32, #tpu.memory_space<vmem>>) offsets(%dma_start3A_22 : memref<128xi32, #tpu.memory_space<vmem>>) semaphore(%arg8 : memref<!tpu.dma_semaphore, #tpu.memory_space<semaphore_mem>>)
    %dma_start3A_26 = arith.constant 2 : i32
    %dma_start3A_27 = arith.constant 2 : i32
    %dma_start3A_28 = arith.constant 0 : i32
    %dma_start3A_29 = arith.constant 0 : i32
    %dma_start3A_30 = tpu.memref_slice %arg6[%dma_start3A_27, %dma_start3A_28, %dma_start3A_29] : memref<8x128x64xf32, #tpu.memory_space<vmem>> -> memref<1x128x64xf32, #tpu.memory_space<vmem>>
    %dma_start3A_31 = tpu.memref_squeeze %dma_start3A_30 : memref<1x128x64xf32, #tpu.memory_space<vmem>> -> memref<128x64xf32, #tpu.memory_space<vmem>>
    %dma_start3A_32 = arith.constant 0 : i32
    %dma_start3A_33 = tpu.memref_slice %arg5[%dma_start3A_26, %dma_start3A_32] : memref<200x128xi32, #tpu.memory_space<vmem>> -> memref<1x128xi32, #tpu.memory_space<vmem>>
    %dma_start3A_34 = tpu.memref_squeeze %dma_start3A_33 : memref<1x128xi32, #tpu.memory_space<vmem>> -> memref<128xi32, #tpu.memory_space<vmem>>
    %dma_start3A_35 = arith.constant 0 : i32
    %dma_start3A_36 = arith.constant 0 : i32
    %dma_start3A_37 = tpu.memref_slice %arg3[%dma_start3A_35, %dma_start3A_36] : memref<1000000x64xf32, #tpu.memory_space<hbm>> -> memref<1000000x64xf32, #tpu.memory_space<hbm>>
    tpu.enqueue_indirect_dma source(%dma_start3A_37 : memref<1000000x64xf32, #tpu.memory_space<hbm>>) target(%dma_start3A_31 : memref<128x64xf32, #tpu.memory_space<vmem>>) offsets(%dma_start3A_34 : memref<128xi32, #tpu.memory_space<vmem>>) semaphore(%arg9 : memref<!tpu.dma_semaphore, #tpu.memory_space<semaphore_mem>>)
    %dma_start3A_38 = arith.constant 3 : i32
    %dma_start3A_39 = arith.constant 3 : i32
    %dma_start3A_40 = arith.constant 0 : i32
    %dma_start3A_41 = arith.constant 0 : i32
    %dma_start3A_42 = tpu.memref_slice %arg6[%dma_start3A_39, %dma_start3A_40, %dma_start3A_41] : memref<8x128x64xf32, #tpu.memory_space<vmem>> -> memref<1x128x64xf32, #tpu.memory_space<vmem>>
    %dma_start3A_43 = tpu.memref_squeeze %dma_start3A_42 : memref<1x128x64xf32, #tpu.memory_space<vmem>> -> memref<128x64xf32, #tpu.memory_space<vmem>>
    %dma_start3A_44 = arith.constant 0 : i32
    %dma_start3A_45 = tpu.memref_slice %arg5[%dma_start3A_38, %dma_start3A_44] : memref<200x128xi32, #tpu.memory_space<vmem>> -> memref<1x128xi32, #tpu.memory_space<vmem>>
    %dma_start3A_46 = tpu.memref_squeeze %dma_start3A_45 : memref<1x128xi32, #tpu.memory_space<vmem>> -> memref<128xi32, #tpu.memory_space<vmem>>
    %dma_start3A_47 = arith.constant 0 : i32
    %dma_start3A_48 = arith.constant 0 : i32
    %dma_start3A_49 = tpu.memref_slice %arg3[%dma_start3A_47, %dma_start3A_48] : memref<1000000x64xf32, #tpu.memory_space<hbm>> -> memref<1000000x64xf32, #tpu.memory_space<hbm>>
    tpu.enqueue_indirect_dma source(%dma_start3A_49 : memref<1000000x64xf32, #tpu.memory_space<hbm>>) target(%dma_start3A_43 : memref<128x64xf32, #tpu.memory_space<vmem>>) offsets(%dma_start3A_46 : memref<128xi32, #tpu.memory_space<vmem>>) semaphore(%arg10 : memref<!tpu.dma_semaphore, #tpu.memory_space<semaphore_mem>>)
    %dma_wait3A = arith.constant 0 : i32
    %dma_wait3A_50 = arith.constant 0 : i32
    %dma_wait3A_51 = arith.constant 0 : i32
    %dma_wait3A_52 = arith.constant 0 : i32
    %dma_wait3A_53 = tpu.memref_slice %arg6[%dma_wait3A_50, %dma_wait3A_51, %dma_wait3A_52] : memref<8x128x64xf32, #tpu.memory_space<vmem>> -> memref<1x128x64xf32, #tpu.memory_space<vmem>>
    %dma_wait3A_54 = tpu.memref_squeeze %dma_wait3A_53 : memref<1x128x64xf32, #tpu.memory_space<vmem>> -> memref<128x64xf32, #tpu.memory_space<vmem>>
    %dma_wait3A_55 = arith.constant 0 : i32
    %dma_wait3A_56 = tpu.memref_slice %arg5[%dma_wait3A, %dma_wait3A_55] : memref<200x128xi32, #tpu.memory_space<vmem>> -> memref<1x128xi32, #tpu.memory_space<vmem>>
    %dma_wait3A_57 = tpu.memref_squeeze %dma_wait3A_56 : memref<1x128xi32, #tpu.memory_space<vmem>> -> memref<128xi32, #tpu.memory_space<vmem>>
    %dma_wait3A_58 = arith.constant 0 : i32
    %dma_wait3A_59 = arith.constant 0 : i32
    %dma_wait3A_60 = tpu.memref_slice %arg3[%dma_wait3A_58, %dma_wait3A_59] : memref<1000000x64xf32, #tpu.memory_space<hbm>> -> memref<1000000x64xf32, #tpu.memory_space<hbm>>
    tpu.wait_indirect_dma semaphore(%arg7 : memref<!tpu.dma_semaphore, #tpu.memory_space<semaphore_mem>>) src(%dma_wait3A_60 : memref<1000000x64xf32, #tpu.memory_space<hbm>>) dst(%dma_wait3A_54 : memref<128x64xf32, #tpu.memory_space<vmem>>)
    %add3A_61 = arith.constant 0 : i32
    %add3A_62 = arith.addi %mul3A_2, %add3A_61 : i32
    %dma_start3A_63 = arith.constant 0 : i32
    %dma_start3A_64 = arith.constant 0 : i32
    %dma_start3A_65 = arith.constant 0 : i32
    %dma_start3A_66 = tpu.memref_slice %arg6[%dma_start3A_63, %dma_start3A_64, %dma_start3A_65] : memref<8x128x64xf32, #tpu.memory_space<vmem>> -> memref<1x128x64xf32, #tpu.memory_space<vmem>>
    %dma_start3A_67 = tpu.memref_squeeze %dma_start3A_66 : memref<1x128x64xf32, #tpu.memory_space<vmem>> -> memref<128x64xf32, #tpu.memory_space<vmem>>
    %dma_start3A_68 = arith.constant 0 : i32
    %dma_start3A_69 = tpu.memref_slice %arg4[%add3A_62, %dma_start3A_68] : memref<819200x64xf32, #tpu.memory_space<hbm>> -> memref<128x64xf32, #tpu.memory_space<hbm>>
    %dma_start3A_70 = arith.constant 0 : i32
    %dma_start3A_71 = tpu.memref_slice %arg4[%add3A_62, %dma_start3A_70] : memref<819200x64xf32, #tpu.memory_space<hbm>> -> memref<128x64xf32, #tpu.memory_space<hbm>>
    %dma_start3A_72 = arith.constant 0 : i32
    %dma_start3A_73 = arith.constant 0 : i32
    %dma_start3A_74 = tpu.memref_slice %arg6[%dma_start3A_63, %dma_start3A_72, %dma_start3A_73] : memref<8x128x64xf32, #tpu.memory_space<vmem>> -> memref<1x128x64xf32, #tpu.memory_space<vmem>>
    %dma_start3A_75 = tpu.memref_squeeze %dma_start3A_74 : memref<1x128x64xf32, #tpu.memory_space<vmem>> -> memref<128x64xf32, #tpu.memory_space<vmem>>
    tpu.enqueue_dma source(%dma_start3A_75 : memref<128x64xf32, #tpu.memory_space<vmem>>) target(%dma_start3A_71 : memref<128x64xf32, #tpu.memory_space<hbm>>) target_semaphore(%arg15 : memref<!tpu.dma_semaphore, #tpu.memory_space<semaphore_mem>>)
    %dma_start3A_76 = arith.constant 4 : i32
    %dma_start3A_77 = arith.constant 4 : i32
    %dma_start3A_78 = arith.constant 0 : i32
    %dma_start3A_79 = arith.constant 0 : i32
    %dma_start3A_80 = tpu.memref_slice %arg6[%dma_start3A_77, %dma_start3A_78, %dma_start3A_79] : memref<8x128x64xf32, #tpu.memory_space<vmem>> -> memref<1x128x64xf32, #tpu.memory_space<vmem>>
    %dma_start3A_81 = tpu.memref_squeeze %dma_start3A_80 : memref<1x128x64xf32, #tpu.memory_space<vmem>> -> memref<128x64xf32, #tpu.memory_space<vmem>>
    %dma_start3A_82 = arith.constant 0 : i32
    %dma_start3A_83 = tpu.memref_slice %arg5[%dma_start3A_76, %dma_start3A_82] : memref<200x128xi32, #tpu.memory_space<vmem>> -> memref<1x128xi32, #tpu.memory_space<vmem>>
    %dma_start3A_84 = tpu.memref_squeeze %dma_start3A_83 : memref<1x128xi32, #tpu.memory_space<vmem>> -> memref<128xi32, #tpu.memory_space<vmem>>
    %dma_start3A_85 = arith.constant 0 : i32
    %dma_start3A_86 = arith.constant 0 : i32
    %dma_start3A_87 = tpu.memref_slice %arg3[%dma_start3A_85, %dma_start3A_86] : memref<1000000x64xf32, #tpu.memory_space<hbm>> -> memref<1000000x64xf32, #tpu.memory_space<hbm>>
    tpu.enqueue_indirect_dma source(%dma_start3A_87 : memref<1000000x64xf32, #tpu.memory_space<hbm>>) target(%dma_start3A_81 : memref<128x64xf32, #tpu.memory_space<vmem>>) offsets(%dma_start3A_84 : memref<128xi32, #tpu.memory_space<vmem>>) semaphore(%arg11 : memref<!tpu.dma_semaphore, #tpu.memory_space<semaphore_mem>>)
    %dma_wait3A_88 = arith.constant 1 : i32
    %dma_wait3A_89 = arith.constant 1 : i32
    %dma_wait3A_90 = arith.constant 0 : i32
    %dma_wait3A_91 = arith.constant 0 : i32
    %dma_wait3A_92 = tpu.memref_slice %arg6[%dma_wait3A_89, %dma_wait3A_90, %dma_wait3A_91] : memref<8x128x64xf32, #tpu.memory_space<vmem>> -> memref<1x128x64xf32, #tpu.memory_space<vmem>>
    %dma_wait3A_93 = tpu.memref_squeeze %dma_wait3A_92 : memref<1x128x64xf32, #tpu.memory_space<vmem>> -> memref<128x64xf32, #tpu.memory_space<vmem>>
    %dma_wait3A_94 = arith.constant 0 : i32
    %dma_wait3A_95 = tpu.memref_slice %arg5[%dma_wait3A_88, %dma_wait3A_94] : memref<200x128xi32, #tpu.memory_space<vmem>> -> memref<1x128xi32, #tpu.memory_space<vmem>>
    %dma_wait3A_96 = tpu.memref_squeeze %dma_wait3A_95 : memref<1x128xi32, #tpu.memory_space<vmem>> -> memref<128xi32, #tpu.memory_space<vmem>>
    %dma_wait3A_97 = arith.constant 0 : i32
    %dma_wait3A_98 = arith.constant 0 : i32
    %dma_wait3A_99 = tpu.memref_slice %arg3[%dma_wait3A_97, %dma_wait3A_98] : memref<1000000x64xf32, #tpu.memory_space<hbm>> -> memref<1000000x64xf32, #tpu.memory_space<hbm>>
    tpu.wait_indirect_dma semaphore(%arg8 : memref<!tpu.dma_semaphore, #tpu.memory_space<semaphore_mem>>) src(%dma_wait3A_99 : memref<1000000x64xf32, #tpu.memory_space<hbm>>) dst(%dma_wait3A_93 : memref<128x64xf32, #tpu.memory_space<vmem>>)
    %add3A_100 = arith.constant 128 : i32
    %add3A_101 = arith.addi %mul3A_2, %add3A_100 : i32
    %dma_start3A_102 = arith.constant 1 : i32
    %dma_start3A_103 = arith.constant 0 : i32
    %dma_start3A_104 = arith.constant 0 : i32
    %dma_start3A_105 = tpu.memref_slice %arg6[%dma_start3A_102, %dma_start3A_103, %dma_start3A_104] : memref<8x128x64xf32, #tpu.memory_space<vmem>> -> memref<1x128x64xf32, #tpu.memory_space<vmem>>
    %dma_start3A_106 = tpu.memref_squeeze %dma_start3A_105 : memref<1x128x64xf32, #tpu.memory_space<vmem>> -> memref<128x64xf32, #tpu.memory_space<vmem>>
    %dma_start3A_107 = arith.constant 0 : i32
    %dma_start3A_108 = tpu.memref_slice %arg4[%add3A_101, %dma_start3A_107] : memref<819200x64xf32, #tpu.memory_space<hbm>> -> memref<128x64xf32, #tpu.memory_space<hbm>>
    %dma_start3A_109 = arith.constant 0 : i32
    %dma_start3A_110 = tpu.memref_slice %arg4[%add3A_101, %dma_start3A_109] : memref<819200x64xf32, #tpu.memory_space<hbm>> -> memref<128x64xf32, #tpu.memory_space<hbm>>
    %dma_start3A_111 = arith.constant 0 : i32
    %dma_start3A_112 = arith.constant 0 : i32
    %dma_start3A_113 = tpu.memref_slice %arg6[%dma_start3A_102, %dma_start3A_111, %dma_start3A_112] : memref<8x128x64xf32, #tpu.memory_space<vmem>> -> memref<1x128x64xf32, #tpu.memory_space<vmem>>
    %dma_start3A_114 = tpu.memref_squeeze %dma_start3A_113 : memref<1x128x64xf32, #tpu.memory_space<vmem>> -> memref<128x64xf32, #tpu.memory_space<vmem>>
    tpu.enqueue_dma source(%dma_start3A_114 : memref<128x64xf32, #tpu.memory_space<vmem>>) target(%dma_start3A_110 : memref<128x64xf32, #tpu.memory_space<hbm>>) target_semaphore(%arg16 : memref<!tpu.dma_semaphore, #tpu.memory_space<semaphore_mem>>)
    %dma_start3A_115 = arith.constant 5 : i32
    %dma_start3A_116 = arith.constant 5 : i32
    %dma_start3A_117 = arith.constant 0 : i32
    %dma_start3A_118 = arith.constant 0 : i32
    %dma_start3A_119 = tpu.memref_slice %arg6[%dma_start3A_116, %dma_start3A_117, %dma_start3A_118] : memref<8x128x64xf32, #tpu.memory_space<vmem>> -> memref<1x128x64xf32, #tpu.memory_space<vmem>>
    %dma_start3A_120 = tpu.memref_squeeze %dma_start3A_119 : memref<1x128x64xf32, #tpu.memory_space<vmem>> -> memref<128x64xf32, #tpu.memory_space<vmem>>
    %dma_start3A_121 = arith.constant 0 : i32
    %dma_start3A_122 = tpu.memref_slice %arg5[%dma_start3A_115, %dma_start3A_121] : memref<200x128xi32, #tpu.memory_space<vmem>> -> memref<1x128xi32, #tpu.memory_space<vmem>>
    %dma_start3A_123 = tpu.memref_squeeze %dma_start3A_122 : memref<1x128xi32, #tpu.memory_space<vmem>> -> memref<128xi32, #tpu.memory_space<vmem>>
    %dma_start3A_124 = arith.constant 0 : i32
    %dma_start3A_125 = arith.constant 0 : i32
    %dma_start3A_126 = tpu.memref_slice %arg3[%dma_start3A_124, %dma_start3A_125] : memref<1000000x64xf32, #tpu.memory_space<hbm>> -> memref<1000000x64xf32, #tpu.memory_space<hbm>>
    tpu.enqueue_indirect_dma source(%dma_start3A_126 : memref<1000000x64xf32, #tpu.memory_space<hbm>>) target(%dma_start3A_120 : memref<128x64xf32, #tpu.memory_space<vmem>>) offsets(%dma_start3A_123 : memref<128xi32, #tpu.memory_space<vmem>>) semaphore(%arg12 : memref<!tpu.dma_semaphore, #tpu.memory_space<semaphore_mem>>)
    %dma_wait3A_127 = arith.constant 2 : i32
    %dma_wait3A_128 = arith.constant 2 : i32
    %dma_wait3A_129 = arith.constant 0 : i32
    %dma_wait3A_130 = arith.constant 0 : i32
    %dma_wait3A_131 = tpu.memref_slice %arg6[%dma_wait3A_128, %dma_wait3A_129, %dma_wait3A_130] : memref<8x128x64xf32, #tpu.memory_space<vmem>> -> memref<1x128x64xf32, #tpu.memory_space<vmem>>
    %dma_wait3A_132 = tpu.memref_squeeze %dma_wait3A_131 : memref<1x128x64xf32, #tpu.memory_space<vmem>> -> memref<128x64xf32, #tpu.memory_space<vmem>>
    %dma_wait3A_133 = arith.constant 0 : i32
    %dma_wait3A_134 = tpu.memref_slice %arg5[%dma_wait3A_127, %dma_wait3A_133] : memref<200x128xi32, #tpu.memory_space<vmem>> -> memref<1x128xi32, #tpu.memory_space<vmem>>
    %dma_wait3A_135 = tpu.memref_squeeze %dma_wait3A_134 : memref<1x128xi32, #tpu.memory_space<vmem>> -> memref<128xi32, #tpu.memory_space<vmem>>
    %dma_wait3A_136 = arith.constant 0 : i32
    %dma_wait3A_137 = arith.constant 0 : i32
    %dma_wait3A_138 = tpu.memref_slice %arg3[%dma_wait3A_136, %dma_wait3A_137] : memref<1000000x64xf32, #tpu.memory_space<hbm>> -> memref<1000000x64xf32, #tpu.memory_space<hbm>>
    tpu.wait_indirect_dma semaphore(%arg9 : memref<!tpu.dma_semaphore, #tpu.memory_space<semaphore_mem>>) src(%dma_wait3A_138 : memref<1000000x64xf32, #tpu.memory_space<hbm>>) dst(%dma_wait3A_132 : memref<128x64xf32, #tpu.memory_space<vmem>>)
    %add3A_139 = arith.constant 256 : i32
    %add3A_140 = arith.addi %mul3A_2, %add3A_139 : i32
    %dma_start3A_141 = arith.constant 2 : i32
    %dma_start3A_142 = arith.constant 0 : i32
    %dma_start3A_143 = arith.constant 0 : i32
    %dma_start3A_144 = tpu.memref_slice %arg6[%dma_start3A_141, %dma_start3A_142, %dma_start3A_143] : memref<8x128x64xf32, #tpu.memory_space<vmem>> -> memref<1x128x64xf32, #tpu.memory_space<vmem>>
    %dma_start3A_145 = tpu.memref_squeeze %dma_start3A_144 : memref<1x128x64xf32, #tpu.memory_space<vmem>> -> memref<128x64xf32, #tpu.memory_space<vmem>>
    %dma_start3A_146 = arith.constant 0 : i32
    %dma_start3A_147 = tpu.memref_slice %arg4[%add3A_140, %dma_start3A_146] : memref<819200x64xf32, #tpu.memory_space<hbm>> -> memref<128x64xf32, #tpu.memory_space<hbm>>
    %dma_start3A_148 = arith.constant 0 : i32
    %dma_start3A_149 = tpu.memref_slice %arg4[%add3A_140, %dma_start3A_148] : memref<819200x64xf32, #tpu.memory_space<hbm>> -> memref<128x64xf32, #tpu.memory_space<hbm>>
    %dma_start3A_150 = arith.constant 0 : i32
    %dma_start3A_151 = arith.constant 0 : i32
    %dma_start3A_152 = tpu.memref_slice %arg6[%dma_start3A_141, %dma_start3A_150, %dma_start3A_151] : memref<8x128x64xf32, #tpu.memory_space<vmem>> -> memref<1x128x64xf32, #tpu.memory_space<vmem>>
    %dma_start3A_153 = tpu.memref_squeeze %dma_start3A_152 : memref<1x128x64xf32, #tpu.memory_space<vmem>> -> memref<128x64xf32, #tpu.memory_space<vmem>>
    tpu.enqueue_dma source(%dma_start3A_153 : memref<128x64xf32, #tpu.memory_space<vmem>>) target(%dma_start3A_149 : memref<128x64xf32, #tpu.memory_space<hbm>>) target_semaphore(%arg17 : memref<!tpu.dma_semaphore, #tpu.memory_space<semaphore_mem>>)
    %dma_start3A_154 = arith.constant 6 : i32
    %dma_start3A_155 = arith.constant 6 : i32
    %dma_start3A_156 = arith.constant 0 : i32
    %dma_start3A_157 = arith.constant 0 : i32
    %dma_start3A_158 = tpu.memref_slice %arg6[%dma_start3A_155, %dma_start3A_156, %dma_start3A_157] : memref<8x128x64xf32, #tpu.memory_space<vmem>> -> memref<1x128x64xf32, #tpu.memory_space<vmem>>
    %dma_start3A_159 = tpu.memref_squeeze %dma_start3A_158 : memref<1x128x64xf32, #tpu.memory_space<vmem>> -> memref<128x64xf32, #tpu.memory_space<vmem>>
    %dma_start3A_160 = arith.constant 0 : i32
    %dma_start3A_161 = tpu.memref_slice %arg5[%dma_start3A_154, %dma_start3A_160] : memref<200x128xi32, #tpu.memory_space<vmem>> -> memref<1x128xi32, #tpu.memory_space<vmem>>
    %dma_start3A_162 = tpu.memref_squeeze %dma_start3A_161 : memref<1x128xi32, #tpu.memory_space<vmem>> -> memref<128xi32, #tpu.memory_space<vmem>>
    %dma_start3A_163 = arith.constant 0 : i32
    %dma_start3A_164 = arith.constant 0 : i32
    %dma_start3A_165 = tpu.memref_slice %arg3[%dma_start3A_163, %dma_start3A_164] : memref<1000000x64xf32, #tpu.memory_space<hbm>> -> memref<1000000x64xf32, #tpu.memory_space<hbm>>
    tpu.enqueue_indirect_dma source(%dma_start3A_165 : memref<1000000x64xf32, #tpu.memory_space<hbm>>) target(%dma_start3A_159 : memref<128x64xf32, #tpu.memory_space<vmem>>) offsets(%dma_start3A_162 : memref<128xi32, #tpu.memory_space<vmem>>) semaphore(%arg13 : memref<!tpu.dma_semaphore, #tpu.memory_space<semaphore_mem>>)
    %dma_wait3A_166 = arith.constant 3 : i32
    %dma_wait3A_167 = arith.constant 3 : i32
    %dma_wait3A_168 = arith.constant 0 : i32
    %dma_wait3A_169 = arith.constant 0 : i32
    %dma_wait3A_170 = tpu.memref_slice %arg6[%dma_wait3A_167, %dma_wait3A_168, %dma_wait3A_169] : memref<8x128x64xf32, #tpu.memory_space<vmem>> -> memref<1x128x64xf32, #tpu.memory_space<vmem>>
    %dma_wait3A_171 = tpu.memref_squeeze %dma_wait3A_170 : memref<1x128x64xf32, #tpu.memory_space<vmem>> -> memref<128x64xf32, #tpu.memory_space<vmem>>
    %dma_wait3A_172 = arith.constant 0 : i32
    %dma_wait3A_173 = tpu.memref_slice %arg5[%dma_wait3A_166, %dma_wait3A_172] : memref<200x128xi32, #tpu.memory_space<vmem>> -> memref<1x128xi32, #tpu.memory_space<vmem>>
    %dma_wait3A_174 = tpu.memref_squeeze %dma_wait3A_173 : memref<1x128xi32, #tpu.memory_space<vmem>> -> memref<128xi32, #tpu.memory_space<vmem>>
    %dma_wait3A_175 = arith.constant 0 : i32
    %dma_wait3A_176 = arith.constant 0 : i32
    %dma_wait3A_177 = tpu.memref_slice %arg3[%dma_wait3A_175, %dma_wait3A_176] : memref<1000000x64xf32, #tpu.memory_space<hbm>> -> memref<1000000x64xf32, #tpu.memory_space<hbm>>
    tpu.wait_indirect_dma semaphore(%arg10 : memref<!tpu.dma_semaphore, #tpu.memory_space<semaphore_mem>>) src(%dma_wait3A_177 : memref<1000000x64xf32, #tpu.memory_space<hbm>>) dst(%dma_wait3A_171 : memref<128x64xf32, #tpu.memory_space<vmem>>)
    %add3A_178 = arith.constant 384 : i32
    %add3A_179 = arith.addi %mul3A_2, %add3A_178 : i32
    %dma_start3A_180 = arith.constant 3 : i32
    %dma_start3A_181 = arith.constant 0 : i32
    %dma_start3A_182 = arith.constant 0 : i32
    %dma_start3A_183 = tpu.memref_slice %arg6[%dma_start3A_180, %dma_start3A_181, %dma_start3A_182] : memref<8x128x64xf32, #tpu.memory_space<vmem>> -> memref<1x128x64xf32, #tpu.memory_space<vmem>>
    %dma_start3A_184 = tpu.memref_squeeze %dma_start3A_183 : memref<1x128x64xf32, #tpu.memory_space<vmem>> -> memref<128x64xf32, #tpu.memory_space<vmem>>
    %dma_start3A_185 = arith.constant 0 : i32
    %dma_start3A_186 = tpu.memref_slice %arg4[%add3A_179, %dma_start3A_185] : memref<819200x64xf32, #tpu.memory_space<hbm>> -> memref<128x64xf32, #tpu.memory_space<hbm>>
    %dma_start3A_187 = arith.constant 0 : i32
    %dma_start3A_188 = tpu.memref_slice %arg4[%add3A_179, %dma_start3A_187] : memref<819200x64xf32, #tpu.memory_space<hbm>> -> memref<128x64xf32, #tpu.memory_space<hbm>>
    %dma_start3A_189 = arith.constant 0 : i32
    %dma_start3A_190 = arith.constant 0 : i32
    %dma_start3A_191 = tpu.memref_slice %arg6[%dma_start3A_180, %dma_start3A_189, %dma_start3A_190] : memref<8x128x64xf32, #tpu.memory_space<vmem>> -> memref<1x128x64xf32, #tpu.memory_space<vmem>>
    %dma_start3A_192 = tpu.memref_squeeze %dma_start3A_191 : memref<1x128x64xf32, #tpu.memory_space<vmem>> -> memref<128x64xf32, #tpu.memory_space<vmem>>
    tpu.enqueue_dma source(%dma_start3A_192 : memref<128x64xf32, #tpu.memory_space<vmem>>) target(%dma_start3A_188 : memref<128x64xf32, #tpu.memory_space<hbm>>) target_semaphore(%arg18 : memref<!tpu.dma_semaphore, #tpu.memory_space<semaphore_mem>>)
    %dma_start3A_193 = arith.constant 7 : i32
    %dma_start3A_194 = arith.constant 7 : i32
    %dma_start3A_195 = arith.constant 0 : i32
    %dma_start3A_196 = arith.constant 0 : i32
    %dma_start3A_197 = tpu.memref_slice %arg6[%dma_start3A_194, %dma_start3A_195, %dma_start3A_196] : memref<8x128x64xf32, #tpu.memory_space<vmem>> -> memref<1x128x64xf32, #tpu.memory_space<vmem>>
    %dma_start3A_198 = tpu.memref_squeeze %dma_start3A_197 : memref<1x128x64xf32, #tpu.memory_space<vmem>> -> memref<128x64xf32, #tpu.memory_space<vmem>>
    %dma_start3A_199 = arith.constant 0 : i32
    %dma_start3A_200 = tpu.memref_slice %arg5[%dma_start3A_193, %dma_start3A_199] : memref<200x128xi32, #tpu.memory_space<vmem>> -> memref<1x128xi32, #tpu.memory_space<vmem>>
    %dma_start3A_201 = tpu.memref_squeeze %dma_start3A_200 : memref<1x128xi32, #tpu.memory_space<vmem>> -> memref<128xi32, #tpu.memory_space<vmem>>
    %dma_start3A_202 = arith.constant 0 : i32
    %dma_start3A_203 = arith.constant 0 : i32
    %dma_start3A_204 = tpu.memref_slice %arg3[%dma_start3A_202, %dma_start3A_203] : memref<1000000x64xf32, #tpu.memory_space<hbm>> -> memref<1000000x64xf32, #tpu.memory_space<hbm>>
    tpu.enqueue_indirect_dma source(%dma_start3A_204 : memref<1000000x64xf32, #tpu.memory_space<hbm>>) target(%dma_start3A_198 : memref<128x64xf32, #tpu.memory_space<vmem>>) offsets(%dma_start3A_201 : memref<128xi32, #tpu.memory_space<vmem>>) semaphore(%arg14 : memref<!tpu.dma_semaphore, #tpu.memory_space<semaphore_mem>>)
    %dma_wait3A_205 = arith.constant 4 : i32
    %dma_wait3A_206 = arith.constant 4 : i32
    %dma_wait3A_207 = arith.constant 0 : i32
    %dma_wait3A_208 = arith.constant 0 : i32
    %dma_wait3A_209 = tpu.memref_slice %arg6[%dma_wait3A_206, %dma_wait3A_207, %dma_wait3A_208] : memref<8x128x64xf32, #tpu.memory_space<vmem>> -> memref<1x128x64xf32, #tpu.memory_space<vmem>>
    %dma_wait3A_210 = tpu.memref_squeeze %dma_wait3A_209 : memref<1x128x64xf32, #tpu.memory_space<vmem>> -> memref<128x64xf32, #tpu.memory_space<vmem>>
    %dma_wait3A_211 = arith.constant 0 : i32
    %dma_wait3A_212 = tpu.memref_slice %arg5[%dma_wait3A_205, %dma_wait3A_211] : memref<200x128xi32, #tpu.memory_space<vmem>> -> memref<1x128xi32, #tpu.memory_space<vmem>>
    %dma_wait3A_213 = tpu.memref_squeeze %dma_wait3A_212 : memref<1x128xi32, #tpu.memory_space<vmem>> -> memref<128xi32, #tpu.memory_space<vmem>>
    %dma_wait3A_214 = arith.constant 0 : i32
    %dma_wait3A_215 = arith.constant 0 : i32
    %dma_wait3A_216 = tpu.memref_slice %arg3[%dma_wait3A_214, %dma_wait3A_215] : memref<1000000x64xf32, #tpu.memory_space<hbm>> -> memref<1000000x64xf32, #tpu.memory_space<hbm>>
    tpu.wait_indirect_dma semaphore(%arg11 : memref<!tpu.dma_semaphore, #tpu.memory_space<semaphore_mem>>) src(%dma_wait3A_216 : memref<1000000x64xf32, #tpu.memory_space<hbm>>) dst(%dma_wait3A_210 : memref<128x64xf32, #tpu.memory_space<vmem>>)
    %add3A_217 = arith.constant 512 : i32
    %add3A_218 = arith.addi %mul3A_2, %add3A_217 : i32
    %dma_start3A_219 = arith.constant 4 : i32
    %dma_start3A_220 = arith.constant 0 : i32
    %dma_start3A_221 = arith.constant 0 : i32
    %dma_start3A_222 = tpu.memref_slice %arg6[%dma_start3A_219, %dma_start3A_220, %dma_start3A_221] : memref<8x128x64xf32, #tpu.memory_space<vmem>> -> memref<1x128x64xf32, #tpu.memory_space<vmem>>
    %dma_start3A_223 = tpu.memref_squeeze %dma_start3A_222 : memref<1x128x64xf32, #tpu.memory_space<vmem>> -> memref<128x64xf32, #tpu.memory_space<vmem>>
    %dma_start3A_224 = arith.constant 0 : i32
    %dma_start3A_225 = tpu.memref_slice %arg4[%add3A_218, %dma_start3A_224] : memref<819200x64xf32, #tpu.memory_space<hbm>> -> memref<128x64xf32, #tpu.memory_space<hbm>>
    %dma_start3A_226 = arith.constant 0 : i32
    %dma_start3A_227 = tpu.memref_slice %arg4[%add3A_218, %dma_start3A_226] : memref<819200x64xf32, #tpu.memory_space<hbm>> -> memref<128x64xf32, #tpu.memory_space<hbm>>
    %dma_start3A_228 = arith.constant 0 : i32
    %dma_start3A_229 = arith.constant 0 : i32
    %dma_start3A_230 = tpu.memref_slice %arg6[%dma_start3A_219, %dma_start3A_228, %dma_start3A_229] : memref<8x128x64xf32, #tpu.memory_space<vmem>> -> memref<1x128x64xf32, #tpu.memory_space<vmem>>
    %dma_start3A_231 = tpu.memref_squeeze %dma_start3A_230 : memref<1x128x64xf32, #tpu.memory_space<vmem>> -> memref<128x64xf32, #tpu.memory_space<vmem>>
    tpu.enqueue_dma source(%dma_start3A_231 : memref<128x64xf32, #tpu.memory_space<vmem>>) target(%dma_start3A_227 : memref<128x64xf32, #tpu.memory_space<hbm>>) target_semaphore(%arg19 : memref<!tpu.dma_semaphore, #tpu.memory_space<semaphore_mem>>)
    %add3A_232 = arith.constant 0 : i32
    %add3A_233 = arith.addi %mul3A_2, %add3A_232 : i32
    %dma_wait3A_234 = arith.constant 0 : i32
    %dma_wait3A_235 = arith.constant 0 : i32
    %dma_wait3A_236 = arith.constant 0 : i32
    %dma_wait3A_237 = tpu.memref_slice %arg6[%dma_wait3A_234, %dma_wait3A_235, %dma_wait3A_236] : memref<8x128x64xf32, #tpu.memory_space<vmem>> -> memref<1x128x64xf32, #tpu.memory_space<vmem>>
    %dma_wait3A_238 = tpu.memref_squeeze %dma_wait3A_237 : memref<1x128x64xf32, #tpu.memory_space<vmem>> -> memref<128x64xf32, #tpu.memory_space<vmem>>
    %dma_wait3A_239 = arith.constant 0 : i32
    %dma_wait3A_240 = tpu.memref_slice %arg4[%add3A_233, %dma_wait3A_239] : memref<819200x64xf32, #tpu.memory_space<hbm>> -> memref<128x64xf32, #tpu.memory_space<hbm>>
    %dma_wait3A_241 = arith.constant 0 : i32
    %dma_wait3A_242 = tpu.memref_slice %arg4[%add3A_233, %dma_wait3A_241] : memref<819200x64xf32, #tpu.memory_space<hbm>> -> memref<128x64xf32, #tpu.memory_space<hbm>>
    %dma_wait3A_243 = arith.constant 0 : i32
    %dma_wait3A_244 = arith.constant 0 : i32
    %dma_wait3A_245 = tpu.memref_slice %arg6[%dma_wait3A_234, %dma_wait3A_243, %dma_wait3A_244] : memref<8x128x64xf32, #tpu.memory_space<vmem>> -> memref<1x128x64xf32, #tpu.memory_space<vmem>>
    %dma_wait3A_246 = tpu.memref_squeeze %dma_wait3A_245 : memref<1x128x64xf32, #tpu.memory_space<vmem>> -> memref<128x64xf32, #tpu.memory_space<vmem>>
    tpu.wait_dma2 semaphore(%arg15 : memref<!tpu.dma_semaphore, #tpu.memory_space<semaphore_mem>>) src(%dma_wait3A_246 : memref<128x64xf32, #tpu.memory_space<vmem>>) dst(%dma_wait3A_242 : memref<128x64xf32, #tpu.memory_space<hbm>>)
    %dma_start3A_247 = arith.constant 8 : i32
    %dma_start3A_248 = arith.constant 0 : i32
    %dma_start3A_249 = arith.constant 0 : i32
    %dma_start3A_250 = arith.constant 0 : i32
    %dma_start3A_251 = tpu.memref_slice %arg6[%dma_start3A_248, %dma_start3A_249, %dma_start3A_250] : memref<8x128x64xf32, #tpu.memory_space<vmem>> -> memref<1x128x64xf32, #tpu.memory_space<vmem>>
    %dma_start3A_252 = tpu.memref_squeeze %dma_start3A_251 : memref<1x128x64xf32, #tpu.memory_space<vmem>> -> memref<128x64xf32, #tpu.memory_space<vmem>>
    %dma_start3A_253 = arith.constant 0 : i32
    %dma_start3A_254 = tpu.memref_slice %arg5[%dma_start3A_247, %dma_start3A_253] : memref<200x128xi32, #tpu.memory_space<vmem>> -> memref<1x128xi32, #tpu.memory_space<vmem>>
    %dma_start3A_255 = tpu.memref_squeeze %dma_start3A_254 : memref<1x128xi32, #tpu.memory_space<vmem>> -> memref<128xi32, #tpu.memory_space<vmem>>
    %dma_start3A_256 = arith.constant 0 : i32
    %dma_start3A_257 = arith.constant 0 : i32
    %dma_start3A_258 = tpu.memref_slice %arg3[%dma_start3A_256, %dma_start3A_257] : memref<1000000x64xf32, #tpu.memory_space<hbm>> -> memref<1000000x64xf32, #tpu.memory_space<hbm>>
    tpu.enqueue_indirect_dma source(%dma_start3A_258 : memref<1000000x64xf32, #tpu.memory_space<hbm>>) target(%dma_start3A_252 : memref<128x64xf32, #tpu.memory_space<vmem>>) offsets(%dma_start3A_255 : memref<128xi32, #tpu.memory_space<vmem>>) semaphore(%arg7 : memref<!tpu.dma_semaphore, #tpu.memory_space<semaphore_mem>>)
    %dma_wait3A_259 = arith.constant 5 : i32
    %dma_wait3A_260 = arith.constant 5 : i32
    %dma_wait3A_261 = arith.constant 0 : i32
    %dma_wait3A_262 = arith.constant 0 : i32
    %dma_wait3A_263 = tpu.memref_slice %arg6[%dma_wait3A_260, %dma_wait3A_261, %dma_wait3A_262] : memref<8x128x64xf32, #tpu.memory_space<vmem>> -> memref<1x128x64xf32, #tpu.memory_space<vmem>>
    %dma_wait3A_264 = tpu.memref_squeeze %dma_wait3A_263 : memref<1x128x64xf32, #tpu.memory_space<vmem>> -> memref<128x64xf32, #tpu.memory_space<vmem>>
    %dma_wait3A_265 = arith.constant 0 : i32
    %dma_wait3A_266 = tpu.memref_slice %arg5[%dma_wait3A_259, %dma_wait3A_265] : memref<200x128xi32, #tpu.memory_space<vmem>> -> memref<1x128xi32, #tpu.memory_space<vmem>>
    %dma_wait3A_267 = tpu.memref_squeeze %dma_wait3A_266 : memref<1x128xi32, #tpu.memory_space<vmem>> -> memref<128xi32, #tpu.memory_space<vmem>>
    %dma_wait3A_268 = arith.constant 0 : i32
    %dma_wait3A_269 = arith.constant 0 : i32
    %dma_wait3A_270 = tpu.memref_slice %arg3[%dma_wait3A_268, %dma_wait3A_269] : memref<1000000x64xf32, #tpu.memory_space<hbm>> -> memref<1000000x64xf32, #tpu.memory_space<hbm>>
    tpu.wait_indirect_dma semaphore(%arg12 : memref<!tpu.dma_semaphore, #tpu.memory_space<semaphore_mem>>) src(%dma_wait3A_270 : memref<1000000x64xf32, #tpu.memory_space<hbm>>) dst(%dma_wait3A_264 : memref<128x64xf32, #tpu.memory_space<vmem>>)
    %add3A_271 = arith.constant 640 : i32
    %add3A_272 = arith.addi %mul3A_2, %add3A_271 : i32
    %dma_start3A_273 = arith.constant 5 : i32
    %dma_start3A_274 = arith.constant 0 : i32
    %dma_start3A_275 = arith.constant 0 : i32
    %dma_start3A_276 = tpu.memref_slice %arg6[%dma_start3A_273, %dma_start3A_274, %dma_start3A_275] : memref<8x128x64xf32, #tpu.memory_space<vmem>> -> memref<1x128x64xf32, #tpu.memory_space<vmem>>
    %dma_start3A_277 = tpu.memref_squeeze %dma_start3A_276 : memref<1x128x64xf32, #tpu.memory_space<vmem>> -> memref<128x64xf32, #tpu.memory_space<vmem>>
    %dma_start3A_278 = arith.constant 0 : i32
    %dma_start3A_279 = tpu.memref_slice %arg4[%add3A_272, %dma_start3A_278] : memref<819200x64xf32, #tpu.memory_space<hbm>> -> memref<128x64xf32, #tpu.memory_space<hbm>>
    %dma_start3A_280 = arith.constant 0 : i32
    %dma_start3A_281 = tpu.memref_slice %arg4[%add3A_272, %dma_start3A_280] : memref<819200x64xf32, #tpu.memory_space<hbm>> -> memref<128x64xf32, #tpu.memory_space<hbm>>
    %dma_start3A_282 = arith.constant 0 : i32
    %dma_start3A_283 = arith.constant 0 : i32
    %dma_start3A_284 = tpu.memref_slice %arg6[%dma_start3A_273, %dma_start3A_282, %dma_start3A_283] : memref<8x128x64xf32, #tpu.memory_space<vmem>> -> memref<1x128x64xf32, #tpu.memory_space<vmem>>
    %dma_start3A_285 = tpu.memref_squeeze %dma_start3A_284 : memref<1x128x64xf32, #tpu.memory_space<vmem>> -> memref<128x64xf32, #tpu.memory_space<vmem>>
    tpu.enqueue_dma source(%dma_start3A_285 : memref<128x64xf32, #tpu.memory_space<vmem>>) target(%dma_start3A_281 : memref<128x64xf32, #tpu.memory_space<hbm>>) target_semaphore(%arg20 : memref<!tpu.dma_semaphore, #tpu.memory_space<semaphore_mem>>)
    %add3A_286 = arith.constant 128 : i32
    %add3A_287 = arith.addi %mul3A_2, %add3A_286 : i32
    %dma_wait3A_288 = arith.constant 1 : i32
    %dma_wait3A_289 = arith.constant 0 : i32
    %dma_wait3A_290 = arith.constant 0 : i32
    %dma_wait3A_291 = tpu.memref_slice %arg6[%dma_wait3A_288, %dma_wait3A_289, %dma_wait3A_290] : memref<8x128x64xf32, #tpu.memory_space<vmem>> -> memref<1x128x64xf32, #tpu.memory_space<vmem>>
    %dma_wait3A_292 = tpu.memref_squeeze %dma_wait3A_291 : memref<1x128x64xf32, #tpu.memory_space<vmem>> -> memref<128x64xf32, #tpu.memory_space<vmem>>
    %dma_wait3A_293 = arith.constant 0 : i32
    %dma_wait3A_294 = tpu.memref_slice %arg4[%add3A_287, %dma_wait3A_293] : memref<819200x64xf32, #tpu.memory_space<hbm>> -> memref<128x64xf32, #tpu.memory_space<hbm>>
    %dma_wait3A_295 = arith.constant 0 : i32
    %dma_wait3A_296 = tpu.memref_slice %arg4[%add3A_287, %dma_wait3A_295] : memref<819200x64xf32, #tpu.memory_space<hbm>> -> memref<128x64xf32, #tpu.memory_space<hbm>>
    %dma_wait3A_297 = arith.constant 0 : i32
    %dma_wait3A_298 = arith.constant 0 : i32
    %dma_wait3A_299 = tpu.memref_slice %arg6[%dma_wait3A_288, %dma_wait3A_297, %dma_wait3A_298] : memref<8x128x64xf32, #tpu.memory_space<vmem>> -> memref<1x128x64xf32, #tpu.memory_space<vmem>>
    %dma_wait3A_300 = tpu.memref_squeeze %dma_wait3A_299 : memref<1x128x64xf32, #tpu.memory_space<vmem>> -> memref<128x64xf32, #tpu.memory_space<vmem>>
    tpu.wait_dma2 semaphore(%arg16 : memref<!tpu.dma_semaphore, #tpu.memory_space<semaphore_mem>>) src(%dma_wait3A_300 : memref<128x64xf32, #tpu.memory_space<vmem>>) dst(%dma_wait3A_296 : memref<128x64xf32, #tpu.memory_space<hbm>>)
    %dma_start3A_301 = arith.constant 9 : i32
    %dma_start3A_302 = arith.constant 1 : i32
    %dma_start3A_303 = arith.constant 0 : i32
    %dma_start3A_304 = arith.constant 0 : i32
    %dma_start3A_305 = tpu.memref_slice %arg6[%dma_start3A_302, %dma_start3A_303, %dma_start3A_304] : memref<8x128x64xf32, #tpu.memory_space<vmem>> -> memref<1x128x64xf32, #tpu.memory_space<vmem>>
    %dma_start3A_306 = tpu.memref_squeeze %dma_start3A_305 : memref<1x128x64xf32, #tpu.memory_space<vmem>> -> memref<128x64xf32, #tpu.memory_space<vmem>>
    %dma_start3A_307 = arith.constant 0 : i32
    %dma_start3A_308 = tpu.memref_slice %arg5[%dma_start3A_301, %dma_start3A_307] : memref<200x128xi32, #tpu.memory_space<vmem>> -> memref<1x128xi32, #tpu.memory_space<vmem>>
    %dma_start3A_309 = tpu.memref_squeeze %dma_start3A_308 : memref<1x128xi32, #tpu.memory_space<vmem>> -> memref<128xi32, #tpu.memory_space<vmem>>
    %dma_start3A_310 = arith.constant 0 : i32
    %dma_start3A_311 = arith.constant 0 : i32
    %dma_start3A_312 = tpu.memref_slice %arg3[%dma_start3A_310, %dma_start3A_311] : memref<1000000x64xf32, #tpu.memory_space<hbm>> -> memref<1000000x64xf32, #tpu.memory_space<hbm>>
    tpu.enqueue_indirect_dma source(%dma_start3A_312 : memref<1000000x64xf32, #tpu.memory_space<hbm>>) target(%dma_start3A_306 : memref<128x64xf32, #tpu.memory_space<vmem>>) offsets(%dma_start3A_309 : memref<128xi32, #tpu.memory_space<vmem>>) semaphore(%arg8 : memref<!tpu.dma_semaphore, #tpu.memory_space<semaphore_mem>>)
    %dma_wait3A_313 = arith.constant 6 : i32
    %dma_wait3A_314 = arith.constant 6 : i32
    %dma_wait3A_315 = arith.constant 0 : i32
    %dma_wait3A_316 = arith.constant 0 : i32
    %dma_wait3A_317 = tpu.memref_slice %arg6[%dma_wait3A_314, %dma_wait3A_315, %dma_wait3A_316] : memref<8x128x64xf32, #tpu.memory_space<vmem>> -> memref<1x128x64xf32, #tpu.memory_space<vmem>>
    %dma_wait3A_318 = tpu.memref_squeeze %dma_wait3A_317 : memref<1x128x64xf32, #tpu.memory_space<vmem>> -> memref<128x64xf32, #tpu.memory_space<vmem>>
    %dma_wait3A_319 = arith.constant 0 : i32
    %dma_wait3A_320 = tpu.memref_slice %arg5[%dma_wait3A_313, %dma_wait3A_319] : memref<200x128xi32, #tpu.memory_space<vmem>> -> memref<1x128xi32, #tpu.memory_space<vmem>>
    %dma_wait3A_321 = tpu.memref_squeeze %dma_wait3A_320 : memref<1x128xi32, #tpu.memory_space<vmem>> -> memref<128xi32, #tpu.memory_space<vmem>>
    %dma_wait3A_322 = arith.constant 0 : i32
    %dma_wait3A_323 = arith.constant 0 : i32
    %dma_wait3A_324 = tpu.memref_slice %arg3[%dma_wait3A_322, %dma_wait3A_323] : memref<1000000x64xf32, #tpu.memory_space<hbm>> -> memref<1000000x64xf32, #tpu.memory_space<hbm>>
    tpu.wait_indirect_dma semaphore(%arg13 : memref<!tpu.dma_semaphore, #tpu.memory_space<semaphore_mem>>) src(%dma_wait3A_324 : memref<1000000x64xf32, #tpu.memory_space<hbm>>) dst(%dma_wait3A_318 : memref<128x64xf32, #tpu.memory_space<vmem>>)
    %add3A_325 = arith.constant 768 : i32
    %add3A_326 = arith.addi %mul3A_2, %add3A_325 : i32
    %dma_start3A_327 = arith.constant 6 : i32
    %dma_start3A_328 = arith.constant 0 : i32
    %dma_start3A_329 = arith.constant 0 : i32
    %dma_start3A_330 = tpu.memref_slice %arg6[%dma_start3A_327, %dma_start3A_328, %dma_start3A_329] : memref<8x128x64xf32, #tpu.memory_space<vmem>> -> memref<1x128x64xf32, #tpu.memory_space<vmem>>
    %dma_start3A_331 = tpu.memref_squeeze %dma_start3A_330 : memref<1x128x64xf32, #tpu.memory_space<vmem>> -> memref<128x64xf32, #tpu.memory_space<vmem>>
    %dma_start3A_332 = arith.constant 0 : i32
    %dma_start3A_333 = tpu.memref_slice %arg4[%add3A_326, %dma_start3A_332] : memref<819200x64xf32, #tpu.memory_space<hbm>> -> memref<128x64xf32, #tpu.memory_space<hbm>>
    %dma_start3A_334 = arith.constant 0 : i32
    %dma_start3A_335 = tpu.memref_slice %arg4[%add3A_326, %dma_start3A_334] : memref<819200x64xf32, #tpu.memory_space<hbm>> -> memref<128x64xf32, #tpu.memory_space<hbm>>
    %dma_start3A_336 = arith.constant 0 : i32
    %dma_start3A_337 = arith.constant 0 : i32
    %dma_start3A_338 = tpu.memref_slice %arg6[%dma_start3A_327, %dma_start3A_336, %dma_start3A_337] : memref<8x128x64xf32, #tpu.memory_space<vmem>> -> memref<1x128x64xf32, #tpu.memory_space<vmem>>
    %dma_start3A_339 = tpu.memref_squeeze %dma_start3A_338 : memref<1x128x64xf32, #tpu.memory_space<vmem>> -> memref<128x64xf32, #tpu.memory_space<vmem>>
    tpu.enqueue_dma source(%dma_start3A_339 : memref<128x64xf32, #tpu.memory_space<vmem>>) target(%dma_start3A_335 : memref<128x64xf32, #tpu.memory_space<hbm>>) target_semaphore(%arg21 : memref<!tpu.dma_semaphore, #tpu.memory_space<semaphore_mem>>)
    %add3A_340 = arith.constant 256 : i32
    %add3A_341 = arith.addi %mul3A_2, %add3A_340 : i32
    %dma_wait3A_342 = arith.constant 2 : i32
    %dma_wait3A_343 = arith.constant 0 : i32
    %dma_wait3A_344 = arith.constant 0 : i32
    %dma_wait3A_345 = tpu.memref_slice %arg6[%dma_wait3A_342, %dma_wait3A_343, %dma_wait3A_344] : memref<8x128x64xf32, #tpu.memory_space<vmem>> -> memref<1x128x64xf32, #tpu.memory_space<vmem>>
    %dma_wait3A_346 = tpu.memref_squeeze %dma_wait3A_345 : memref<1x128x64xf32, #tpu.memory_space<vmem>> -> memref<128x64xf32, #tpu.memory_space<vmem>>
    %dma_wait3A_347 = arith.constant 0 : i32
    %dma_wait3A_348 = tpu.memref_slice %arg4[%add3A_341, %dma_wait3A_347] : memref<819200x64xf32, #tpu.memory_space<hbm>> -> memref<128x64xf32, #tpu.memory_space<hbm>>
    %dma_wait3A_349 = arith.constant 0 : i32
    %dma_wait3A_350 = tpu.memref_slice %arg4[%add3A_341, %dma_wait3A_349] : memref<819200x64xf32, #tpu.memory_space<hbm>> -> memref<128x64xf32, #tpu.memory_space<hbm>>
    %dma_wait3A_351 = arith.constant 0 : i32
    %dma_wait3A_352 = arith.constant 0 : i32
    %dma_wait3A_353 = tpu.memref_slice %arg6[%dma_wait3A_342, %dma_wait3A_351, %dma_wait3A_352] : memref<8x128x64xf32, #tpu.memory_space<vmem>> -> memref<1x128x64xf32, #tpu.memory_space<vmem>>
    %dma_wait3A_354 = tpu.memref_squeeze %dma_wait3A_353 : memref<1x128x64xf32, #tpu.memory_space<vmem>> -> memref<128x64xf32, #tpu.memory_space<vmem>>
    tpu.wait_dma2 semaphore(%arg17 : memref<!tpu.dma_semaphore, #tpu.memory_space<semaphore_mem>>) src(%dma_wait3A_354 : memref<128x64xf32, #tpu.memory_space<vmem>>) dst(%dma_wait3A_350 : memref<128x64xf32, #tpu.memory_space<hbm>>)
    %dma_start3A_355 = arith.constant 10 : i32
    %dma_start3A_356 = arith.constant 2 : i32
    %dma_start3A_357 = arith.constant 0 : i32
    %dma_start3A_358 = arith.constant 0 : i32
    %dma_start3A_359 = tpu.memref_slice %arg6[%dma_start3A_356, %dma_start3A_357, %dma_start3A_358] : memref<8x128x64xf32, #tpu.memory_space<vmem>> -> memref<1x128x64xf32, #tpu.memory_space<vmem>>
    %dma_start3A_360 = tpu.memref_squeeze %dma_start3A_359 : memref<1x128x64xf32, #tpu.memory_space<vmem>> -> memref<128x64xf32, #tpu.memory_space<vmem>>
    %dma_start3A_361 = arith.constant 0 : i32
    %dma_start3A_362 = tpu.memref_slice %arg5[%dma_start3A_355, %dma_start3A_361] : memref<200x128xi32, #tpu.memory_space<vmem>> -> memref<1x128xi32, #tpu.memory_space<vmem>>
    %dma_start3A_363 = tpu.memref_squeeze %dma_start3A_362 : memref<1x128xi32, #tpu.memory_space<vmem>> -> memref<128xi32, #tpu.memory_space<vmem>>
    %dma_start3A_364 = arith.constant 0 : i32
    %dma_start3A_365 = arith.constant 0 : i32
    %dma_start3A_366 = tpu.memref_slice %arg3[%dma_start3A_364, %dma_start3A_365] : memref<1000000x64xf32, #tpu.memory_space<hbm>> -> memref<1000000x64xf32, #tpu.memory_space<hbm>>
    tpu.enqueue_indirect_dma source(%dma_start3A_366 : memref<1000000x64xf32, #tpu.memory_space<hbm>>) target(%dma_start3A_360 : memref<128x64xf32, #tpu.memory_space<vmem>>) offsets(%dma_start3A_363 : memref<128xi32, #tpu.memory_space<vmem>>) semaphore(%arg9 : memref<!tpu.dma_semaphore, #tpu.memory_space<semaphore_mem>>)
    %dma_wait3A_367 = arith.constant 7 : i32
    %dma_wait3A_368 = arith.constant 7 : i32
    %dma_wait3A_369 = arith.constant 0 : i32
    %dma_wait3A_370 = arith.constant 0 : i32
    %dma_wait3A_371 = tpu.memref_slice %arg6[%dma_wait3A_368, %dma_wait3A_369, %dma_wait3A_370] : memref<8x128x64xf32, #tpu.memory_space<vmem>> -> memref<1x128x64xf32, #tpu.memory_space<vmem>>
    %dma_wait3A_372 = tpu.memref_squeeze %dma_wait3A_371 : memref<1x128x64xf32, #tpu.memory_space<vmem>> -> memref<128x64xf32, #tpu.memory_space<vmem>>
    %dma_wait3A_373 = arith.constant 0 : i32
    %dma_wait3A_374 = tpu.memref_slice %arg5[%dma_wait3A_367, %dma_wait3A_373] : memref<200x128xi32, #tpu.memory_space<vmem>> -> memref<1x128xi32, #tpu.memory_space<vmem>>
    %dma_wait3A_375 = tpu.memref_squeeze %dma_wait3A_374 : memref<1x128xi32, #tpu.memory_space<vmem>> -> memref<128xi32, #tpu.memory_space<vmem>>
    %dma_wait3A_376 = arith.constant 0 : i32
    %dma_wait3A_377 = arith.constant 0 : i32
    %dma_wait3A_378 = tpu.memref_slice %arg3[%dma_wait3A_376, %dma_wait3A_377] : memref<1000000x64xf32, #tpu.memory_space<hbm>> -> memref<1000000x64xf32, #tpu.memory_space<hbm>>
    tpu.wait_indirect_dma semaphore(%arg14 : memref<!tpu.dma_semaphore, #tpu.memory_space<semaphore_mem>>) src(%dma_wait3A_378 : memref<1000000x64xf32, #tpu.memory_space<hbm>>) dst(%dma_wait3A_372 : memref<128x64xf32, #tpu.memory_space<vmem>>)
    %add3A_379 = arith.constant 896 : i32
    %add3A_380 = arith.addi %mul3A_2, %add3A_379 : i32
    %dma_start3A_381 = arith.constant 7 : i32
    %dma_start3A_382 = arith.constant 0 : i32
    %dma_start3A_383 = arith.constant 0 : i32
    %dma_start3A_384 = tpu.memref_slice %arg6[%dma_start3A_381, %dma_start3A_382, %dma_start3A_383] : memref<8x128x64xf32, #tpu.memory_space<vmem>> -> memref<1x128x64xf32, #tpu.memory_space<vmem>>
    %dma_start3A_385 = tpu.memref_squeeze %dma_start3A_384 : memref<1x128x64xf32, #tpu.memory_space<vmem>> -> memref<128x64xf32, #tpu.memory_space<vmem>>
    %dma_start3A_386 = arith.constant 0 : i32
    %dma_start3A_387 = tpu.memref_slice %arg4[%add3A_380, %dma_start3A_386] : memref<819200x64xf32, #tpu.memory_space<hbm>> -> memref<128x64xf32, #tpu.memory_space<hbm>>
    %dma_start3A_388 = arith.constant 0 : i32
    %dma_start3A_389 = tpu.memref_slice %arg4[%add3A_380, %dma_start3A_388] : memref<819200x64xf32, #tpu.memory_space<hbm>> -> memref<128x64xf32, #tpu.memory_space<hbm>>
    %dma_start3A_390 = arith.constant 0 : i32
    %dma_start3A_391 = arith.constant 0 : i32
    %dma_start3A_392 = tpu.memref_slice %arg6[%dma_start3A_381, %dma_start3A_390, %dma_start3A_391] : memref<8x128x64xf32, #tpu.memory_space<vmem>> -> memref<1x128x64xf32, #tpu.memory_space<vmem>>
    %dma_start3A_393 = tpu.memref_squeeze %dma_start3A_392 : memref<1x128x64xf32, #tpu.memory_space<vmem>> -> memref<128x64xf32, #tpu.memory_space<vmem>>
    tpu.enqueue_dma source(%dma_start3A_393 : memref<128x64xf32, #tpu.memory_space<vmem>>) target(%dma_start3A_389 : memref<128x64xf32, #tpu.memory_space<hbm>>) target_semaphore(%arg22 : memref<!tpu.dma_semaphore, #tpu.memory_space<semaphore_mem>>)
    %add3A_394 = arith.constant 384 : i32
    %add3A_395 = arith.addi %mul3A_2, %add3A_394 : i32
    %dma_wait3A_396 = arith.constant 3 : i32
    %dma_wait3A_397 = arith.constant 0 : i32
    %dma_wait3A_398 = arith.constant 0 : i32
    %dma_wait3A_399 = tpu.memref_slice %arg6[%dma_wait3A_396, %dma_wait3A_397, %dma_wait3A_398] : memref<8x128x64xf32, #tpu.memory_space<vmem>> -> memref<1x128x64xf32, #tpu.memory_space<vmem>>
    %dma_wait3A_400 = tpu.memref_squeeze %dma_wait3A_399 : memref<1x128x64xf32, #tpu.memory_space<vmem>> -> memref<128x64xf32, #tpu.memory_space<vmem>>
    %dma_wait3A_401 = arith.constant 0 : i32
    %dma_wait3A_402 = tpu.memref_slice %arg4[%add3A_395, %dma_wait3A_401] : memref<819200x64xf32, #tpu.memory_space<hbm>> -> memref<128x64xf32, #tpu.memory_space<hbm>>
    %dma_wait3A_403 = arith.constant 0 : i32
    %dma_wait3A_404 = tpu.memref_slice %arg4[%add3A_395, %dma_wait3A_403] : memref<819200x64xf32, #tpu.memory_space<hbm>> -> memref<128x64xf32, #tpu.memory_space<hbm>>
    %dma_wait3A_405 = arith.constant 0 : i32
    %dma_wait3A_406 = arith.constant 0 : i32
    %dma_wait3A_407 = tpu.memref_slice %arg6[%dma_wait3A_396, %dma_wait3A_405, %dma_wait3A_406] : memref<8x128x64xf32, #tpu.memory_space<vmem>> -> memref<1x128x64xf32, #tpu.memory_space<vmem>>
    %dma_wait3A_408 = tpu.memref_squeeze %dma_wait3A_407 : memref<1x128x64xf32, #tpu.memory_space<vmem>> -> memref<128x64xf32, #tpu.memory_space<vmem>>
    tpu.wait_dma2 semaphore(%arg18 : memref<!tpu.dma_semaphore, #tpu.memory_space<semaphore_mem>>) src(%dma_wait3A_408 : memref<128x64xf32, #tpu.memory_space<vmem>>) dst(%dma_wait3A_404 : memref<128x64xf32, #tpu.memory_space<hbm>>)
    %dma_start3A_409 = arith.constant 11 : i32
    %dma_start3A_410 = arith.constant 3 : i32
    %dma_start3A_411 = arith.constant 0 : i32
    %dma_start3A_412 = arith.constant 0 : i32
    %dma_start3A_413 = tpu.memref_slice %arg6[%dma_start3A_410, %dma_start3A_411, %dma_start3A_412] : memref<8x128x64xf32, #tpu.memory_space<vmem>> -> memref<1x128x64xf32, #tpu.memory_space<vmem>>
    %dma_start3A_414 = tpu.memref_squeeze %dma_start3A_413 : memref<1x128x64xf32, #tpu.memory_space<vmem>> -> memref<128x64xf32, #tpu.memory_space<vmem>>
    %dma_start3A_415 = arith.constant 0 : i32
    %dma_start3A_416 = tpu.memref_slice %arg5[%dma_start3A_409, %dma_start3A_415] : memref<200x128xi32, #tpu.memory_space<vmem>> -> memref<1x128xi32, #tpu.memory_space<vmem>>
    %dma_start3A_417 = tpu.memref_squeeze %dma_start3A_416 : memref<1x128xi32, #tpu.memory_space<vmem>> -> memref<128xi32, #tpu.memory_space<vmem>>
    %dma_start3A_418 = arith.constant 0 : i32
    %dma_start3A_419 = arith.constant 0 : i32
    %dma_start3A_420 = tpu.memref_slice %arg3[%dma_start3A_418, %dma_start3A_419] : memref<1000000x64xf32, #tpu.memory_space<hbm>> -> memref<1000000x64xf32, #tpu.memory_space<hbm>>
    tpu.enqueue_indirect_dma source(%dma_start3A_420 : memref<1000000x64xf32, #tpu.memory_space<hbm>>) target(%dma_start3A_414 : memref<128x64xf32, #tpu.memory_space<vmem>>) offsets(%dma_start3A_417 : memref<128xi32, #tpu.memory_space<vmem>>) semaphore(%arg10 : memref<!tpu.dma_semaphore, #tpu.memory_space<semaphore_mem>>)
    %scan3A = arith.constant 0 : i32
    %scan3A_421 = arith.constant 1 : i32
    %scan3A_422 = arith.constant 23 : i32
    %scan3A_423 = arith.addi %scan3A_421, %scan3A_422 : i32
    %scan3A_424 = arith.constant 1 : i32
    scf.for %scan3A_870 = %scan3A_421 to %scan3A_423 step %scan3A_424  : i32 {
      %mul3A_871 = arith.constant 8 : i32
      %mul3A_872 = arith.muli %scan3A_870, %mul3A_871 : i32
      %add3A_873 = arith.constant 0 : i32
      %add3A_874 = arith.addi %mul3A_872, %add3A_873 : i32
      %dma_wait3A_875 = arith.constant 0 : i32
      %dma_wait3A_876 = arith.constant 0 : i32
      %dma_wait3A_877 = arith.constant 0 : i32
      %dma_wait3A_878 = tpu.memref_slice %arg6[%dma_wait3A_875, %dma_wait3A_876, %dma_wait3A_877] : memref<8x128x64xf32, #tpu.memory_space<vmem>> -> memref<1x128x64xf32, #tpu.memory_space<vmem>>
      %dma_wait3A_879 = tpu.memref_squeeze %dma_wait3A_878 : memref<1x128x64xf32, #tpu.memory_space<vmem>> -> memref<128x64xf32, #tpu.memory_space<vmem>>
      %dma_wait3A_880 = arith.constant 0 : i32
      %dma_wait3A_881 = tpu.memref_slice %arg5[%add3A_874, %dma_wait3A_880] : memref<200x128xi32, #tpu.memory_space<vmem>> -> memref<1x128xi32, #tpu.memory_space<vmem>>
      %dma_wait3A_882 = tpu.memref_squeeze %dma_wait3A_881 : memref<1x128xi32, #tpu.memory_space<vmem>> -> memref<128xi32, #tpu.memory_space<vmem>>
      %dma_wait3A_883 = arith.constant 0 : i32
      %dma_wait3A_884 = arith.constant 0 : i32
      %dma_wait3A_885 = tpu.memref_slice %arg3[%dma_wait3A_883, %dma_wait3A_884] : memref<1000000x64xf32, #tpu.memory_space<hbm>> -> memref<1000000x64xf32, #tpu.memory_space<hbm>>
      tpu.wait_indirect_dma semaphore(%arg7 : memref<!tpu.dma_semaphore, #tpu.memory_space<semaphore_mem>>) src(%dma_wait3A_885 : memref<1000000x64xf32, #tpu.memory_space<hbm>>) dst(%dma_wait3A_879 : memref<128x64xf32, #tpu.memory_space<vmem>>)
      %mul3A_886 = arith.constant 128 : i32
      %mul3A_887 = arith.muli %add3A_874, %mul3A_886 : i32
      %add3A_888 = arith.addi %mul3A_2, %mul3A_887 : i32
      %dma_start3A_889 = arith.constant 0 : i32
      %dma_start3A_890 = arith.constant 0 : i32
      %dma_start3A_891 = arith.constant 0 : i32
      %dma_start3A_892 = tpu.memref_slice %arg6[%dma_start3A_889, %dma_start3A_890, %dma_start3A_891] : memref<8x128x64xf32, #tpu.memory_space<vmem>> -> memref<1x128x64xf32, #tpu.memory_space<vmem>>
      %dma_start3A_893 = tpu.memref_squeeze %dma_start3A_892 : memref<1x128x64xf32, #tpu.memory_space<vmem>> -> memref<128x64xf32, #tpu.memory_space<vmem>>
      %dma_start3A_894 = arith.constant 0 : i32
      %dma_start3A_895 = tpu.memref_slice %arg4[%add3A_888, %dma_start3A_894] : memref<819200x64xf32, #tpu.memory_space<hbm>> -> memref<128x64xf32, #tpu.memory_space<hbm>>
      %dma_start3A_896 = arith.constant 0 : i32
      %dma_start3A_897 = tpu.memref_slice %arg4[%add3A_888, %dma_start3A_896] : memref<819200x64xf32, #tpu.memory_space<hbm>> -> memref<128x64xf32, #tpu.memory_space<hbm>>
      %dma_start3A_898 = arith.constant 0 : i32
      %dma_start3A_899 = arith.constant 0 : i32
      %dma_start3A_900 = tpu.memref_slice %arg6[%dma_start3A_889, %dma_start3A_898, %dma_start3A_899] : memref<8x128x64xf32, #tpu.memory_space<vmem>> -> memref<1x128x64xf32, #tpu.memory_space<vmem>>
      %dma_start3A_901 = tpu.memref_squeeze %dma_start3A_900 : memref<1x128x64xf32, #tpu.memory_space<vmem>> -> memref<128x64xf32, #tpu.memory_space<vmem>>
      tpu.enqueue_dma source(%dma_start3A_901 : memref<128x64xf32, #tpu.memory_space<vmem>>) target(%dma_start3A_897 : memref<128x64xf32, #tpu.memory_space<hbm>>) target_semaphore(%arg15 : memref<!tpu.dma_semaphore, #tpu.memory_space<semaphore_mem>>)
      %sub3A = arith.constant 4 : i32
      %sub3A_902 = arith.subi %add3A_874, %sub3A : i32
      %mul3A_903 = arith.constant 128 : i32
      %mul3A_904 = arith.muli %sub3A_902, %mul3A_903 : i32
      %add3A_905 = arith.addi %mul3A_2, %mul3A_904 : i32
      %dma_wait3A_906 = arith.constant 4 : i32
      %dma_wait3A_907 = arith.constant 0 : i32
      %dma_wait3A_908 = arith.constant 0 : i32
      %dma_wait3A_909 = tpu.memref_slice %arg6[%dma_wait3A_906, %dma_wait3A_907, %dma_wait3A_908] : memref<8x128x64xf32, #tpu.memory_space<vmem>> -> memref<1x128x64xf32, #tpu.memory_space<vmem>>
      %dma_wait3A_910 = tpu.memref_squeeze %dma_wait3A_909 : memref<1x128x64xf32, #tpu.memory_space<vmem>> -> memref<128x64xf32, #tpu.memory_space<vmem>>
      %dma_wait3A_911 = arith.constant 0 : i32
      %dma_wait3A_912 = tpu.memref_slice %arg4[%add3A_905, %dma_wait3A_911] : memref<819200x64xf32, #tpu.memory_space<hbm>> -> memref<128x64xf32, #tpu.memory_space<hbm>>
      %dma_wait3A_913 = arith.constant 0 : i32
      %dma_wait3A_914 = tpu.memref_slice %arg4[%add3A_905, %dma_wait3A_913] : memref<819200x64xf32, #tpu.memory_space<hbm>> -> memref<128x64xf32, #tpu.memory_space<hbm>>
      %dma_wait3A_915 = arith.constant 0 : i32
      %dma_wait3A_916 = arith.constant 0 : i32
      %dma_wait3A_917 = tpu.memref_slice %arg6[%dma_wait3A_906, %dma_wait3A_915, %dma_wait3A_916] : memref<8x128x64xf32, #tpu.memory_space<vmem>> -> memref<1x128x64xf32, #tpu.memory_space<vmem>>
      %dma_wait3A_918 = tpu.memref_squeeze %dma_wait3A_917 : memref<1x128x64xf32, #tpu.memory_space<vmem>> -> memref<128x64xf32, #tpu.memory_space<vmem>>
      tpu.wait_dma2 semaphore(%arg19 : memref<!tpu.dma_semaphore, #tpu.memory_space<semaphore_mem>>) src(%dma_wait3A_918 : memref<128x64xf32, #tpu.memory_space<vmem>>) dst(%dma_wait3A_914 : memref<128x64xf32, #tpu.memory_space<hbm>>)
      %add3A_919 = arith.constant 4 : i32
      %add3A_920 = arith.addi %add3A_874, %add3A_919 : i32
      %dma_start3A_921 = arith.constant 4 : i32
      %dma_start3A_922 = arith.constant 0 : i32
      %dma_start3A_923 = arith.constant 0 : i32
      %dma_start3A_924 = tpu.memref_slice %arg6[%dma_start3A_921, %dma_start3A_922, %dma_start3A_923] : memref<8x128x64xf32, #tpu.memory_space<vmem>> -> memref<1x128x64xf32, #tpu.memory_space<vmem>>
      %dma_start3A_925 = tpu.memref_squeeze %dma_start3A_924 : memref<1x128x64xf32, #tpu.memory_space<vmem>> -> memref<128x64xf32, #tpu.memory_space<vmem>>
      %dma_start3A_926 = arith.constant 0 : i32
      %dma_start3A_927 = tpu.memref_slice %arg5[%add3A_920, %dma_start3A_926] : memref<200x128xi32, #tpu.memory_space<vmem>> -> memref<1x128xi32, #tpu.memory_space<vmem>>
      %dma_start3A_928 = tpu.memref_squeeze %dma_start3A_927 : memref<1x128xi32, #tpu.memory_space<vmem>> -> memref<128xi32, #tpu.memory_space<vmem>>
      %dma_start3A_929 = arith.constant 0 : i32
      %dma_start3A_930 = arith.constant 0 : i32
      %dma_start3A_931 = tpu.memref_slice %arg3[%dma_start3A_929, %dma_start3A_930] : memref<1000000x64xf32, #tpu.memory_space<hbm>> -> memref<1000000x64xf32, #tpu.memory_space<hbm>>
      tpu.enqueue_indirect_dma source(%dma_start3A_931 : memref<1000000x64xf32, #tpu.memory_space<hbm>>) target(%dma_start3A_925 : memref<128x64xf32, #tpu.memory_space<vmem>>) offsets(%dma_start3A_928 : memref<128xi32, #tpu.memory_space<vmem>>) semaphore(%arg11 : memref<!tpu.dma_semaphore, #tpu.memory_space<semaphore_mem>>)
      %add3A_932 = arith.constant 1 : i32
      %add3A_933 = arith.addi %mul3A_872, %add3A_932 : i32
      %dma_wait3A_934 = arith.constant 1 : i32
      %dma_wait3A_935 = arith.constant 0 : i32
      %dma_wait3A_936 = arith.constant 0 : i32
      %dma_wait3A_937 = tpu.memref_slice %arg6[%dma_wait3A_934, %dma_wait3A_935, %dma_wait3A_936] : memref<8x128x64xf32, #tpu.memory_space<vmem>> -> memref<1x128x64xf32, #tpu.memory_space<vmem>>
      %dma_wait3A_938 = tpu.memref_squeeze %dma_wait3A_937 : memref<1x128x64xf32, #tpu.memory_space<vmem>> -> memref<128x64xf32, #tpu.memory_space<vmem>>
      %dma_wait3A_939 = arith.constant 0 : i32
      %dma_wait3A_940 = tpu.memref_slice %arg5[%add3A_933, %dma_wait3A_939] : memref<200x128xi32, #tpu.memory_space<vmem>> -> memref<1x128xi32, #tpu.memory_space<vmem>>
      %dma_wait3A_941 = tpu.memref_squeeze %dma_wait3A_940 : memref<1x128xi32, #tpu.memory_space<vmem>> -> memref<128xi32, #tpu.memory_space<vmem>>
      %dma_wait3A_942 = arith.constant 0 : i32
      %dma_wait3A_943 = arith.constant 0 : i32
      %dma_wait3A_944 = tpu.memref_slice %arg3[%dma_wait3A_942, %dma_wait3A_943] : memref<1000000x64xf32, #tpu.memory_space<hbm>> -> memref<1000000x64xf32, #tpu.memory_space<hbm>>
      tpu.wait_indirect_dma semaphore(%arg8 : memref<!tpu.dma_semaphore, #tpu.memory_space<semaphore_mem>>) src(%dma_wait3A_944 : memref<1000000x64xf32, #tpu.memory_space<hbm>>) dst(%dma_wait3A_938 : memref<128x64xf32, #tpu.memory_space<vmem>>)
      %mul3A_945 = arith.constant 128 : i32
      %mul3A_946 = arith.muli %add3A_933, %mul3A_945 : i32
      %add3A_947 = arith.addi %mul3A_2, %mul3A_946 : i32
      %dma_start3A_948 = arith.constant 1 : i32
      %dma_start3A_949 = arith.constant 0 : i32
      %dma_start3A_950 = arith.constant 0 : i32
      %dma_start3A_951 = tpu.memref_slice %arg6[%dma_start3A_948, %dma_start3A_949, %dma_start3A_950] : memref<8x128x64xf32, #tpu.memory_space<vmem>> -> memref<1x128x64xf32, #tpu.memory_space<vmem>>
      %dma_start3A_952 = tpu.memref_squeeze %dma_start3A_951 : memref<1x128x64xf32, #tpu.memory_space<vmem>> -> memref<128x64xf32, #tpu.memory_space<vmem>>
      %dma_start3A_953 = arith.constant 0 : i32
      %dma_start3A_954 = tpu.memref_slice %arg4[%add3A_947, %dma_start3A_953] : memref<819200x64xf32, #tpu.memory_space<hbm>> -> memref<128x64xf32, #tpu.memory_space<hbm>>
      %dma_start3A_955 = arith.constant 0 : i32
      %dma_start3A_956 = tpu.memref_slice %arg4[%add3A_947, %dma_start3A_955] : memref<819200x64xf32, #tpu.memory_space<hbm>> -> memref<128x64xf32, #tpu.memory_space<hbm>>
      %dma_start3A_957 = arith.constant 0 : i32
      %dma_start3A_958 = arith.constant 0 : i32
      %dma_start3A_959 = tpu.memref_slice %arg6[%dma_start3A_948, %dma_start3A_957, %dma_start3A_958] : memref<8x128x64xf32, #tpu.memory_space<vmem>> -> memref<1x128x64xf32, #tpu.memory_space<vmem>>
      %dma_start3A_960 = tpu.memref_squeeze %dma_start3A_959 : memref<1x128x64xf32, #tpu.memory_space<vmem>> -> memref<128x64xf32, #tpu.memory_space<vmem>>
      tpu.enqueue_dma source(%dma_start3A_960 : memref<128x64xf32, #tpu.memory_space<vmem>>) target(%dma_start3A_956 : memref<128x64xf32, #tpu.memory_space<hbm>>) target_semaphore(%arg16 : memref<!tpu.dma_semaphore, #tpu.memory_space<semaphore_mem>>)
      %sub3A_961 = arith.constant 4 : i32
      %sub3A_962 = arith.subi %add3A_933, %sub3A_961 : i32
      %mul3A_963 = arith.constant 128 : i32
      %mul3A_964 = arith.muli %sub3A_962, %mul3A_963 : i32
      %add3A_965 = arith.addi %mul3A_2, %mul3A_964 : i32
      %dma_wait3A_966 = arith.constant 5 : i32
      %dma_wait3A_967 = arith.constant 0 : i32
      %dma_wait3A_968 = arith.constant 0 : i32
      %dma_wait3A_969 = tpu.memref_slice %arg6[%dma_wait3A_966, %dma_wait3A_967, %dma_wait3A_968] : memref<8x128x64xf32, #tpu.memory_space<vmem>> -> memref<1x128x64xf32, #tpu.memory_space<vmem>>
      %dma_wait3A_970 = tpu.memref_squeeze %dma_wait3A_969 : memref<1x128x64xf32, #tpu.memory_space<vmem>> -> memref<128x64xf32, #tpu.memory_space<vmem>>
      %dma_wait3A_971 = arith.constant 0 : i32
      %dma_wait3A_972 = tpu.memref_slice %arg4[%add3A_965, %dma_wait3A_971] : memref<819200x64xf32, #tpu.memory_space<hbm>> -> memref<128x64xf32, #tpu.memory_space<hbm>>
      %dma_wait3A_973 = arith.constant 0 : i32
      %dma_wait3A_974 = tpu.memref_slice %arg4[%add3A_965, %dma_wait3A_973] : memref<819200x64xf32, #tpu.memory_space<hbm>> -> memref<128x64xf32, #tpu.memory_space<hbm>>
      %dma_wait3A_975 = arith.constant 0 : i32
      %dma_wait3A_976 = arith.constant 0 : i32
      %dma_wait3A_977 = tpu.memref_slice %arg6[%dma_wait3A_966, %dma_wait3A_975, %dma_wait3A_976] : memref<8x128x64xf32, #tpu.memory_space<vmem>> -> memref<1x128x64xf32, #tpu.memory_space<vmem>>
      %dma_wait3A_978 = tpu.memref_squeeze %dma_wait3A_977 : memref<1x128x64xf32, #tpu.memory_space<vmem>> -> memref<128x64xf32, #tpu.memory_space<vmem>>
      tpu.wait_dma2 semaphore(%arg20 : memref<!tpu.dma_semaphore, #tpu.memory_space<semaphore_mem>>) src(%dma_wait3A_978 : memref<128x64xf32, #tpu.memory_space<vmem>>) dst(%dma_wait3A_974 : memref<128x64xf32, #tpu.memory_space<hbm>>)
      %add3A_979 = arith.constant 4 : i32
      %add3A_980 = arith.addi %add3A_933, %add3A_979 : i32
      %dma_start3A_981 = arith.constant 5 : i32
      %dma_start3A_982 = arith.constant 0 : i32
      %dma_start3A_983 = arith.constant 0 : i32
      %dma_start3A_984 = tpu.memref_slice %arg6[%dma_start3A_981, %dma_start3A_982, %dma_start3A_983] : memref<8x128x64xf32, #tpu.memory_space<vmem>> -> memref<1x128x64xf32, #tpu.memory_space<vmem>>
      %dma_start3A_985 = tpu.memref_squeeze %dma_start3A_984 : memref<1x128x64xf32, #tpu.memory_space<vmem>> -> memref<128x64xf32, #tpu.memory_space<vmem>>
      %dma_start3A_986 = arith.constant 0 : i32
      %dma_start3A_987 = tpu.memref_slice %arg5[%add3A_980, %dma_start3A_986] : memref<200x128xi32, #tpu.memory_space<vmem>> -> memref<1x128xi32, #tpu.memory_space<vmem>>
      %dma_start3A_988 = tpu.memref_squeeze %dma_start3A_987 : memref<1x128xi32, #tpu.memory_space<vmem>> -> memref<128xi32, #tpu.memory_space<vmem>>
      %dma_start3A_989 = arith.constant 0 : i32
      %dma_start3A_990 = arith.constant 0 : i32
      %dma_start3A_991 = tpu.memref_slice %arg3[%dma_start3A_989, %dma_start3A_990] : memref<1000000x64xf32, #tpu.memory_space<hbm>> -> memref<1000000x64xf32, #tpu.memory_space<hbm>>
      tpu.enqueue_indirect_dma source(%dma_start3A_991 : memref<1000000x64xf32, #tpu.memory_space<hbm>>) target(%dma_start3A_985 : memref<128x64xf32, #tpu.memory_space<vmem>>) offsets(%dma_start3A_988 : memref<128xi32, #tpu.memory_space<vmem>>) semaphore(%arg12 : memref<!tpu.dma_semaphore, #tpu.memory_space<semaphore_mem>>)
      %add3A_992 = arith.constant 2 : i32
      %add3A_993 = arith.addi %mul3A_872, %add3A_992 : i32
      %dma_wait3A_994 = arith.constant 2 : i32
      %dma_wait3A_995 = arith.constant 0 : i32
      %dma_wait3A_996 = arith.constant 0 : i32
      %dma_wait3A_997 = tpu.memref_slice %arg6[%dma_wait3A_994, %dma_wait3A_995, %dma_wait3A_996] : memref<8x128x64xf32, #tpu.memory_space<vmem>> -> memref<1x128x64xf32, #tpu.memory_space<vmem>>
      %dma_wait3A_998 = tpu.memref_squeeze %dma_wait3A_997 : memref<1x128x64xf32, #tpu.memory_space<vmem>> -> memref<128x64xf32, #tpu.memory_space<vmem>>
      %dma_wait3A_999 = arith.constant 0 : i32
      %dma_wait3A_1000 = tpu.memref_slice %arg5[%add3A_993, %dma_wait3A_999] : memref<200x128xi32, #tpu.memory_space<vmem>> -> memref<1x128xi32, #tpu.memory_space<vmem>>
      %dma_wait3A_1001 = tpu.memref_squeeze %dma_wait3A_1000 : memref<1x128xi32, #tpu.memory_space<vmem>> -> memref<128xi32, #tpu.memory_space<vmem>>
      %dma_wait3A_1002 = arith.constant 0 : i32
      %dma_wait3A_1003 = arith.constant 0 : i32
      %dma_wait3A_1004 = tpu.memref_slice %arg3[%dma_wait3A_1002, %dma_wait3A_1003] : memref<1000000x64xf32, #tpu.memory_space<hbm>> -> memref<1000000x64xf32, #tpu.memory_space<hbm>>
      tpu.wait_indirect_dma semaphore(%arg9 : memref<!tpu.dma_semaphore, #tpu.memory_space<semaphore_mem>>) src(%dma_wait3A_1004 : memref<1000000x64xf32, #tpu.memory_space<hbm>>) dst(%dma_wait3A_998 : memref<128x64xf32, #tpu.memory_space<vmem>>)
      %mul3A_1005 = arith.constant 128 : i32
      %mul3A_1006 = arith.muli %add3A_993, %mul3A_1005 : i32
      %add3A_1007 = arith.addi %mul3A_2, %mul3A_1006 : i32
      %dma_start3A_1008 = arith.constant 2 : i32
      %dma_start3A_1009 = arith.constant 0 : i32
      %dma_start3A_1010 = arith.constant 0 : i32
      %dma_start3A_1011 = tpu.memref_slice %arg6[%dma_start3A_1008, %dma_start3A_1009, %dma_start3A_1010] : memref<8x128x64xf32, #tpu.memory_space<vmem>> -> memref<1x128x64xf32, #tpu.memory_space<vmem>>
      %dma_start3A_1012 = tpu.memref_squeeze %dma_start3A_1011 : memref<1x128x64xf32, #tpu.memory_space<vmem>> -> memref<128x64xf32, #tpu.memory_space<vmem>>
      %dma_start3A_1013 = arith.constant 0 : i32
      %dma_start3A_1014 = tpu.memref_slice %arg4[%add3A_1007, %dma_start3A_1013] : memref<819200x64xf32, #tpu.memory_space<hbm>> -> memref<128x64xf32, #tpu.memory_space<hbm>>
      %dma_start3A_1015 = arith.constant 0 : i32
      %dma_start3A_1016 = tpu.memref_slice %arg4[%add3A_1007, %dma_start3A_1015] : memref<819200x64xf32, #tpu.memory_space<hbm>> -> memref<128x64xf32, #tpu.memory_space<hbm>>
      %dma_start3A_1017 = arith.constant 0 : i32
      %dma_start3A_1018 = arith.constant 0 : i32
      %dma_start3A_1019 = tpu.memref_slice %arg6[%dma_start3A_1008, %dma_start3A_1017, %dma_start3A_1018] : memref<8x128x64xf32, #tpu.memory_space<vmem>> -> memref<1x128x64xf32, #tpu.memory_space<vmem>>
      %dma_start3A_1020 = tpu.memref_squeeze %dma_start3A_1019 : memref<1x128x64xf32, #tpu.memory_space<vmem>> -> memref<128x64xf32, #tpu.memory_space<vmem>>
      tpu.enqueue_dma source(%dma_start3A_1020 : memref<128x64xf32, #tpu.memory_space<vmem>>) target(%dma_start3A_1016 : memref<128x64xf32, #tpu.memory_space<hbm>>) target_semaphore(%arg17 : memref<!tpu.dma_semaphore, #tpu.memory_space<semaphore_mem>>)
      %sub3A_1021 = arith.constant 4 : i32
      %sub3A_1022 = arith.subi %add3A_993, %sub3A_1021 : i32
      %mul3A_1023 = arith.constant 128 : i32
      %mul3A_1024 = arith.muli %sub3A_1022, %mul3A_1023 : i32
      %add3A_1025 = arith.addi %mul3A_2, %mul3A_1024 : i32
      %dma_wait3A_1026 = arith.constant 6 : i32
      %dma_wait3A_1027 = arith.constant 0 : i32
      %dma_wait3A_1028 = arith.constant 0 : i32
      %dma_wait3A_1029 = tpu.memref_slice %arg6[%dma_wait3A_1026, %dma_wait3A_1027, %dma_wait3A_1028] : memref<8x128x64xf32, #tpu.memory_space<vmem>> -> memref<1x128x64xf32, #tpu.memory_space<vmem>>
      %dma_wait3A_1030 = tpu.memref_squeeze %dma_wait3A_1029 : memref<1x128x64xf32, #tpu.memory_space<vmem>> -> memref<128x64xf32, #tpu.memory_space<vmem>>
      %dma_wait3A_1031 = arith.constant 0 : i32
      %dma_wait3A_1032 = tpu.memref_slice %arg4[%add3A_1025, %dma_wait3A_1031] : memref<819200x64xf32, #tpu.memory_space<hbm>> -> memref<128x64xf32, #tpu.memory_space<hbm>>
      %dma_wait3A_1033 = arith.constant 0 : i32
      %dma_wait3A_1034 = tpu.memref_slice %arg4[%add3A_1025, %dma_wait3A_1033] : memref<819200x64xf32, #tpu.memory_space<hbm>> -> memref<128x64xf32, #tpu.memory_space<hbm>>
      %dma_wait3A_1035 = arith.constant 0 : i32
      %dma_wait3A_1036 = arith.constant 0 : i32
      %dma_wait3A_1037 = tpu.memref_slice %arg6[%dma_wait3A_1026, %dma_wait3A_1035, %dma_wait3A_1036] : memref<8x128x64xf32, #tpu.memory_space<vmem>> -> memref<1x128x64xf32, #tpu.memory_space<vmem>>
      %dma_wait3A_1038 = tpu.memref_squeeze %dma_wait3A_1037 : memref<1x128x64xf32, #tpu.memory_space<vmem>> -> memref<128x64xf32, #tpu.memory_space<vmem>>
      tpu.wait_dma2 semaphore(%arg21 : memref<!tpu.dma_semaphore, #tpu.memory_space<semaphore_mem>>) src(%dma_wait3A_1038 : memref<128x64xf32, #tpu.memory_space<vmem>>) dst(%dma_wait3A_1034 : memref<128x64xf32, #tpu.memory_space<hbm>>)
      %add3A_1039 = arith.constant 4 : i32
      %add3A_1040 = arith.addi %add3A_993, %add3A_1039 : i32
      %dma_start3A_1041 = arith.constant 6 : i32
      %dma_start3A_1042 = arith.constant 0 : i32
      %dma_start3A_1043 = arith.constant 0 : i32
      %dma_start3A_1044 = tpu.memref_slice %arg6[%dma_start3A_1041, %dma_start3A_1042, %dma_start3A_1043] : memref<8x128x64xf32, #tpu.memory_space<vmem>> -> memref<1x128x64xf32, #tpu.memory_space<vmem>>
      %dma_start3A_1045 = tpu.memref_squeeze %dma_start3A_1044 : memref<1x128x64xf32, #tpu.memory_space<vmem>> -> memref<128x64xf32, #tpu.memory_space<vmem>>
      %dma_start3A_1046 = arith.constant 0 : i32
      %dma_start3A_1047 = tpu.memref_slice %arg5[%add3A_1040, %dma_start3A_1046] : memref<200x128xi32, #tpu.memory_space<vmem>> -> memref<1x128xi32, #tpu.memory_space<vmem>>
      %dma_start3A_1048 = tpu.memref_squeeze %dma_start3A_1047 : memref<1x128xi32, #tpu.memory_space<vmem>> -> memref<128xi32, #tpu.memory_space<vmem>>
      %dma_start3A_1049 = arith.constant 0 : i32
      %dma_start3A_1050 = arith.constant 0 : i32
      %dma_start3A_1051 = tpu.memref_slice %arg3[%dma_start3A_1049, %dma_start3A_1050] : memref<1000000x64xf32, #tpu.memory_space<hbm>> -> memref<1000000x64xf32, #tpu.memory_space<hbm>>
      tpu.enqueue_indirect_dma source(%dma_start3A_1051 : memref<1000000x64xf32, #tpu.memory_space<hbm>>) target(%dma_start3A_1045 : memref<128x64xf32, #tpu.memory_space<vmem>>) offsets(%dma_start3A_1048 : memref<128xi32, #tpu.memory_space<vmem>>) semaphore(%arg13 : memref<!tpu.dma_semaphore, #tpu.memory_space<semaphore_mem>>)
      %add3A_1052 = arith.constant 3 : i32
      %add3A_1053 = arith.addi %mul3A_872, %add3A_1052 : i32
      %dma_wait3A_1054 = arith.constant 3 : i32
      %dma_wait3A_1055 = arith.constant 0 : i32
      %dma_wait3A_1056 = arith.constant 0 : i32
      %dma_wait3A_1057 = tpu.memref_slice %arg6[%dma_wait3A_1054, %dma_wait3A_1055, %dma_wait3A_1056] : memref<8x128x64xf32, #tpu.memory_space<vmem>> -> memref<1x128x64xf32, #tpu.memory_space<vmem>>
      %dma_wait3A_1058 = tpu.memref_squeeze %dma_wait3A_1057 : memref<1x128x64xf32, #tpu.memory_space<vmem>> -> memref<128x64xf32, #tpu.memory_space<vmem>>
      %dma_wait3A_1059 = arith.constant 0 : i32
      %dma_wait3A_1060 = tpu.memref_slice %arg5[%add3A_1053, %dma_wait3A_1059] : memref<200x128xi32, #tpu.memory_space<vmem>> -> memref<1x128xi32, #tpu.memory_space<vmem>>
      %dma_wait3A_1061 = tpu.memref_squeeze %dma_wait3A_1060 : memref<1x128xi32, #tpu.memory_space<vmem>> -> memref<128xi32, #tpu.memory_space<vmem>>
      %dma_wait3A_1062 = arith.constant 0 : i32
      %dma_wait3A_1063 = arith.constant 0 : i32
      %dma_wait3A_1064 = tpu.memref_slice %arg3[%dma_wait3A_1062, %dma_wait3A_1063] : memref<1000000x64xf32, #tpu.memory_space<hbm>> -> memref<1000000x64xf32, #tpu.memory_space<hbm>>
      tpu.wait_indirect_dma semaphore(%arg10 : memref<!tpu.dma_semaphore, #tpu.memory_space<semaphore_mem>>) src(%dma_wait3A_1064 : memref<1000000x64xf32, #tpu.memory_space<hbm>>) dst(%dma_wait3A_1058 : memref<128x64xf32, #tpu.memory_space<vmem>>)
      %mul3A_1065 = arith.constant 128 : i32
      %mul3A_1066 = arith.muli %add3A_1053, %mul3A_1065 : i32
      %add3A_1067 = arith.addi %mul3A_2, %mul3A_1066 : i32
      %dma_start3A_1068 = arith.constant 3 : i32
      %dma_start3A_1069 = arith.constant 0 : i32
      %dma_start3A_1070 = arith.constant 0 : i32
      %dma_start3A_1071 = tpu.memref_slice %arg6[%dma_start3A_1068, %dma_start3A_1069, %dma_start3A_1070] : memref<8x128x64xf32, #tpu.memory_space<vmem>> -> memref<1x128x64xf32, #tpu.memory_space<vmem>>
      %dma_start3A_1072 = tpu.memref_squeeze %dma_start3A_1071 : memref<1x128x64xf32, #tpu.memory_space<vmem>> -> memref<128x64xf32, #tpu.memory_space<vmem>>
      %dma_start3A_1073 = arith.constant 0 : i32
      %dma_start3A_1074 = tpu.memref_slice %arg4[%add3A_1067, %dma_start3A_1073] : memref<819200x64xf32, #tpu.memory_space<hbm>> -> memref<128x64xf32, #tpu.memory_space<hbm>>
      %dma_start3A_1075 = arith.constant 0 : i32
      %dma_start3A_1076 = tpu.memref_slice %arg4[%add3A_1067, %dma_start3A_1075] : memref<819200x64xf32, #tpu.memory_space<hbm>> -> memref<128x64xf32, #tpu.memory_space<hbm>>
      %dma_start3A_1077 = arith.constant 0 : i32
      %dma_start3A_1078 = arith.constant 0 : i32
      %dma_start3A_1079 = tpu.memref_slice %arg6[%dma_start3A_1068, %dma_start3A_1077, %dma_start3A_1078] : memref<8x128x64xf32, #tpu.memory_space<vmem>> -> memref<1x128x64xf32, #tpu.memory_space<vmem>>
      %dma_start3A_1080 = tpu.memref_squeeze %dma_start3A_1079 : memref<1x128x64xf32, #tpu.memory_space<vmem>> -> memref<128x64xf32, #tpu.memory_space<vmem>>
      tpu.enqueue_dma source(%dma_start3A_1080 : memref<128x64xf32, #tpu.memory_space<vmem>>) target(%dma_start3A_1076 : memref<128x64xf32, #tpu.memory_space<hbm>>) target_semaphore(%arg18 : memref<!tpu.dma_semaphore, #tpu.memory_space<semaphore_mem>>)
      %sub3A_1081 = arith.constant 4 : i32
      %sub3A_1082 = arith.subi %add3A_1053, %sub3A_1081 : i32
      %mul3A_1083 = arith.constant 128 : i32
      %mul3A_1084 = arith.muli %sub3A_1082, %mul3A_1083 : i32
      %add3A_1085 = arith.addi %mul3A_2, %mul3A_1084 : i32
      %dma_wait3A_1086 = arith.constant 7 : i32
      %dma_wait3A_1087 = arith.constant 0 : i32
      %dma_wait3A_1088 = arith.constant 0 : i32
      %dma_wait3A_1089 = tpu.memref_slice %arg6[%dma_wait3A_1086, %dma_wait3A_1087, %dma_wait3A_1088] : memref<8x128x64xf32, #tpu.memory_space<vmem>> -> memref<1x128x64xf32, #tpu.memory_space<vmem>>
      %dma_wait3A_1090 = tpu.memref_squeeze %dma_wait3A_1089 : memref<1x128x64xf32, #tpu.memory_space<vmem>> -> memref<128x64xf32, #tpu.memory_space<vmem>>
      %dma_wait3A_1091 = arith.constant 0 : i32
      %dma_wait3A_1092 = tpu.memref_slice %arg4[%add3A_1085, %dma_wait3A_1091] : memref<819200x64xf32, #tpu.memory_space<hbm>> -> memref<128x64xf32, #tpu.memory_space<hbm>>
      %dma_wait3A_1093 = arith.constant 0 : i32
      %dma_wait3A_1094 = tpu.memref_slice %arg4[%add3A_1085, %dma_wait3A_1093] : memref<819200x64xf32, #tpu.memory_space<hbm>> -> memref<128x64xf32, #tpu.memory_space<hbm>>
      %dma_wait3A_1095 = arith.constant 0 : i32
      %dma_wait3A_1096 = arith.constant 0 : i32
      %dma_wait3A_1097 = tpu.memref_slice %arg6[%dma_wait3A_1086, %dma_wait3A_1095, %dma_wait3A_1096] : memref<8x128x64xf32, #tpu.memory_space<vmem>> -> memref<1x128x64xf32, #tpu.memory_space<vmem>>
      %dma_wait3A_1098 = tpu.memref_squeeze %dma_wait3A_1097 : memref<1x128x64xf32, #tpu.memory_space<vmem>> -> memref<128x64xf32, #tpu.memory_space<vmem>>
      tpu.wait_dma2 semaphore(%arg22 : memref<!tpu.dma_semaphore, #tpu.memory_space<semaphore_mem>>) src(%dma_wait3A_1098 : memref<128x64xf32, #tpu.memory_space<vmem>>) dst(%dma_wait3A_1094 : memref<128x64xf32, #tpu.memory_space<hbm>>)
      %add3A_1099 = arith.constant 4 : i32
      %add3A_1100 = arith.addi %add3A_1053, %add3A_1099 : i32
      %dma_start3A_1101 = arith.constant 7 : i32
      %dma_start3A_1102 = arith.constant 0 : i32
      %dma_start3A_1103 = arith.constant 0 : i32
      %dma_start3A_1104 = tpu.memref_slice %arg6[%dma_start3A_1101, %dma_start3A_1102, %dma_start3A_1103] : memref<8x128x64xf32, #tpu.memory_space<vmem>> -> memref<1x128x64xf32, #tpu.memory_space<vmem>>
      %dma_start3A_1105 = tpu.memref_squeeze %dma_start3A_1104 : memref<1x128x64xf32, #tpu.memory_space<vmem>> -> memref<128x64xf32, #tpu.memory_space<vmem>>
      %dma_start3A_1106 = arith.constant 0 : i32
      %dma_start3A_1107 = tpu.memref_slice %arg5[%add3A_1100, %dma_start3A_1106] : memref<200x128xi32, #tpu.memory_space<vmem>> -> memref<1x128xi32, #tpu.memory_space<vmem>>
      %dma_start3A_1108 = tpu.memref_squeeze %dma_start3A_1107 : memref<1x128xi32, #tpu.memory_space<vmem>> -> memref<128xi32, #tpu.memory_space<vmem>>
      %dma_start3A_1109 = arith.constant 0 : i32
      %dma_start3A_1110 = arith.constant 0 : i32
      %dma_start3A_1111 = tpu.memref_slice %arg3[%dma_start3A_1109, %dma_start3A_1110] : memref<1000000x64xf32, #tpu.memory_space<hbm>> -> memref<1000000x64xf32, #tpu.memory_space<hbm>>
      tpu.enqueue_indirect_dma source(%dma_start3A_1111 : memref<1000000x64xf32, #tpu.memory_space<hbm>>) target(%dma_start3A_1105 : memref<128x64xf32, #tpu.memory_space<vmem>>) offsets(%dma_start3A_1108 : memref<128xi32, #tpu.memory_space<vmem>>) semaphore(%arg14 : memref<!tpu.dma_semaphore, #tpu.memory_space<semaphore_mem>>)
      %add3A_1112 = arith.constant 4 : i32
      %add3A_1113 = arith.addi %mul3A_872, %add3A_1112 : i32
      %dma_wait3A_1114 = arith.constant 4 : i32
      %dma_wait3A_1115 = arith.constant 0 : i32
      %dma_wait3A_1116 = arith.constant 0 : i32
      %dma_wait3A_1117 = tpu.memref_slice %arg6[%dma_wait3A_1114, %dma_wait3A_1115, %dma_wait3A_1116] : memref<8x128x64xf32, #tpu.memory_space<vmem>> -> memref<1x128x64xf32, #tpu.memory_space<vmem>>
      %dma_wait3A_1118 = tpu.memref_squeeze %dma_wait3A_1117 : memref<1x128x64xf32, #tpu.memory_space<vmem>> -> memref<128x64xf32, #tpu.memory_space<vmem>>
      %dma_wait3A_1119 = arith.constant 0 : i32
      %dma_wait3A_1120 = tpu.memref_slice %arg5[%add3A_1113, %dma_wait3A_1119] : memref<200x128xi32, #tpu.memory_space<vmem>> -> memref<1x128xi32, #tpu.memory_space<vmem>>
      %dma_wait3A_1121 = tpu.memref_squeeze %dma_wait3A_1120 : memref<1x128xi32, #tpu.memory_space<vmem>> -> memref<128xi32, #tpu.memory_space<vmem>>
      %dma_wait3A_1122 = arith.constant 0 : i32
      %dma_wait3A_1123 = arith.constant 0 : i32
      %dma_wait3A_1124 = tpu.memref_slice %arg3[%dma_wait3A_1122, %dma_wait3A_1123] : memref<1000000x64xf32, #tpu.memory_space<hbm>> -> memref<1000000x64xf32, #tpu.memory_space<hbm>>
      tpu.wait_indirect_dma semaphore(%arg11 : memref<!tpu.dma_semaphore, #tpu.memory_space<semaphore_mem>>) src(%dma_wait3A_1124 : memref<1000000x64xf32, #tpu.memory_space<hbm>>) dst(%dma_wait3A_1118 : memref<128x64xf32, #tpu.memory_space<vmem>>)
      %mul3A_1125 = arith.constant 128 : i32
      %mul3A_1126 = arith.muli %add3A_1113, %mul3A_1125 : i32
      %add3A_1127 = arith.addi %mul3A_2, %mul3A_1126 : i32
      %dma_start3A_1128 = arith.constant 4 : i32
      %dma_start3A_1129 = arith.constant 0 : i32
      %dma_start3A_1130 = arith.constant 0 : i32
      %dma_start3A_1131 = tpu.memref_slice %arg6[%dma_start3A_1128, %dma_start3A_1129, %dma_start3A_1130] : memref<8x128x64xf32, #tpu.memory_space<vmem>> -> memref<1x128x64xf32, #tpu.memory_space<vmem>>
      %dma_start3A_1132 = tpu.memref_squeeze %dma_start3A_1131 : memref<1x128x64xf32, #tpu.memory_space<vmem>> -> memref<128x64xf32, #tpu.memory_space<vmem>>
      %dma_start3A_1133 = arith.constant 0 : i32
      %dma_start3A_1134 = tpu.memref_slice %arg4[%add3A_1127, %dma_start3A_1133] : memref<819200x64xf32, #tpu.memory_space<hbm>> -> memref<128x64xf32, #tpu.memory_space<hbm>>
      %dma_start3A_1135 = arith.constant 0 : i32
      %dma_start3A_1136 = tpu.memref_slice %arg4[%add3A_1127, %dma_start3A_1135] : memref<819200x64xf32, #tpu.memory_space<hbm>> -> memref<128x64xf32, #tpu.memory_space<hbm>>
      %dma_start3A_1137 = arith.constant 0 : i32
      %dma_start3A_1138 = arith.constant 0 : i32
      %dma_start3A_1139 = tpu.memref_slice %arg6[%dma_start3A_1128, %dma_start3A_1137, %dma_start3A_1138] : memref<8x128x64xf32, #tpu.memory_space<vmem>> -> memref<1x128x64xf32, #tpu.memory_space<vmem>>
      %dma_start3A_1140 = tpu.memref_squeeze %dma_start3A_1139 : memref<1x128x64xf32, #tpu.memory_space<vmem>> -> memref<128x64xf32, #tpu.memory_space<vmem>>
      tpu.enqueue_dma source(%dma_start3A_1140 : memref<128x64xf32, #tpu.memory_space<vmem>>) target(%dma_start3A_1136 : memref<128x64xf32, #tpu.memory_space<hbm>>) target_semaphore(%arg19 : memref<!tpu.dma_semaphore, #tpu.memory_space<semaphore_mem>>)
      %sub3A_1141 = arith.constant 4 : i32
      %sub3A_1142 = arith.subi %add3A_1113, %sub3A_1141 : i32
      %mul3A_1143 = arith.constant 128 : i32
      %mul3A_1144 = arith.muli %sub3A_1142, %mul3A_1143 : i32
      %add3A_1145 = arith.addi %mul3A_2, %mul3A_1144 : i32
      %dma_wait3A_1146 = arith.constant 0 : i32
      %dma_wait3A_1147 = arith.constant 0 : i32
      %dma_wait3A_1148 = arith.constant 0 : i32
      %dma_wait3A_1149 = tpu.memref_slice %arg6[%dma_wait3A_1146, %dma_wait3A_1147, %dma_wait3A_1148] : memref<8x128x64xf32, #tpu.memory_space<vmem>> -> memref<1x128x64xf32, #tpu.memory_space<vmem>>
      %dma_wait3A_1150 = tpu.memref_squeeze %dma_wait3A_1149 : memref<1x128x64xf32, #tpu.memory_space<vmem>> -> memref<128x64xf32, #tpu.memory_space<vmem>>
      %dma_wait3A_1151 = arith.constant 0 : i32
      %dma_wait3A_1152 = tpu.memref_slice %arg4[%add3A_1145, %dma_wait3A_1151] : memref<819200x64xf32, #tpu.memory_space<hbm>> -> memref<128x64xf32, #tpu.memory_space<hbm>>
      %dma_wait3A_1153 = arith.constant 0 : i32
      %dma_wait3A_1154 = tpu.memref_slice %arg4[%add3A_1145, %dma_wait3A_1153] : memref<819200x64xf32, #tpu.memory_space<hbm>> -> memref<128x64xf32, #tpu.memory_space<hbm>>
      %dma_wait3A_1155 = arith.constant 0 : i32
      %dma_wait3A_1156 = arith.constant 0 : i32
      %dma_wait3A_1157 = tpu.memref_slice %arg6[%dma_wait3A_1146, %dma_wait3A_1155, %dma_wait3A_1156] : memref<8x128x64xf32, #tpu.memory_space<vmem>> -> memref<1x128x64xf32, #tpu.memory_space<vmem>>
      %dma_wait3A_1158 = tpu.memref_squeeze %dma_wait3A_1157 : memref<1x128x64xf32, #tpu.memory_space<vmem>> -> memref<128x64xf32, #tpu.memory_space<vmem>>
      tpu.wait_dma2 semaphore(%arg15 : memref<!tpu.dma_semaphore, #tpu.memory_space<semaphore_mem>>) src(%dma_wait3A_1158 : memref<128x64xf32, #tpu.memory_space<vmem>>) dst(%dma_wait3A_1154 : memref<128x64xf32, #tpu.memory_space<hbm>>)
      %add3A_1159 = arith.constant 4 : i32
      %add3A_1160 = arith.addi %add3A_1113, %add3A_1159 : i32
      %dma_start3A_1161 = arith.constant 0 : i32
      %dma_start3A_1162 = arith.constant 0 : i32
      %dma_start3A_1163 = arith.constant 0 : i32
      %dma_start3A_1164 = tpu.memref_slice %arg6[%dma_start3A_1161, %dma_start3A_1162, %dma_start3A_1163] : memref<8x128x64xf32, #tpu.memory_space<vmem>> -> memref<1x128x64xf32, #tpu.memory_space<vmem>>
      %dma_start3A_1165 = tpu.memref_squeeze %dma_start3A_1164 : memref<1x128x64xf32, #tpu.memory_space<vmem>> -> memref<128x64xf32, #tpu.memory_space<vmem>>
      %dma_start3A_1166 = arith.constant 0 : i32
      %dma_start3A_1167 = tpu.memref_slice %arg5[%add3A_1160, %dma_start3A_1166] : memref<200x128xi32, #tpu.memory_space<vmem>> -> memref<1x128xi32, #tpu.memory_space<vmem>>
      %dma_start3A_1168 = tpu.memref_squeeze %dma_start3A_1167 : memref<1x128xi32, #tpu.memory_space<vmem>> -> memref<128xi32, #tpu.memory_space<vmem>>
      %dma_start3A_1169 = arith.constant 0 : i32
      %dma_start3A_1170 = arith.constant 0 : i32
      %dma_start3A_1171 = tpu.memref_slice %arg3[%dma_start3A_1169, %dma_start3A_1170] : memref<1000000x64xf32, #tpu.memory_space<hbm>> -> memref<1000000x64xf32, #tpu.memory_space<hbm>>
      tpu.enqueue_indirect_dma source(%dma_start3A_1171 : memref<1000000x64xf32, #tpu.memory_space<hbm>>) target(%dma_start3A_1165 : memref<128x64xf32, #tpu.memory_space<vmem>>) offsets(%dma_start3A_1168 : memref<128xi32, #tpu.memory_space<vmem>>) semaphore(%arg7 : memref<!tpu.dma_semaphore, #tpu.memory_space<semaphore_mem>>)
      %add3A_1172 = arith.constant 5 : i32
      %add3A_1173 = arith.addi %mul3A_872, %add3A_1172 : i32
      %dma_wait3A_1174 = arith.constant 5 : i32
      %dma_wait3A_1175 = arith.constant 0 : i32
      %dma_wait3A_1176 = arith.constant 0 : i32
      %dma_wait3A_1177 = tpu.memref_slice %arg6[%dma_wait3A_1174, %dma_wait3A_1175, %dma_wait3A_1176] : memref<8x128x64xf32, #tpu.memory_space<vmem>> -> memref<1x128x64xf32, #tpu.memory_space<vmem>>
      %dma_wait3A_1178 = tpu.memref_squeeze %dma_wait3A_1177 : memref<1x128x64xf32, #tpu.memory_space<vmem>> -> memref<128x64xf32, #tpu.memory_space<vmem>>
      %dma_wait3A_1179 = arith.constant 0 : i32
      %dma_wait3A_1180 = tpu.memref_slice %arg5[%add3A_1173, %dma_wait3A_1179] : memref<200x128xi32, #tpu.memory_space<vmem>> -> memref<1x128xi32, #tpu.memory_space<vmem>>
      %dma_wait3A_1181 = tpu.memref_squeeze %dma_wait3A_1180 : memref<1x128xi32, #tpu.memory_space<vmem>> -> memref<128xi32, #tpu.memory_space<vmem>>
      %dma_wait3A_1182 = arith.constant 0 : i32
      %dma_wait3A_1183 = arith.constant 0 : i32
      %dma_wait3A_1184 = tpu.memref_slice %arg3[%dma_wait3A_1182, %dma_wait3A_1183] : memref<1000000x64xf32, #tpu.memory_space<hbm>> -> memref<1000000x64xf32, #tpu.memory_space<hbm>>
      tpu.wait_indirect_dma semaphore(%arg12 : memref<!tpu.dma_semaphore, #tpu.memory_space<semaphore_mem>>) src(%dma_wait3A_1184 : memref<1000000x64xf32, #tpu.memory_space<hbm>>) dst(%dma_wait3A_1178 : memref<128x64xf32, #tpu.memory_space<vmem>>)
      %mul3A_1185 = arith.constant 128 : i32
      %mul3A_1186 = arith.muli %add3A_1173, %mul3A_1185 : i32
      %add3A_1187 = arith.addi %mul3A_2, %mul3A_1186 : i32
      %dma_start3A_1188 = arith.constant 5 : i32
      %dma_start3A_1189 = arith.constant 0 : i32
      %dma_start3A_1190 = arith.constant 0 : i32
      %dma_start3A_1191 = tpu.memref_slice %arg6[%dma_start3A_1188, %dma_start3A_1189, %dma_start3A_1190] : memref<8x128x64xf32, #tpu.memory_space<vmem>> -> memref<1x128x64xf32, #tpu.memory_space<vmem>>
      %dma_start3A_1192 = tpu.memref_squeeze %dma_start3A_1191 : memref<1x128x64xf32, #tpu.memory_space<vmem>> -> memref<128x64xf32, #tpu.memory_space<vmem>>
      %dma_start3A_1193 = arith.constant 0 : i32
      %dma_start3A_1194 = tpu.memref_slice %arg4[%add3A_1187, %dma_start3A_1193] : memref<819200x64xf32, #tpu.memory_space<hbm>> -> memref<128x64xf32, #tpu.memory_space<hbm>>
      %dma_start3A_1195 = arith.constant 0 : i32
      %dma_start3A_1196 = tpu.memref_slice %arg4[%add3A_1187, %dma_start3A_1195] : memref<819200x64xf32, #tpu.memory_space<hbm>> -> memref<128x64xf32, #tpu.memory_space<hbm>>
      %dma_start3A_1197 = arith.constant 0 : i32
      %dma_start3A_1198 = arith.constant 0 : i32
      %dma_start3A_1199 = tpu.memref_slice %arg6[%dma_start3A_1188, %dma_start3A_1197, %dma_start3A_1198] : memref<8x128x64xf32, #tpu.memory_space<vmem>> -> memref<1x128x64xf32, #tpu.memory_space<vmem>>
      %dma_start3A_1200 = tpu.memref_squeeze %dma_start3A_1199 : memref<1x128x64xf32, #tpu.memory_space<vmem>> -> memref<128x64xf32, #tpu.memory_space<vmem>>
      tpu.enqueue_dma source(%dma_start3A_1200 : memref<128x64xf32, #tpu.memory_space<vmem>>) target(%dma_start3A_1196 : memref<128x64xf32, #tpu.memory_space<hbm>>) target_semaphore(%arg20 : memref<!tpu.dma_semaphore, #tpu.memory_space<semaphore_mem>>)
      %sub3A_1201 = arith.constant 4 : i32
      %sub3A_1202 = arith.subi %add3A_1173, %sub3A_1201 : i32
      %mul3A_1203 = arith.constant 128 : i32
      %mul3A_1204 = arith.muli %sub3A_1202, %mul3A_1203 : i32
      %add3A_1205 = arith.addi %mul3A_2, %mul3A_1204 : i32
      %dma_wait3A_1206 = arith.constant 1 : i32
      %dma_wait3A_1207 = arith.constant 0 : i32
      %dma_wait3A_1208 = arith.constant 0 : i32
      %dma_wait3A_1209 = tpu.memref_slice %arg6[%dma_wait3A_1206, %dma_wait3A_1207, %dma_wait3A_1208] : memref<8x128x64xf32, #tpu.memory_space<vmem>> -> memref<1x128x64xf32, #tpu.memory_space<vmem>>
      %dma_wait3A_1210 = tpu.memref_squeeze %dma_wait3A_1209 : memref<1x128x64xf32, #tpu.memory_space<vmem>> -> memref<128x64xf32, #tpu.memory_space<vmem>>
      %dma_wait3A_1211 = arith.constant 0 : i32
      %dma_wait3A_1212 = tpu.memref_slice %arg4[%add3A_1205, %dma_wait3A_1211] : memref<819200x64xf32, #tpu.memory_space<hbm>> -> memref<128x64xf32, #tpu.memory_space<hbm>>
      %dma_wait3A_1213 = arith.constant 0 : i32
      %dma_wait3A_1214 = tpu.memref_slice %arg4[%add3A_1205, %dma_wait3A_1213] : memref<819200x64xf32, #tpu.memory_space<hbm>> -> memref<128x64xf32, #tpu.memory_space<hbm>>
      %dma_wait3A_1215 = arith.constant 0 : i32
      %dma_wait3A_1216 = arith.constant 0 : i32
      %dma_wait3A_1217 = tpu.memref_slice %arg6[%dma_wait3A_1206, %dma_wait3A_1215, %dma_wait3A_1216] : memref<8x128x64xf32, #tpu.memory_space<vmem>> -> memref<1x128x64xf32, #tpu.memory_space<vmem>>
      %dma_wait3A_1218 = tpu.memref_squeeze %dma_wait3A_1217 : memref<1x128x64xf32, #tpu.memory_space<vmem>> -> memref<128x64xf32, #tpu.memory_space<vmem>>
      tpu.wait_dma2 semaphore(%arg16 : memref<!tpu.dma_semaphore, #tpu.memory_space<semaphore_mem>>) src(%dma_wait3A_1218 : memref<128x64xf32, #tpu.memory_space<vmem>>) dst(%dma_wait3A_1214 : memref<128x64xf32, #tpu.memory_space<hbm>>)
      %add3A_1219 = arith.constant 4 : i32
      %add3A_1220 = arith.addi %add3A_1173, %add3A_1219 : i32
      %dma_start3A_1221 = arith.constant 1 : i32
      %dma_start3A_1222 = arith.constant 0 : i32
      %dma_start3A_1223 = arith.constant 0 : i32
      %dma_start3A_1224 = tpu.memref_slice %arg6[%dma_start3A_1221, %dma_start3A_1222, %dma_start3A_1223] : memref<8x128x64xf32, #tpu.memory_space<vmem>> -> memref<1x128x64xf32, #tpu.memory_space<vmem>>
      %dma_start3A_1225 = tpu.memref_squeeze %dma_start3A_1224 : memref<1x128x64xf32, #tpu.memory_space<vmem>> -> memref<128x64xf32, #tpu.memory_space<vmem>>
      %dma_start3A_1226 = arith.constant 0 : i32
      %dma_start3A_1227 = tpu.memref_slice %arg5[%add3A_1220, %dma_start3A_1226] : memref<200x128xi32, #tpu.memory_space<vmem>> -> memref<1x128xi32, #tpu.memory_space<vmem>>
      %dma_start3A_1228 = tpu.memref_squeeze %dma_start3A_1227 : memref<1x128xi32, #tpu.memory_space<vmem>> -> memref<128xi32, #tpu.memory_space<vmem>>
      %dma_start3A_1229 = arith.constant 0 : i32
      %dma_start3A_1230 = arith.constant 0 : i32
      %dma_start3A_1231 = tpu.memref_slice %arg3[%dma_start3A_1229, %dma_start3A_1230] : memref<1000000x64xf32, #tpu.memory_space<hbm>> -> memref<1000000x64xf32, #tpu.memory_space<hbm>>
      tpu.enqueue_indirect_dma source(%dma_start3A_1231 : memref<1000000x64xf32, #tpu.memory_space<hbm>>) target(%dma_start3A_1225 : memref<128x64xf32, #tpu.memory_space<vmem>>) offsets(%dma_start3A_1228 : memref<128xi32, #tpu.memory_space<vmem>>) semaphore(%arg8 : memref<!tpu.dma_semaphore, #tpu.memory_space<semaphore_mem>>)
      %add3A_1232 = arith.constant 6 : i32
      %add3A_1233 = arith.addi %mul3A_872, %add3A_1232 : i32
      %dma_wait3A_1234 = arith.constant 6 : i32
      %dma_wait3A_1235 = arith.constant 0 : i32
      %dma_wait3A_1236 = arith.constant 0 : i32
      %dma_wait3A_1237 = tpu.memref_slice %arg6[%dma_wait3A_1234, %dma_wait3A_1235, %dma_wait3A_1236] : memref<8x128x64xf32, #tpu.memory_space<vmem>> -> memref<1x128x64xf32, #tpu.memory_space<vmem>>
      %dma_wait3A_1238 = tpu.memref_squeeze %dma_wait3A_1237 : memref<1x128x64xf32, #tpu.memory_space<vmem>> -> memref<128x64xf32, #tpu.memory_space<vmem>>
      %dma_wait3A_1239 = arith.constant 0 : i32
      %dma_wait3A_1240 = tpu.memref_slice %arg5[%add3A_1233, %dma_wait3A_1239] : memref<200x128xi32, #tpu.memory_space<vmem>> -> memref<1x128xi32, #tpu.memory_space<vmem>>
      %dma_wait3A_1241 = tpu.memref_squeeze %dma_wait3A_1240 : memref<1x128xi32, #tpu.memory_space<vmem>> -> memref<128xi32, #tpu.memory_space<vmem>>
      %dma_wait3A_1242 = arith.constant 0 : i32
      %dma_wait3A_1243 = arith.constant 0 : i32
      %dma_wait3A_1244 = tpu.memref_slice %arg3[%dma_wait3A_1242, %dma_wait3A_1243] : memref<1000000x64xf32, #tpu.memory_space<hbm>> -> memref<1000000x64xf32, #tpu.memory_space<hbm>>
      tpu.wait_indirect_dma semaphore(%arg13 : memref<!tpu.dma_semaphore, #tpu.memory_space<semaphore_mem>>) src(%dma_wait3A_1244 : memref<1000000x64xf32, #tpu.memory_space<hbm>>) dst(%dma_wait3A_1238 : memref<128x64xf32, #tpu.memory_space<vmem>>)
      %mul3A_1245 = arith.constant 128 : i32
      %mul3A_1246 = arith.muli %add3A_1233, %mul3A_1245 : i32
      %add3A_1247 = arith.addi %mul3A_2, %mul3A_1246 : i32
      %dma_start3A_1248 = arith.constant 6 : i32
      %dma_start3A_1249 = arith.constant 0 : i32
      %dma_start3A_1250 = arith.constant 0 : i32
      %dma_start3A_1251 = tpu.memref_slice %arg6[%dma_start3A_1248, %dma_start3A_1249, %dma_start3A_1250] : memref<8x128x64xf32, #tpu.memory_space<vmem>> -> memref<1x128x64xf32, #tpu.memory_space<vmem>>
      %dma_start3A_1252 = tpu.memref_squeeze %dma_start3A_1251 : memref<1x128x64xf32, #tpu.memory_space<vmem>> -> memref<128x64xf32, #tpu.memory_space<vmem>>
      %dma_start3A_1253 = arith.constant 0 : i32
      %dma_start3A_1254 = tpu.memref_slice %arg4[%add3A_1247, %dma_start3A_1253] : memref<819200x64xf32, #tpu.memory_space<hbm>> -> memref<128x64xf32, #tpu.memory_space<hbm>>
      %dma_start3A_1255 = arith.constant 0 : i32
      %dma_start3A_1256 = tpu.memref_slice %arg4[%add3A_1247, %dma_start3A_1255] : memref<819200x64xf32, #tpu.memory_space<hbm>> -> memref<128x64xf32, #tpu.memory_space<hbm>>
      %dma_start3A_1257 = arith.constant 0 : i32
      %dma_start3A_1258 = arith.constant 0 : i32
      %dma_start3A_1259 = tpu.memref_slice %arg6[%dma_start3A_1248, %dma_start3A_1257, %dma_start3A_1258] : memref<8x128x64xf32, #tpu.memory_space<vmem>> -> memref<1x128x64xf32, #tpu.memory_space<vmem>>
      %dma_start3A_1260 = tpu.memref_squeeze %dma_start3A_1259 : memref<1x128x64xf32, #tpu.memory_space<vmem>> -> memref<128x64xf32, #tpu.memory_space<vmem>>
      tpu.enqueue_dma source(%dma_start3A_1260 : memref<128x64xf32, #tpu.memory_space<vmem>>) target(%dma_start3A_1256 : memref<128x64xf32, #tpu.memory_space<hbm>>) target_semaphore(%arg21 : memref<!tpu.dma_semaphore, #tpu.memory_space<semaphore_mem>>)
      %sub3A_1261 = arith.constant 4 : i32
      %sub3A_1262 = arith.subi %add3A_1233, %sub3A_1261 : i32
      %mul3A_1263 = arith.constant 128 : i32
      %mul3A_1264 = arith.muli %sub3A_1262, %mul3A_1263 : i32
      %add3A_1265 = arith.addi %mul3A_2, %mul3A_1264 : i32
      %dma_wait3A_1266 = arith.constant 2 : i32
      %dma_wait3A_1267 = arith.constant 0 : i32
      %dma_wait3A_1268 = arith.constant 0 : i32
      %dma_wait3A_1269 = tpu.memref_slice %arg6[%dma_wait3A_1266, %dma_wait3A_1267, %dma_wait3A_1268] : memref<8x128x64xf32, #tpu.memory_space<vmem>> -> memref<1x128x64xf32, #tpu.memory_space<vmem>>
      %dma_wait3A_1270 = tpu.memref_squeeze %dma_wait3A_1269 : memref<1x128x64xf32, #tpu.memory_space<vmem>> -> memref<128x64xf32, #tpu.memory_space<vmem>>
      %dma_wait3A_1271 = arith.constant 0 : i32
      %dma_wait3A_1272 = tpu.memref_slice %arg4[%add3A_1265, %dma_wait3A_1271] : memref<819200x64xf32, #tpu.memory_space<hbm>> -> memref<128x64xf32, #tpu.memory_space<hbm>>
      %dma_wait3A_1273 = arith.constant 0 : i32
      %dma_wait3A_1274 = tpu.memref_slice %arg4[%add3A_1265, %dma_wait3A_1273] : memref<819200x64xf32, #tpu.memory_space<hbm>> -> memref<128x64xf32, #tpu.memory_space<hbm>>
      %dma_wait3A_1275 = arith.constant 0 : i32
      %dma_wait3A_1276 = arith.constant 0 : i32
      %dma_wait3A_1277 = tpu.memref_slice %arg6[%dma_wait3A_1266, %dma_wait3A_1275, %dma_wait3A_1276] : memref<8x128x64xf32, #tpu.memory_space<vmem>> -> memref<1x128x64xf32, #tpu.memory_space<vmem>>
      %dma_wait3A_1278 = tpu.memref_squeeze %dma_wait3A_1277 : memref<1x128x64xf32, #tpu.memory_space<vmem>> -> memref<128x64xf32, #tpu.memory_space<vmem>>
      tpu.wait_dma2 semaphore(%arg17 : memref<!tpu.dma_semaphore, #tpu.memory_space<semaphore_mem>>) src(%dma_wait3A_1278 : memref<128x64xf32, #tpu.memory_space<vmem>>) dst(%dma_wait3A_1274 : memref<128x64xf32, #tpu.memory_space<hbm>>)
      %add3A_1279 = arith.constant 4 : i32
      %add3A_1280 = arith.addi %add3A_1233, %add3A_1279 : i32
      %dma_start3A_1281 = arith.constant 2 : i32
      %dma_start3A_1282 = arith.constant 0 : i32
      %dma_start3A_1283 = arith.constant 0 : i32
      %dma_start3A_1284 = tpu.memref_slice %arg6[%dma_start3A_1281, %dma_start3A_1282, %dma_start3A_1283] : memref<8x128x64xf32, #tpu.memory_space<vmem>> -> memref<1x128x64xf32, #tpu.memory_space<vmem>>
      %dma_start3A_1285 = tpu.memref_squeeze %dma_start3A_1284 : memref<1x128x64xf32, #tpu.memory_space<vmem>> -> memref<128x64xf32, #tpu.memory_space<vmem>>
      %dma_start3A_1286 = arith.constant 0 : i32
      %dma_start3A_1287 = tpu.memref_slice %arg5[%add3A_1280, %dma_start3A_1286] : memref<200x128xi32, #tpu.memory_space<vmem>> -> memref<1x128xi32, #tpu.memory_space<vmem>>
      %dma_start3A_1288 = tpu.memref_squeeze %dma_start3A_1287 : memref<1x128xi32, #tpu.memory_space<vmem>> -> memref<128xi32, #tpu.memory_space<vmem>>
      %dma_start3A_1289 = arith.constant 0 : i32
      %dma_start3A_1290 = arith.constant 0 : i32
      %dma_start3A_1291 = tpu.memref_slice %arg3[%dma_start3A_1289, %dma_start3A_1290] : memref<1000000x64xf32, #tpu.memory_space<hbm>> -> memref<1000000x64xf32, #tpu.memory_space<hbm>>
      tpu.enqueue_indirect_dma source(%dma_start3A_1291 : memref<1000000x64xf32, #tpu.memory_space<hbm>>) target(%dma_start3A_1285 : memref<128x64xf32, #tpu.memory_space<vmem>>) offsets(%dma_start3A_1288 : memref<128xi32, #tpu.memory_space<vmem>>) semaphore(%arg9 : memref<!tpu.dma_semaphore, #tpu.memory_space<semaphore_mem>>)
      %add3A_1292 = arith.constant 7 : i32
      %add3A_1293 = arith.addi %mul3A_872, %add3A_1292 : i32
      %dma_wait3A_1294 = arith.constant 7 : i32
      %dma_wait3A_1295 = arith.constant 0 : i32
      %dma_wait3A_1296 = arith.constant 0 : i32
      %dma_wait3A_1297 = tpu.memref_slice %arg6[%dma_wait3A_1294, %dma_wait3A_1295, %dma_wait3A_1296] : memref<8x128x64xf32, #tpu.memory_space<vmem>> -> memref<1x128x64xf32, #tpu.memory_space<vmem>>
      %dma_wait3A_1298 = tpu.memref_squeeze %dma_wait3A_1297 : memref<1x128x64xf32, #tpu.memory_space<vmem>> -> memref<128x64xf32, #tpu.memory_space<vmem>>
      %dma_wait3A_1299 = arith.constant 0 : i32
      %dma_wait3A_1300 = tpu.memref_slice %arg5[%add3A_1293, %dma_wait3A_1299] : memref<200x128xi32, #tpu.memory_space<vmem>> -> memref<1x128xi32, #tpu.memory_space<vmem>>
      %dma_wait3A_1301 = tpu.memref_squeeze %dma_wait3A_1300 : memref<1x128xi32, #tpu.memory_space<vmem>> -> memref<128xi32, #tpu.memory_space<vmem>>
      %dma_wait3A_1302 = arith.constant 0 : i32
      %dma_wait3A_1303 = arith.constant 0 : i32
      %dma_wait3A_1304 = tpu.memref_slice %arg3[%dma_wait3A_1302, %dma_wait3A_1303] : memref<1000000x64xf32, #tpu.memory_space<hbm>> -> memref<1000000x64xf32, #tpu.memory_space<hbm>>
      tpu.wait_indirect_dma semaphore(%arg14 : memref<!tpu.dma_semaphore, #tpu.memory_space<semaphore_mem>>) src(%dma_wait3A_1304 : memref<1000000x64xf32, #tpu.memory_space<hbm>>) dst(%dma_wait3A_1298 : memref<128x64xf32, #tpu.memory_space<vmem>>)
      %mul3A_1305 = arith.constant 128 : i32
      %mul3A_1306 = arith.muli %add3A_1293, %mul3A_1305 : i32
      %add3A_1307 = arith.addi %mul3A_2, %mul3A_1306 : i32
      %dma_start3A_1308 = arith.constant 7 : i32
      %dma_start3A_1309 = arith.constant 0 : i32
      %dma_start3A_1310 = arith.constant 0 : i32
      %dma_start3A_1311 = tpu.memref_slice %arg6[%dma_start3A_1308, %dma_start3A_1309, %dma_start3A_1310] : memref<8x128x64xf32, #tpu.memory_space<vmem>> -> memref<1x128x64xf32, #tpu.memory_space<vmem>>
      %dma_start3A_1312 = tpu.memref_squeeze %dma_start3A_1311 : memref<1x128x64xf32, #tpu.memory_space<vmem>> -> memref<128x64xf32, #tpu.memory_space<vmem>>
      %dma_start3A_1313 = arith.constant 0 : i32
      %dma_start3A_1314 = tpu.memref_slice %arg4[%add3A_1307, %dma_start3A_1313] : memref<819200x64xf32, #tpu.memory_space<hbm>> -> memref<128x64xf32, #tpu.memory_space<hbm>>
      %dma_start3A_1315 = arith.constant 0 : i32
      %dma_start3A_1316 = tpu.memref_slice %arg4[%add3A_1307, %dma_start3A_1315] : memref<819200x64xf32, #tpu.memory_space<hbm>> -> memref<128x64xf32, #tpu.memory_space<hbm>>
      %dma_start3A_1317 = arith.constant 0 : i32
      %dma_start3A_1318 = arith.constant 0 : i32
      %dma_start3A_1319 = tpu.memref_slice %arg6[%dma_start3A_1308, %dma_start3A_1317, %dma_start3A_1318] : memref<8x128x64xf32, #tpu.memory_space<vmem>> -> memref<1x128x64xf32, #tpu.memory_space<vmem>>
      %dma_start3A_1320 = tpu.memref_squeeze %dma_start3A_1319 : memref<1x128x64xf32, #tpu.memory_space<vmem>> -> memref<128x64xf32, #tpu.memory_space<vmem>>
      tpu.enqueue_dma source(%dma_start3A_1320 : memref<128x64xf32, #tpu.memory_space<vmem>>) target(%dma_start3A_1316 : memref<128x64xf32, #tpu.memory_space<hbm>>) target_semaphore(%arg22 : memref<!tpu.dma_semaphore, #tpu.memory_space<semaphore_mem>>)
      %sub3A_1321 = arith.constant 4 : i32
      %sub3A_1322 = arith.subi %add3A_1293, %sub3A_1321 : i32
      %mul3A_1323 = arith.constant 128 : i32
      %mul3A_1324 = arith.muli %sub3A_1322, %mul3A_1323 : i32
      %add3A_1325 = arith.addi %mul3A_2, %mul3A_1324 : i32
      %dma_wait3A_1326 = arith.constant 3 : i32
      %dma_wait3A_1327 = arith.constant 0 : i32
      %dma_wait3A_1328 = arith.constant 0 : i32
      %dma_wait3A_1329 = tpu.memref_slice %arg6[%dma_wait3A_1326, %dma_wait3A_1327, %dma_wait3A_1328] : memref<8x128x64xf32, #tpu.memory_space<vmem>> -> memref<1x128x64xf32, #tpu.memory_space<vmem>>
      %dma_wait3A_1330 = tpu.memref_squeeze %dma_wait3A_1329 : memref<1x128x64xf32, #tpu.memory_space<vmem>> -> memref<128x64xf32, #tpu.memory_space<vmem>>
      %dma_wait3A_1331 = arith.constant 0 : i32
      %dma_wait3A_1332 = tpu.memref_slice %arg4[%add3A_1325, %dma_wait3A_1331] : memref<819200x64xf32, #tpu.memory_space<hbm>> -> memref<128x64xf32, #tpu.memory_space<hbm>>
      %dma_wait3A_1333 = arith.constant 0 : i32
      %dma_wait3A_1334 = tpu.memref_slice %arg4[%add3A_1325, %dma_wait3A_1333] : memref<819200x64xf32, #tpu.memory_space<hbm>> -> memref<128x64xf32, #tpu.memory_space<hbm>>
      %dma_wait3A_1335 = arith.constant 0 : i32
      %dma_wait3A_1336 = arith.constant 0 : i32
      %dma_wait3A_1337 = tpu.memref_slice %arg6[%dma_wait3A_1326, %dma_wait3A_1335, %dma_wait3A_1336] : memref<8x128x64xf32, #tpu.memory_space<vmem>> -> memref<1x128x64xf32, #tpu.memory_space<vmem>>
      %dma_wait3A_1338 = tpu.memref_squeeze %dma_wait3A_1337 : memref<1x128x64xf32, #tpu.memory_space<vmem>> -> memref<128x64xf32, #tpu.memory_space<vmem>>
      tpu.wait_dma2 semaphore(%arg18 : memref<!tpu.dma_semaphore, #tpu.memory_space<semaphore_mem>>) src(%dma_wait3A_1338 : memref<128x64xf32, #tpu.memory_space<vmem>>) dst(%dma_wait3A_1334 : memref<128x64xf32, #tpu.memory_space<hbm>>)
      %add3A_1339 = arith.constant 4 : i32
      %add3A_1340 = arith.addi %add3A_1293, %add3A_1339 : i32
      %dma_start3A_1341 = arith.constant 3 : i32
      %dma_start3A_1342 = arith.constant 0 : i32
      %dma_start3A_1343 = arith.constant 0 : i32
      %dma_start3A_1344 = tpu.memref_slice %arg6[%dma_start3A_1341, %dma_start3A_1342, %dma_start3A_1343] : memref<8x128x64xf32, #tpu.memory_space<vmem>> -> memref<1x128x64xf32, #tpu.memory_space<vmem>>
      %dma_start3A_1345 = tpu.memref_squeeze %dma_start3A_1344 : memref<1x128x64xf32, #tpu.memory_space<vmem>> -> memref<128x64xf32, #tpu.memory_space<vmem>>
      %dma_start3A_1346 = arith.constant 0 : i32
      %dma_start3A_1347 = tpu.memref_slice %arg5[%add3A_1340, %dma_start3A_1346] : memref<200x128xi32, #tpu.memory_space<vmem>> -> memref<1x128xi32, #tpu.memory_space<vmem>>
      %dma_start3A_1348 = tpu.memref_squeeze %dma_start3A_1347 : memref<1x128xi32, #tpu.memory_space<vmem>> -> memref<128xi32, #tpu.memory_space<vmem>>
      %dma_start3A_1349 = arith.constant 0 : i32
      %dma_start3A_1350 = arith.constant 0 : i32
      %dma_start3A_1351 = tpu.memref_slice %arg3[%dma_start3A_1349, %dma_start3A_1350] : memref<1000000x64xf32, #tpu.memory_space<hbm>> -> memref<1000000x64xf32, #tpu.memory_space<hbm>>
      tpu.enqueue_indirect_dma source(%dma_start3A_1351 : memref<1000000x64xf32, #tpu.memory_space<hbm>>) target(%dma_start3A_1345 : memref<128x64xf32, #tpu.memory_space<vmem>>) offsets(%dma_start3A_1348 : memref<128xi32, #tpu.memory_space<vmem>>) semaphore(%arg10 : memref<!tpu.dma_semaphore, #tpu.memory_space<semaphore_mem>>)
    }
    %scan3A_425 = arith.constant 23 : i32
    %dma_wait3A_426 = arith.constant 192 : i32
    %dma_wait3A_427 = arith.constant 0 : i32
    %dma_wait3A_428 = arith.constant 0 : i32
    %dma_wait3A_429 = arith.constant 0 : i32
    %dma_wait3A_430 = tpu.memref_slice %arg6[%dma_wait3A_427, %dma_wait3A_428, %dma_wait3A_429] : memref<8x128x64xf32, #tpu.memory_space<vmem>> -> memref<1x128x64xf32, #tpu.memory_space<vmem>>
    %dma_wait3A_431 = tpu.memref_squeeze %dma_wait3A_430 : memref<1x128x64xf32, #tpu.memory_space<vmem>> -> memref<128x64xf32, #tpu.memory_space<vmem>>
    %dma_wait3A_432 = arith.constant 0 : i32
    %dma_wait3A_433 = tpu.memref_slice %arg5[%dma_wait3A_426, %dma_wait3A_432] : memref<200x128xi32, #tpu.memory_space<vmem>> -> memref<1x128xi32, #tpu.memory_space<vmem>>
    %dma_wait3A_434 = tpu.memref_squeeze %dma_wait3A_433 : memref<1x128xi32, #tpu.memory_space<vmem>> -> memref<128xi32, #tpu.memory_space<vmem>>
    %dma_wait3A_435 = arith.constant 0 : i32
    %dma_wait3A_436 = arith.constant 0 : i32
    %dma_wait3A_437 = tpu.memref_slice %arg3[%dma_wait3A_435, %dma_wait3A_436] : memref<1000000x64xf32, #tpu.memory_space<hbm>> -> memref<1000000x64xf32, #tpu.memory_space<hbm>>
    tpu.wait_indirect_dma semaphore(%arg7 : memref<!tpu.dma_semaphore, #tpu.memory_space<semaphore_mem>>) src(%dma_wait3A_437 : memref<1000000x64xf32, #tpu.memory_space<hbm>>) dst(%dma_wait3A_431 : memref<128x64xf32, #tpu.memory_space<vmem>>)
    %add3A_438 = arith.constant 24576 : i32
    %add3A_439 = arith.addi %mul3A_2, %add3A_438 : i32
    %dma_start3A_440 = arith.constant 0 : i32
    %dma_start3A_441 = arith.constant 0 : i32
    %dma_start3A_442 = arith.constant 0 : i32
    %dma_start3A_443 = tpu.memref_slice %arg6[%dma_start3A_440, %dma_start3A_441, %dma_start3A_442] : memref<8x128x64xf32, #tpu.memory_space<vmem>> -> memref<1x128x64xf32, #tpu.memory_space<vmem>>
    %dma_start3A_444 = tpu.memref_squeeze %dma_start3A_443 : memref<1x128x64xf32, #tpu.memory_space<vmem>> -> memref<128x64xf32, #tpu.memory_space<vmem>>
    %dma_start3A_445 = arith.constant 0 : i32
    %dma_start3A_446 = tpu.memref_slice %arg4[%add3A_439, %dma_start3A_445] : memref<819200x64xf32, #tpu.memory_space<hbm>> -> memref<128x64xf32, #tpu.memory_space<hbm>>
    %dma_start3A_447 = arith.constant 0 : i32
    %dma_start3A_448 = tpu.memref_slice %arg4[%add3A_439, %dma_start3A_447] : memref<819200x64xf32, #tpu.memory_space<hbm>> -> memref<128x64xf32, #tpu.memory_space<hbm>>
    %dma_start3A_449 = arith.constant 0 : i32
    %dma_start3A_450 = arith.constant 0 : i32
    %dma_start3A_451 = tpu.memref_slice %arg6[%dma_start3A_440, %dma_start3A_449, %dma_start3A_450] : memref<8x128x64xf32, #tpu.memory_space<vmem>> -> memref<1x128x64xf32, #tpu.memory_space<vmem>>
    %dma_start3A_452 = tpu.memref_squeeze %dma_start3A_451 : memref<1x128x64xf32, #tpu.memory_space<vmem>> -> memref<128x64xf32, #tpu.memory_space<vmem>>
    tpu.enqueue_dma source(%dma_start3A_452 : memref<128x64xf32, #tpu.memory_space<vmem>>) target(%dma_start3A_448 : memref<128x64xf32, #tpu.memory_space<hbm>>) target_semaphore(%arg15 : memref<!tpu.dma_semaphore, #tpu.memory_space<semaphore_mem>>)
    %add3A_453 = arith.constant 24064 : i32
    %add3A_454 = arith.addi %mul3A_2, %add3A_453 : i32
    %dma_wait3A_455 = arith.constant 4 : i32
    %dma_wait3A_456 = arith.constant 0 : i32
    %dma_wait3A_457 = arith.constant 0 : i32
    %dma_wait3A_458 = tpu.memref_slice %arg6[%dma_wait3A_455, %dma_wait3A_456, %dma_wait3A_457] : memref<8x128x64xf32, #tpu.memory_space<vmem>> -> memref<1x128x64xf32, #tpu.memory_space<vmem>>
    %dma_wait3A_459 = tpu.memref_squeeze %dma_wait3A_458 : memref<1x128x64xf32, #tpu.memory_space<vmem>> -> memref<128x64xf32, #tpu.memory_space<vmem>>
    %dma_wait3A_460 = arith.constant 0 : i32
    %dma_wait3A_461 = tpu.memref_slice %arg4[%add3A_454, %dma_wait3A_460] : memref<819200x64xf32, #tpu.memory_space<hbm>> -> memref<128x64xf32, #tpu.memory_space<hbm>>
    %dma_wait3A_462 = arith.constant 0 : i32
    %dma_wait3A_463 = tpu.memref_slice %arg4[%add3A_454, %dma_wait3A_462] : memref<819200x64xf32, #tpu.memory_space<hbm>> -> memref<128x64xf32, #tpu.memory_space<hbm>>
    %dma_wait3A_464 = arith.constant 0 : i32
    %dma_wait3A_465 = arith.constant 0 : i32
    %dma_wait3A_466 = tpu.memref_slice %arg6[%dma_wait3A_455, %dma_wait3A_464, %dma_wait3A_465] : memref<8x128x64xf32, #tpu.memory_space<vmem>> -> memref<1x128x64xf32, #tpu.memory_space<vmem>>
    %dma_wait3A_467 = tpu.memref_squeeze %dma_wait3A_466 : memref<1x128x64xf32, #tpu.memory_space<vmem>> -> memref<128x64xf32, #tpu.memory_space<vmem>>
    tpu.wait_dma2 semaphore(%arg19 : memref<!tpu.dma_semaphore, #tpu.memory_space<semaphore_mem>>) src(%dma_wait3A_467 : memref<128x64xf32, #tpu.memory_space<vmem>>) dst(%dma_wait3A_463 : memref<128x64xf32, #tpu.memory_space<hbm>>)
    %dma_start3A_468 = arith.constant 196 : i32
    %dma_start3A_469 = arith.constant 4 : i32
    %dma_start3A_470 = arith.constant 0 : i32
    %dma_start3A_471 = arith.constant 0 : i32
    %dma_start3A_472 = tpu.memref_slice %arg6[%dma_start3A_469, %dma_start3A_470, %dma_start3A_471] : memref<8x128x64xf32, #tpu.memory_space<vmem>> -> memref<1x128x64xf32, #tpu.memory_space<vmem>>
    %dma_start3A_473 = tpu.memref_squeeze %dma_start3A_472 : memref<1x128x64xf32, #tpu.memory_space<vmem>> -> memref<128x64xf32, #tpu.memory_space<vmem>>
    %dma_start3A_474 = arith.constant 0 : i32
    %dma_start3A_475 = tpu.memref_slice %arg5[%dma_start3A_468, %dma_start3A_474] : memref<200x128xi32, #tpu.memory_space<vmem>> -> memref<1x128xi32, #tpu.memory_space<vmem>>
    %dma_start3A_476 = tpu.memref_squeeze %dma_start3A_475 : memref<1x128xi32, #tpu.memory_space<vmem>> -> memref<128xi32, #tpu.memory_space<vmem>>
    %dma_start3A_477 = arith.constant 0 : i32
    %dma_start3A_478 = arith.constant 0 : i32
    %dma_start3A_479 = tpu.memref_slice %arg3[%dma_start3A_477, %dma_start3A_478] : memref<1000000x64xf32, #tpu.memory_space<hbm>> -> memref<1000000x64xf32, #tpu.memory_space<hbm>>
    tpu.enqueue_indirect_dma source(%dma_start3A_479 : memref<1000000x64xf32, #tpu.memory_space<hbm>>) target(%dma_start3A_473 : memref<128x64xf32, #tpu.memory_space<vmem>>) offsets(%dma_start3A_476 : memref<128xi32, #tpu.memory_space<vmem>>) semaphore(%arg11 : memref<!tpu.dma_semaphore, #tpu.memory_space<semaphore_mem>>)
    %dma_wait3A_480 = arith.constant 193 : i32
    %dma_wait3A_481 = arith.constant 1 : i32
    %dma_wait3A_482 = arith.constant 0 : i32
    %dma_wait3A_483 = arith.constant 0 : i32
    %dma_wait3A_484 = tpu.memref_slice %arg6[%dma_wait3A_481, %dma_wait3A_482, %dma_wait3A_483] : memref<8x128x64xf32, #tpu.memory_space<vmem>> -> memref<1x128x64xf32, #tpu.memory_space<vmem>>
    %dma_wait3A_485 = tpu.memref_squeeze %dma_wait3A_484 : memref<1x128x64xf32, #tpu.memory_space<vmem>> -> memref<128x64xf32, #tpu.memory_space<vmem>>
    %dma_wait3A_486 = arith.constant 0 : i32
    %dma_wait3A_487 = tpu.memref_slice %arg5[%dma_wait3A_480, %dma_wait3A_486] : memref<200x128xi32, #tpu.memory_space<vmem>> -> memref<1x128xi32, #tpu.memory_space<vmem>>
    %dma_wait3A_488 = tpu.memref_squeeze %dma_wait3A_487 : memref<1x128xi32, #tpu.memory_space<vmem>> -> memref<128xi32, #tpu.memory_space<vmem>>
    %dma_wait3A_489 = arith.constant 0 : i32
    %dma_wait3A_490 = arith.constant 0 : i32
    %dma_wait3A_491 = tpu.memref_slice %arg3[%dma_wait3A_489, %dma_wait3A_490] : memref<1000000x64xf32, #tpu.memory_space<hbm>> -> memref<1000000x64xf32, #tpu.memory_space<hbm>>
    tpu.wait_indirect_dma semaphore(%arg8 : memref<!tpu.dma_semaphore, #tpu.memory_space<semaphore_mem>>) src(%dma_wait3A_491 : memref<1000000x64xf32, #tpu.memory_space<hbm>>) dst(%dma_wait3A_485 : memref<128x64xf32, #tpu.memory_space<vmem>>)
    %add3A_492 = arith.constant 24704 : i32
    %add3A_493 = arith.addi %mul3A_2, %add3A_492 : i32
    %dma_start3A_494 = arith.constant 1 : i32
    %dma_start3A_495 = arith.constant 0 : i32
    %dma_start3A_496 = arith.constant 0 : i32
    %dma_start3A_497 = tpu.memref_slice %arg6[%dma_start3A_494, %dma_start3A_495, %dma_start3A_496] : memref<8x128x64xf32, #tpu.memory_space<vmem>> -> memref<1x128x64xf32, #tpu.memory_space<vmem>>
    %dma_start3A_498 = tpu.memref_squeeze %dma_start3A_497 : memref<1x128x64xf32, #tpu.memory_space<vmem>> -> memref<128x64xf32, #tpu.memory_space<vmem>>
    %dma_start3A_499 = arith.constant 0 : i32
    %dma_start3A_500 = tpu.memref_slice %arg4[%add3A_493, %dma_start3A_499] : memref<819200x64xf32, #tpu.memory_space<hbm>> -> memref<128x64xf32, #tpu.memory_space<hbm>>
    %dma_start3A_501 = arith.constant 0 : i32
    %dma_start3A_502 = tpu.memref_slice %arg4[%add3A_493, %dma_start3A_501] : memref<819200x64xf32, #tpu.memory_space<hbm>> -> memref<128x64xf32, #tpu.memory_space<hbm>>
    %dma_start3A_503 = arith.constant 0 : i32
    %dma_start3A_504 = arith.constant 0 : i32
    %dma_start3A_505 = tpu.memref_slice %arg6[%dma_start3A_494, %dma_start3A_503, %dma_start3A_504] : memref<8x128x64xf32, #tpu.memory_space<vmem>> -> memref<1x128x64xf32, #tpu.memory_space<vmem>>
    %dma_start3A_506 = tpu.memref_squeeze %dma_start3A_505 : memref<1x128x64xf32, #tpu.memory_space<vmem>> -> memref<128x64xf32, #tpu.memory_space<vmem>>
    tpu.enqueue_dma source(%dma_start3A_506 : memref<128x64xf32, #tpu.memory_space<vmem>>) target(%dma_start3A_502 : memref<128x64xf32, #tpu.memory_space<hbm>>) target_semaphore(%arg16 : memref<!tpu.dma_semaphore, #tpu.memory_space<semaphore_mem>>)
    %add3A_507 = arith.constant 24192 : i32
    %add3A_508 = arith.addi %mul3A_2, %add3A_507 : i32
    %dma_wait3A_509 = arith.constant 5 : i32
    %dma_wait3A_510 = arith.constant 0 : i32
    %dma_wait3A_511 = arith.constant 0 : i32
    %dma_wait3A_512 = tpu.memref_slice %arg6[%dma_wait3A_509, %dma_wait3A_510, %dma_wait3A_511] : memref<8x128x64xf32, #tpu.memory_space<vmem>> -> memref<1x128x64xf32, #tpu.memory_space<vmem>>
    %dma_wait3A_513 = tpu.memref_squeeze %dma_wait3A_512 : memref<1x128x64xf32, #tpu.memory_space<vmem>> -> memref<128x64xf32, #tpu.memory_space<vmem>>
    %dma_wait3A_514 = arith.constant 0 : i32
    %dma_wait3A_515 = tpu.memref_slice %arg4[%add3A_508, %dma_wait3A_514] : memref<819200x64xf32, #tpu.memory_space<hbm>> -> memref<128x64xf32, #tpu.memory_space<hbm>>
    %dma_wait3A_516 = arith.constant 0 : i32
    %dma_wait3A_517 = tpu.memref_slice %arg4[%add3A_508, %dma_wait3A_516] : memref<819200x64xf32, #tpu.memory_space<hbm>> -> memref<128x64xf32, #tpu.memory_space<hbm>>
    %dma_wait3A_518 = arith.constant 0 : i32
    %dma_wait3A_519 = arith.constant 0 : i32
    %dma_wait3A_520 = tpu.memref_slice %arg6[%dma_wait3A_509, %dma_wait3A_518, %dma_wait3A_519] : memref<8x128x64xf32, #tpu.memory_space<vmem>> -> memref<1x128x64xf32, #tpu.memory_space<vmem>>
    %dma_wait3A_521 = tpu.memref_squeeze %dma_wait3A_520 : memref<1x128x64xf32, #tpu.memory_space<vmem>> -> memref<128x64xf32, #tpu.memory_space<vmem>>
    tpu.wait_dma2 semaphore(%arg20 : memref<!tpu.dma_semaphore, #tpu.memory_space<semaphore_mem>>) src(%dma_wait3A_521 : memref<128x64xf32, #tpu.memory_space<vmem>>) dst(%dma_wait3A_517 : memref<128x64xf32, #tpu.memory_space<hbm>>)
    %dma_start3A_522 = arith.constant 197 : i32
    %dma_start3A_523 = arith.constant 5 : i32
    %dma_start3A_524 = arith.constant 0 : i32
    %dma_start3A_525 = arith.constant 0 : i32
    %dma_start3A_526 = tpu.memref_slice %arg6[%dma_start3A_523, %dma_start3A_524, %dma_start3A_525] : memref<8x128x64xf32, #tpu.memory_space<vmem>> -> memref<1x128x64xf32, #tpu.memory_space<vmem>>
    %dma_start3A_527 = tpu.memref_squeeze %dma_start3A_526 : memref<1x128x64xf32, #tpu.memory_space<vmem>> -> memref<128x64xf32, #tpu.memory_space<vmem>>
    %dma_start3A_528 = arith.constant 0 : i32
    %dma_start3A_529 = tpu.memref_slice %arg5[%dma_start3A_522, %dma_start3A_528] : memref<200x128xi32, #tpu.memory_space<vmem>> -> memref<1x128xi32, #tpu.memory_space<vmem>>
    %dma_start3A_530 = tpu.memref_squeeze %dma_start3A_529 : memref<1x128xi32, #tpu.memory_space<vmem>> -> memref<128xi32, #tpu.memory_space<vmem>>
    %dma_start3A_531 = arith.constant 0 : i32
    %dma_start3A_532 = arith.constant 0 : i32
    %dma_start3A_533 = tpu.memref_slice %arg3[%dma_start3A_531, %dma_start3A_532] : memref<1000000x64xf32, #tpu.memory_space<hbm>> -> memref<1000000x64xf32, #tpu.memory_space<hbm>>
    tpu.enqueue_indirect_dma source(%dma_start3A_533 : memref<1000000x64xf32, #tpu.memory_space<hbm>>) target(%dma_start3A_527 : memref<128x64xf32, #tpu.memory_space<vmem>>) offsets(%dma_start3A_530 : memref<128xi32, #tpu.memory_space<vmem>>) semaphore(%arg12 : memref<!tpu.dma_semaphore, #tpu.memory_space<semaphore_mem>>)
    %dma_wait3A_534 = arith.constant 194 : i32
    %dma_wait3A_535 = arith.constant 2 : i32
    %dma_wait3A_536 = arith.constant 0 : i32
    %dma_wait3A_537 = arith.constant 0 : i32
    %dma_wait3A_538 = tpu.memref_slice %arg6[%dma_wait3A_535, %dma_wait3A_536, %dma_wait3A_537] : memref<8x128x64xf32, #tpu.memory_space<vmem>> -> memref<1x128x64xf32, #tpu.memory_space<vmem>>
    %dma_wait3A_539 = tpu.memref_squeeze %dma_wait3A_538 : memref<1x128x64xf32, #tpu.memory_space<vmem>> -> memref<128x64xf32, #tpu.memory_space<vmem>>
    %dma_wait3A_540 = arith.constant 0 : i32
    %dma_wait3A_541 = tpu.memref_slice %arg5[%dma_wait3A_534, %dma_wait3A_540] : memref<200x128xi32, #tpu.memory_space<vmem>> -> memref<1x128xi32, #tpu.memory_space<vmem>>
    %dma_wait3A_542 = tpu.memref_squeeze %dma_wait3A_541 : memref<1x128xi32, #tpu.memory_space<vmem>> -> memref<128xi32, #tpu.memory_space<vmem>>
    %dma_wait3A_543 = arith.constant 0 : i32
    %dma_wait3A_544 = arith.constant 0 : i32
    %dma_wait3A_545 = tpu.memref_slice %arg3[%dma_wait3A_543, %dma_wait3A_544] : memref<1000000x64xf32, #tpu.memory_space<hbm>> -> memref<1000000x64xf32, #tpu.memory_space<hbm>>
    tpu.wait_indirect_dma semaphore(%arg9 : memref<!tpu.dma_semaphore, #tpu.memory_space<semaphore_mem>>) src(%dma_wait3A_545 : memref<1000000x64xf32, #tpu.memory_space<hbm>>) dst(%dma_wait3A_539 : memref<128x64xf32, #tpu.memory_space<vmem>>)
    %add3A_546 = arith.constant 24832 : i32
    %add3A_547 = arith.addi %mul3A_2, %add3A_546 : i32
    %dma_start3A_548 = arith.constant 2 : i32
    %dma_start3A_549 = arith.constant 0 : i32
    %dma_start3A_550 = arith.constant 0 : i32
    %dma_start3A_551 = tpu.memref_slice %arg6[%dma_start3A_548, %dma_start3A_549, %dma_start3A_550] : memref<8x128x64xf32, #tpu.memory_space<vmem>> -> memref<1x128x64xf32, #tpu.memory_space<vmem>>
    %dma_start3A_552 = tpu.memref_squeeze %dma_start3A_551 : memref<1x128x64xf32, #tpu.memory_space<vmem>> -> memref<128x64xf32, #tpu.memory_space<vmem>>
    %dma_start3A_553 = arith.constant 0 : i32
    %dma_start3A_554 = tpu.memref_slice %arg4[%add3A_547, %dma_start3A_553] : memref<819200x64xf32, #tpu.memory_space<hbm>> -> memref<128x64xf32, #tpu.memory_space<hbm>>
    %dma_start3A_555 = arith.constant 0 : i32
    %dma_start3A_556 = tpu.memref_slice %arg4[%add3A_547, %dma_start3A_555] : memref<819200x64xf32, #tpu.memory_space<hbm>> -> memref<128x64xf32, #tpu.memory_space<hbm>>
    %dma_start3A_557 = arith.constant 0 : i32
    %dma_start3A_558 = arith.constant 0 : i32
    %dma_start3A_559 = tpu.memref_slice %arg6[%dma_start3A_548, %dma_start3A_557, %dma_start3A_558] : memref<8x128x64xf32, #tpu.memory_space<vmem>> -> memref<1x128x64xf32, #tpu.memory_space<vmem>>
    %dma_start3A_560 = tpu.memref_squeeze %dma_start3A_559 : memref<1x128x64xf32, #tpu.memory_space<vmem>> -> memref<128x64xf32, #tpu.memory_space<vmem>>
    tpu.enqueue_dma source(%dma_start3A_560 : memref<128x64xf32, #tpu.memory_space<vmem>>) target(%dma_start3A_556 : memref<128x64xf32, #tpu.memory_space<hbm>>) target_semaphore(%arg17 : memref<!tpu.dma_semaphore, #tpu.memory_space<semaphore_mem>>)
    %add3A_561 = arith.constant 24320 : i32
    %add3A_562 = arith.addi %mul3A_2, %add3A_561 : i32
    %dma_wait3A_563 = arith.constant 6 : i32
    %dma_wait3A_564 = arith.constant 0 : i32
    %dma_wait3A_565 = arith.constant 0 : i32
    %dma_wait3A_566 = tpu.memref_slice %arg6[%dma_wait3A_563, %dma_wait3A_564, %dma_wait3A_565] : memref<8x128x64xf32, #tpu.memory_space<vmem>> -> memref<1x128x64xf32, #tpu.memory_space<vmem>>
    %dma_wait3A_567 = tpu.memref_squeeze %dma_wait3A_566 : memref<1x128x64xf32, #tpu.memory_space<vmem>> -> memref<128x64xf32, #tpu.memory_space<vmem>>
    %dma_wait3A_568 = arith.constant 0 : i32
    %dma_wait3A_569 = tpu.memref_slice %arg4[%add3A_562, %dma_wait3A_568] : memref<819200x64xf32, #tpu.memory_space<hbm>> -> memref<128x64xf32, #tpu.memory_space<hbm>>
    %dma_wait3A_570 = arith.constant 0 : i32
    %dma_wait3A_571 = tpu.memref_slice %arg4[%add3A_562, %dma_wait3A_570] : memref<819200x64xf32, #tpu.memory_space<hbm>> -> memref<128x64xf32, #tpu.memory_space<hbm>>
    %dma_wait3A_572 = arith.constant 0 : i32
    %dma_wait3A_573 = arith.constant 0 : i32
    %dma_wait3A_574 = tpu.memref_slice %arg6[%dma_wait3A_563, %dma_wait3A_572, %dma_wait3A_573] : memref<8x128x64xf32, #tpu.memory_space<vmem>> -> memref<1x128x64xf32, #tpu.memory_space<vmem>>
    %dma_wait3A_575 = tpu.memref_squeeze %dma_wait3A_574 : memref<1x128x64xf32, #tpu.memory_space<vmem>> -> memref<128x64xf32, #tpu.memory_space<vmem>>
    tpu.wait_dma2 semaphore(%arg21 : memref<!tpu.dma_semaphore, #tpu.memory_space<semaphore_mem>>) src(%dma_wait3A_575 : memref<128x64xf32, #tpu.memory_space<vmem>>) dst(%dma_wait3A_571 : memref<128x64xf32, #tpu.memory_space<hbm>>)
    %dma_start3A_576 = arith.constant 198 : i32
    %dma_start3A_577 = arith.constant 6 : i32
    %dma_start3A_578 = arith.constant 0 : i32
    %dma_start3A_579 = arith.constant 0 : i32
    %dma_start3A_580 = tpu.memref_slice %arg6[%dma_start3A_577, %dma_start3A_578, %dma_start3A_579] : memref<8x128x64xf32, #tpu.memory_space<vmem>> -> memref<1x128x64xf32, #tpu.memory_space<vmem>>
    %dma_start3A_581 = tpu.memref_squeeze %dma_start3A_580 : memref<1x128x64xf32, #tpu.memory_space<vmem>> -> memref<128x64xf32, #tpu.memory_space<vmem>>
    %dma_start3A_582 = arith.constant 0 : i32
    %dma_start3A_583 = tpu.memref_slice %arg5[%dma_start3A_576, %dma_start3A_582] : memref<200x128xi32, #tpu.memory_space<vmem>> -> memref<1x128xi32, #tpu.memory_space<vmem>>
    %dma_start3A_584 = tpu.memref_squeeze %dma_start3A_583 : memref<1x128xi32, #tpu.memory_space<vmem>> -> memref<128xi32, #tpu.memory_space<vmem>>
    %dma_start3A_585 = arith.constant 0 : i32
    %dma_start3A_586 = arith.constant 0 : i32
    %dma_start3A_587 = tpu.memref_slice %arg3[%dma_start3A_585, %dma_start3A_586] : memref<1000000x64xf32, #tpu.memory_space<hbm>> -> memref<1000000x64xf32, #tpu.memory_space<hbm>>
    tpu.enqueue_indirect_dma source(%dma_start3A_587 : memref<1000000x64xf32, #tpu.memory_space<hbm>>) target(%dma_start3A_581 : memref<128x64xf32, #tpu.memory_space<vmem>>) offsets(%dma_start3A_584 : memref<128xi32, #tpu.memory_space<vmem>>) semaphore(%arg13 : memref<!tpu.dma_semaphore, #tpu.memory_space<semaphore_mem>>)
    %dma_wait3A_588 = arith.constant 195 : i32
    %dma_wait3A_589 = arith.constant 3 : i32
    %dma_wait3A_590 = arith.constant 0 : i32
    %dma_wait3A_591 = arith.constant 0 : i32
    %dma_wait3A_592 = tpu.memref_slice %arg6[%dma_wait3A_589, %dma_wait3A_590, %dma_wait3A_591] : memref<8x128x64xf32, #tpu.memory_space<vmem>> -> memref<1x128x64xf32, #tpu.memory_space<vmem>>
    %dma_wait3A_593 = tpu.memref_squeeze %dma_wait3A_592 : memref<1x128x64xf32, #tpu.memory_space<vmem>> -> memref<128x64xf32, #tpu.memory_space<vmem>>
    %dma_wait3A_594 = arith.constant 0 : i32
    %dma_wait3A_595 = tpu.memref_slice %arg5[%dma_wait3A_588, %dma_wait3A_594] : memref<200x128xi32, #tpu.memory_space<vmem>> -> memref<1x128xi32, #tpu.memory_space<vmem>>
    %dma_wait3A_596 = tpu.memref_squeeze %dma_wait3A_595 : memref<1x128xi32, #tpu.memory_space<vmem>> -> memref<128xi32, #tpu.memory_space<vmem>>
    %dma_wait3A_597 = arith.constant 0 : i32
    %dma_wait3A_598 = arith.constant 0 : i32
    %dma_wait3A_599 = tpu.memref_slice %arg3[%dma_wait3A_597, %dma_wait3A_598] : memref<1000000x64xf32, #tpu.memory_space<hbm>> -> memref<1000000x64xf32, #tpu.memory_space<hbm>>
    tpu.wait_indirect_dma semaphore(%arg10 : memref<!tpu.dma_semaphore, #tpu.memory_space<semaphore_mem>>) src(%dma_wait3A_599 : memref<1000000x64xf32, #tpu.memory_space<hbm>>) dst(%dma_wait3A_593 : memref<128x64xf32, #tpu.memory_space<vmem>>)
    %add3A_600 = arith.constant 24960 : i32
    %add3A_601 = arith.addi %mul3A_2, %add3A_600 : i32
    %dma_start3A_602 = arith.constant 3 : i32
    %dma_start3A_603 = arith.constant 0 : i32
    %dma_start3A_604 = arith.constant 0 : i32
    %dma_start3A_605 = tpu.memref_slice %arg6[%dma_start3A_602, %dma_start3A_603, %dma_start3A_604] : memref<8x128x64xf32, #tpu.memory_space<vmem>> -> memref<1x128x64xf32, #tpu.memory_space<vmem>>
    %dma_start3A_606 = tpu.memref_squeeze %dma_start3A_605 : memref<1x128x64xf32, #tpu.memory_space<vmem>> -> memref<128x64xf32, #tpu.memory_space<vmem>>
    %dma_start3A_607 = arith.constant 0 : i32
    %dma_start3A_608 = tpu.memref_slice %arg4[%add3A_601, %dma_start3A_607] : memref<819200x64xf32, #tpu.memory_space<hbm>> -> memref<128x64xf32, #tpu.memory_space<hbm>>
    %dma_start3A_609 = arith.constant 0 : i32
    %dma_start3A_610 = tpu.memref_slice %arg4[%add3A_601, %dma_start3A_609] : memref<819200x64xf32, #tpu.memory_space<hbm>> -> memref<128x64xf32, #tpu.memory_space<hbm>>
    %dma_start3A_611 = arith.constant 0 : i32
    %dma_start3A_612 = arith.constant 0 : i32
    %dma_start3A_613 = tpu.memref_slice %arg6[%dma_start3A_602, %dma_start3A_611, %dma_start3A_612] : memref<8x128x64xf32, #tpu.memory_space<vmem>> -> memref<1x128x64xf32, #tpu.memory_space<vmem>>
    %dma_start3A_614 = tpu.memref_squeeze %dma_start3A_613 : memref<1x128x64xf32, #tpu.memory_space<vmem>> -> memref<128x64xf32, #tpu.memory_space<vmem>>
    tpu.enqueue_dma source(%dma_start3A_614 : memref<128x64xf32, #tpu.memory_space<vmem>>) target(%dma_start3A_610 : memref<128x64xf32, #tpu.memory_space<hbm>>) target_semaphore(%arg18 : memref<!tpu.dma_semaphore, #tpu.memory_space<semaphore_mem>>)
    %add3A_615 = arith.constant 24448 : i32
    %add3A_616 = arith.addi %mul3A_2, %add3A_615 : i32
    %dma_wait3A_617 = arith.constant 7 : i32
    %dma_wait3A_618 = arith.constant 0 : i32
    %dma_wait3A_619 = arith.constant 0 : i32
    %dma_wait3A_620 = tpu.memref_slice %arg6[%dma_wait3A_617, %dma_wait3A_618, %dma_wait3A_619] : memref<8x128x64xf32, #tpu.memory_space<vmem>> -> memref<1x128x64xf32, #tpu.memory_space<vmem>>
    %dma_wait3A_621 = tpu.memref_squeeze %dma_wait3A_620 : memref<1x128x64xf32, #tpu.memory_space<vmem>> -> memref<128x64xf32, #tpu.memory_space<vmem>>
    %dma_wait3A_622 = arith.constant 0 : i32
    %dma_wait3A_623 = tpu.memref_slice %arg4[%add3A_616, %dma_wait3A_622] : memref<819200x64xf32, #tpu.memory_space<hbm>> -> memref<128x64xf32, #tpu.memory_space<hbm>>
    %dma_wait3A_624 = arith.constant 0 : i32
    %dma_wait3A_625 = tpu.memref_slice %arg4[%add3A_616, %dma_wait3A_624] : memref<819200x64xf32, #tpu.memory_space<hbm>> -> memref<128x64xf32, #tpu.memory_space<hbm>>
    %dma_wait3A_626 = arith.constant 0 : i32
    %dma_wait3A_627 = arith.constant 0 : i32
    %dma_wait3A_628 = tpu.memref_slice %arg6[%dma_wait3A_617, %dma_wait3A_626, %dma_wait3A_627] : memref<8x128x64xf32, #tpu.memory_space<vmem>> -> memref<1x128x64xf32, #tpu.memory_space<vmem>>
    %dma_wait3A_629 = tpu.memref_squeeze %dma_wait3A_628 : memref<1x128x64xf32, #tpu.memory_space<vmem>> -> memref<128x64xf32, #tpu.memory_space<vmem>>
    tpu.wait_dma2 semaphore(%arg22 : memref<!tpu.dma_semaphore, #tpu.memory_space<semaphore_mem>>) src(%dma_wait3A_629 : memref<128x64xf32, #tpu.memory_space<vmem>>) dst(%dma_wait3A_625 : memref<128x64xf32, #tpu.memory_space<hbm>>)
    %dma_start3A_630 = arith.constant 199 : i32
    %dma_start3A_631 = arith.constant 7 : i32
    %dma_start3A_632 = arith.constant 0 : i32
    %dma_start3A_633 = arith.constant 0 : i32
    %dma_start3A_634 = tpu.memref_slice %arg6[%dma_start3A_631, %dma_start3A_632, %dma_start3A_633] : memref<8x128x64xf32, #tpu.memory_space<vmem>> -> memref<1x128x64xf32, #tpu.memory_space<vmem>>
    %dma_start3A_635 = tpu.memref_squeeze %dma_start3A_634 : memref<1x128x64xf32, #tpu.memory_space<vmem>> -> memref<128x64xf32, #tpu.memory_space<vmem>>
    %dma_start3A_636 = arith.constant 0 : i32
    %dma_start3A_637 = tpu.memref_slice %arg5[%dma_start3A_630, %dma_start3A_636] : memref<200x128xi32, #tpu.memory_space<vmem>> -> memref<1x128xi32, #tpu.memory_space<vmem>>
    %dma_start3A_638 = tpu.memref_squeeze %dma_start3A_637 : memref<1x128xi32, #tpu.memory_space<vmem>> -> memref<128xi32, #tpu.memory_space<vmem>>
    %dma_start3A_639 = arith.constant 0 : i32
    %dma_start3A_640 = arith.constant 0 : i32
    %dma_start3A_641 = tpu.memref_slice %arg3[%dma_start3A_639, %dma_start3A_640] : memref<1000000x64xf32, #tpu.memory_space<hbm>> -> memref<1000000x64xf32, #tpu.memory_space<hbm>>
    tpu.enqueue_indirect_dma source(%dma_start3A_641 : memref<1000000x64xf32, #tpu.memory_space<hbm>>) target(%dma_start3A_635 : memref<128x64xf32, #tpu.memory_space<vmem>>) offsets(%dma_start3A_638 : memref<128xi32, #tpu.memory_space<vmem>>) semaphore(%arg14 : memref<!tpu.dma_semaphore, #tpu.memory_space<semaphore_mem>>)
    %dma_wait3A_642 = arith.constant 196 : i32
    %dma_wait3A_643 = arith.constant 4 : i32
    %dma_wait3A_644 = arith.constant 0 : i32
    %dma_wait3A_645 = arith.constant 0 : i32
    %dma_wait3A_646 = tpu.memref_slice %arg6[%dma_wait3A_643, %dma_wait3A_644, %dma_wait3A_645] : memref<8x128x64xf32, #tpu.memory_space<vmem>> -> memref<1x128x64xf32, #tpu.memory_space<vmem>>
    %dma_wait3A_647 = tpu.memref_squeeze %dma_wait3A_646 : memref<1x128x64xf32, #tpu.memory_space<vmem>> -> memref<128x64xf32, #tpu.memory_space<vmem>>
    %dma_wait3A_648 = arith.constant 0 : i32
    %dma_wait3A_649 = tpu.memref_slice %arg5[%dma_wait3A_642, %dma_wait3A_648] : memref<200x128xi32, #tpu.memory_space<vmem>> -> memref<1x128xi32, #tpu.memory_space<vmem>>
    %dma_wait3A_650 = tpu.memref_squeeze %dma_wait3A_649 : memref<1x128xi32, #tpu.memory_space<vmem>> -> memref<128xi32, #tpu.memory_space<vmem>>
    %dma_wait3A_651 = arith.constant 0 : i32
    %dma_wait3A_652 = arith.constant 0 : i32
    %dma_wait3A_653 = tpu.memref_slice %arg3[%dma_wait3A_651, %dma_wait3A_652] : memref<1000000x64xf32, #tpu.memory_space<hbm>> -> memref<1000000x64xf32, #tpu.memory_space<hbm>>
    tpu.wait_indirect_dma semaphore(%arg11 : memref<!tpu.dma_semaphore, #tpu.memory_space<semaphore_mem>>) src(%dma_wait3A_653 : memref<1000000x64xf32, #tpu.memory_space<hbm>>) dst(%dma_wait3A_647 : memref<128x64xf32, #tpu.memory_space<vmem>>)
    %add3A_654 = arith.constant 25088 : i32
    %add3A_655 = arith.addi %mul3A_2, %add3A_654 : i32
    %dma_start3A_656 = arith.constant 4 : i32
    %dma_start3A_657 = arith.constant 0 : i32
    %dma_start3A_658 = arith.constant 0 : i32
    %dma_start3A_659 = tpu.memref_slice %arg6[%dma_start3A_656, %dma_start3A_657, %dma_start3A_658] : memref<8x128x64xf32, #tpu.memory_space<vmem>> -> memref<1x128x64xf32, #tpu.memory_space<vmem>>
    %dma_start3A_660 = tpu.memref_squeeze %dma_start3A_659 : memref<1x128x64xf32, #tpu.memory_space<vmem>> -> memref<128x64xf32, #tpu.memory_space<vmem>>
    %dma_start3A_661 = arith.constant 0 : i32
    %dma_start3A_662 = tpu.memref_slice %arg4[%add3A_655, %dma_start3A_661] : memref<819200x64xf32, #tpu.memory_space<hbm>> -> memref<128x64xf32, #tpu.memory_space<hbm>>
    %dma_start3A_663 = arith.constant 0 : i32
    %dma_start3A_664 = tpu.memref_slice %arg4[%add3A_655, %dma_start3A_663] : memref<819200x64xf32, #tpu.memory_space<hbm>> -> memref<128x64xf32, #tpu.memory_space<hbm>>
    %dma_start3A_665 = arith.constant 0 : i32
    %dma_start3A_666 = arith.constant 0 : i32
    %dma_start3A_667 = tpu.memref_slice %arg6[%dma_start3A_656, %dma_start3A_665, %dma_start3A_666] : memref<8x128x64xf32, #tpu.memory_space<vmem>> -> memref<1x128x64xf32, #tpu.memory_space<vmem>>
    %dma_start3A_668 = tpu.memref_squeeze %dma_start3A_667 : memref<1x128x64xf32, #tpu.memory_space<vmem>> -> memref<128x64xf32, #tpu.memory_space<vmem>>
    tpu.enqueue_dma source(%dma_start3A_668 : memref<128x64xf32, #tpu.memory_space<vmem>>) target(%dma_start3A_664 : memref<128x64xf32, #tpu.memory_space<hbm>>) target_semaphore(%arg19 : memref<!tpu.dma_semaphore, #tpu.memory_space<semaphore_mem>>)
    %add3A_669 = arith.constant 24576 : i32
    %add3A_670 = arith.addi %mul3A_2, %add3A_669 : i32
    %dma_wait3A_671 = arith.constant 0 : i32
    %dma_wait3A_672 = arith.constant 0 : i32
    %dma_wait3A_673 = arith.constant 0 : i32
    %dma_wait3A_674 = tpu.memref_slice %arg6[%dma_wait3A_671, %dma_wait3A_672, %dma_wait3A_673] : memref<8x128x64xf32, #tpu.memory_space<vmem>> -> memref<1x128x64xf32, #tpu.memory_space<vmem>>
    %dma_wait3A_675 = tpu.memref_squeeze %dma_wait3A_674 : memref<1x128x64xf32, #tpu.memory_space<vmem>> -> memref<128x64xf32, #tpu.memory_space<vmem>>
    %dma_wait3A_676 = arith.constant 0 : i32
    %dma_wait3A_677 = tpu.memref_slice %arg4[%add3A_670, %dma_wait3A_676] : memref<819200x64xf32, #tpu.memory_space<hbm>> -> memref<128x64xf32, #tpu.memory_space<hbm>>
    %dma_wait3A_678 = arith.constant 0 : i32
    %dma_wait3A_679 = tpu.memref_slice %arg4[%add3A_670, %dma_wait3A_678] : memref<819200x64xf32, #tpu.memory_space<hbm>> -> memref<128x64xf32, #tpu.memory_space<hbm>>
    %dma_wait3A_680 = arith.constant 0 : i32
    %dma_wait3A_681 = arith.constant 0 : i32
    %dma_wait3A_682 = tpu.memref_slice %arg6[%dma_wait3A_671, %dma_wait3A_680, %dma_wait3A_681] : memref<8x128x64xf32, #tpu.memory_space<vmem>> -> memref<1x128x64xf32, #tpu.memory_space<vmem>>
    %dma_wait3A_683 = tpu.memref_squeeze %dma_wait3A_682 : memref<1x128x64xf32, #tpu.memory_space<vmem>> -> memref<128x64xf32, #tpu.memory_space<vmem>>
    tpu.wait_dma2 semaphore(%arg15 : memref<!tpu.dma_semaphore, #tpu.memory_space<semaphore_mem>>) src(%dma_wait3A_683 : memref<128x64xf32, #tpu.memory_space<vmem>>) dst(%dma_wait3A_679 : memref<128x64xf32, #tpu.memory_space<hbm>>)
    %dma_wait3A_684 = arith.constant 197 : i32
    %dma_wait3A_685 = arith.constant 5 : i32
    %dma_wait3A_686 = arith.constant 0 : i32
    %dma_wait3A_687 = arith.constant 0 : i32
    %dma_wait3A_688 = tpu.memref_slice %arg6[%dma_wait3A_685, %dma_wait3A_686, %dma_wait3A_687] : memref<8x128x64xf32, #tpu.memory_space<vmem>> -> memref<1x128x64xf32, #tpu.memory_space<vmem>>
    %dma_wait3A_689 = tpu.memref_squeeze %dma_wait3A_688 : memref<1x128x64xf32, #tpu.memory_space<vmem>> -> memref<128x64xf32, #tpu.memory_space<vmem>>
    %dma_wait3A_690 = arith.constant 0 : i32
    %dma_wait3A_691 = tpu.memref_slice %arg5[%dma_wait3A_684, %dma_wait3A_690] : memref<200x128xi32, #tpu.memory_space<vmem>> -> memref<1x128xi32, #tpu.memory_space<vmem>>
    %dma_wait3A_692 = tpu.memref_squeeze %dma_wait3A_691 : memref<1x128xi32, #tpu.memory_space<vmem>> -> memref<128xi32, #tpu.memory_space<vmem>>
    %dma_wait3A_693 = arith.constant 0 : i32
    %dma_wait3A_694 = arith.constant 0 : i32
    %dma_wait3A_695 = tpu.memref_slice %arg3[%dma_wait3A_693, %dma_wait3A_694] : memref<1000000x64xf32, #tpu.memory_space<hbm>> -> memref<1000000x64xf32, #tpu.memory_space<hbm>>
    tpu.wait_indirect_dma semaphore(%arg12 : memref<!tpu.dma_semaphore, #tpu.memory_space<semaphore_mem>>) src(%dma_wait3A_695 : memref<1000000x64xf32, #tpu.memory_space<hbm>>) dst(%dma_wait3A_689 : memref<128x64xf32, #tpu.memory_space<vmem>>)
    %add3A_696 = arith.constant 25216 : i32
    %add3A_697 = arith.addi %mul3A_2, %add3A_696 : i32
    %dma_start3A_698 = arith.constant 5 : i32
    %dma_start3A_699 = arith.constant 0 : i32
    %dma_start3A_700 = arith.constant 0 : i32
    %dma_start3A_701 = tpu.memref_slice %arg6[%dma_start3A_698, %dma_start3A_699, %dma_start3A_700] : memref<8x128x64xf32, #tpu.memory_space<vmem>> -> memref<1x128x64xf32, #tpu.memory_space<vmem>>
    %dma_start3A_702 = tpu.memref_squeeze %dma_start3A_701 : memref<1x128x64xf32, #tpu.memory_space<vmem>> -> memref<128x64xf32, #tpu.memory_space<vmem>>
    %dma_start3A_703 = arith.constant 0 : i32
    %dma_start3A_704 = tpu.memref_slice %arg4[%add3A_697, %dma_start3A_703] : memref<819200x64xf32, #tpu.memory_space<hbm>> -> memref<128x64xf32, #tpu.memory_space<hbm>>
    %dma_start3A_705 = arith.constant 0 : i32
    %dma_start3A_706 = tpu.memref_slice %arg4[%add3A_697, %dma_start3A_705] : memref<819200x64xf32, #tpu.memory_space<hbm>> -> memref<128x64xf32, #tpu.memory_space<hbm>>
    %dma_start3A_707 = arith.constant 0 : i32
    %dma_start3A_708 = arith.constant 0 : i32
    %dma_start3A_709 = tpu.memref_slice %arg6[%dma_start3A_698, %dma_start3A_707, %dma_start3A_708] : memref<8x128x64xf32, #tpu.memory_space<vmem>> -> memref<1x128x64xf32, #tpu.memory_space<vmem>>
    %dma_start3A_710 = tpu.memref_squeeze %dma_start3A_709 : memref<1x128x64xf32, #tpu.memory_space<vmem>> -> memref<128x64xf32, #tpu.memory_space<vmem>>
    tpu.enqueue_dma source(%dma_start3A_710 : memref<128x64xf32, #tpu.memory_space<vmem>>) target(%dma_start3A_706 : memref<128x64xf32, #tpu.memory_space<hbm>>) target_semaphore(%arg20 : memref<!tpu.dma_semaphore, #tpu.memory_space<semaphore_mem>>)
    %add3A_711 = arith.constant 24704 : i32
    %add3A_712 = arith.addi %mul3A_2, %add3A_711 : i32
    %dma_wait3A_713 = arith.constant 1 : i32
    %dma_wait3A_714 = arith.constant 0 : i32
    %dma_wait3A_715 = arith.constant 0 : i32
    %dma_wait3A_716 = tpu.memref_slice %arg6[%dma_wait3A_713, %dma_wait3A_714, %dma_wait3A_715] : memref<8x128x64xf32, #tpu.memory_space<vmem>> -> memref<1x128x64xf32, #tpu.memory_space<vmem>>
    %dma_wait3A_717 = tpu.memref_squeeze %dma_wait3A_716 : memref<1x128x64xf32, #tpu.memory_space<vmem>> -> memref<128x64xf32, #tpu.memory_space<vmem>>
    %dma_wait3A_718 = arith.constant 0 : i32
    %dma_wait3A_719 = tpu.memref_slice %arg4[%add3A_712, %dma_wait3A_718] : memref<819200x64xf32, #tpu.memory_space<hbm>> -> memref<128x64xf32, #tpu.memory_space<hbm>>
    %dma_wait3A_720 = arith.constant 0 : i32
    %dma_wait3A_721 = tpu.memref_slice %arg4[%add3A_712, %dma_wait3A_720] : memref<819200x64xf32, #tpu.memory_space<hbm>> -> memref<128x64xf32, #tpu.memory_space<hbm>>
    %dma_wait3A_722 = arith.constant 0 : i32
    %dma_wait3A_723 = arith.constant 0 : i32
    %dma_wait3A_724 = tpu.memref_slice %arg6[%dma_wait3A_713, %dma_wait3A_722, %dma_wait3A_723] : memref<8x128x64xf32, #tpu.memory_space<vmem>> -> memref<1x128x64xf32, #tpu.memory_space<vmem>>
    %dma_wait3A_725 = tpu.memref_squeeze %dma_wait3A_724 : memref<1x128x64xf32, #tpu.memory_space<vmem>> -> memref<128x64xf32, #tpu.memory_space<vmem>>
    tpu.wait_dma2 semaphore(%arg16 : memref<!tpu.dma_semaphore, #tpu.memory_space<semaphore_mem>>) src(%dma_wait3A_725 : memref<128x64xf32, #tpu.memory_space<vmem>>) dst(%dma_wait3A_721 : memref<128x64xf32, #tpu.memory_space<hbm>>)
    %dma_wait3A_726 = arith.constant 198 : i32
    %dma_wait3A_727 = arith.constant 6 : i32
    %dma_wait3A_728 = arith.constant 0 : i32
    %dma_wait3A_729 = arith.constant 0 : i32
    %dma_wait3A_730 = tpu.memref_slice %arg6[%dma_wait3A_727, %dma_wait3A_728, %dma_wait3A_729] : memref<8x128x64xf32, #tpu.memory_space<vmem>> -> memref<1x128x64xf32, #tpu.memory_space<vmem>>
    %dma_wait3A_731 = tpu.memref_squeeze %dma_wait3A_730 : memref<1x128x64xf32, #tpu.memory_space<vmem>> -> memref<128x64xf32, #tpu.memory_space<vmem>>
    %dma_wait3A_732 = arith.constant 0 : i32
    %dma_wait3A_733 = tpu.memref_slice %arg5[%dma_wait3A_726, %dma_wait3A_732] : memref<200x128xi32, #tpu.memory_space<vmem>> -> memref<1x128xi32, #tpu.memory_space<vmem>>
    %dma_wait3A_734 = tpu.memref_squeeze %dma_wait3A_733 : memref<1x128xi32, #tpu.memory_space<vmem>> -> memref<128xi32, #tpu.memory_space<vmem>>
    %dma_wait3A_735 = arith.constant 0 : i32
    %dma_wait3A_736 = arith.constant 0 : i32
    %dma_wait3A_737 = tpu.memref_slice %arg3[%dma_wait3A_735, %dma_wait3A_736] : memref<1000000x64xf32, #tpu.memory_space<hbm>> -> memref<1000000x64xf32, #tpu.memory_space<hbm>>
    tpu.wait_indirect_dma semaphore(%arg13 : memref<!tpu.dma_semaphore, #tpu.memory_space<semaphore_mem>>) src(%dma_wait3A_737 : memref<1000000x64xf32, #tpu.memory_space<hbm>>) dst(%dma_wait3A_731 : memref<128x64xf32, #tpu.memory_space<vmem>>)
    %add3A_738 = arith.constant 25344 : i32
    %add3A_739 = arith.addi %mul3A_2, %add3A_738 : i32
    %dma_start3A_740 = arith.constant 6 : i32
    %dma_start3A_741 = arith.constant 0 : i32
    %dma_start3A_742 = arith.constant 0 : i32
    %dma_start3A_743 = tpu.memref_slice %arg6[%dma_start3A_740, %dma_start3A_741, %dma_start3A_742] : memref<8x128x64xf32, #tpu.memory_space<vmem>> -> memref<1x128x64xf32, #tpu.memory_space<vmem>>
    %dma_start3A_744 = tpu.memref_squeeze %dma_start3A_743 : memref<1x128x64xf32, #tpu.memory_space<vmem>> -> memref<128x64xf32, #tpu.memory_space<vmem>>
    %dma_start3A_745 = arith.constant 0 : i32
    %dma_start3A_746 = tpu.memref_slice %arg4[%add3A_739, %dma_start3A_745] : memref<819200x64xf32, #tpu.memory_space<hbm>> -> memref<128x64xf32, #tpu.memory_space<hbm>>
    %dma_start3A_747 = arith.constant 0 : i32
    %dma_start3A_748 = tpu.memref_slice %arg4[%add3A_739, %dma_start3A_747] : memref<819200x64xf32, #tpu.memory_space<hbm>> -> memref<128x64xf32, #tpu.memory_space<hbm>>
    %dma_start3A_749 = arith.constant 0 : i32
    %dma_start3A_750 = arith.constant 0 : i32
    %dma_start3A_751 = tpu.memref_slice %arg6[%dma_start3A_740, %dma_start3A_749, %dma_start3A_750] : memref<8x128x64xf32, #tpu.memory_space<vmem>> -> memref<1x128x64xf32, #tpu.memory_space<vmem>>
    %dma_start3A_752 = tpu.memref_squeeze %dma_start3A_751 : memref<1x128x64xf32, #tpu.memory_space<vmem>> -> memref<128x64xf32, #tpu.memory_space<vmem>>
    tpu.enqueue_dma source(%dma_start3A_752 : memref<128x64xf32, #tpu.memory_space<vmem>>) target(%dma_start3A_748 : memref<128x64xf32, #tpu.memory_space<hbm>>) target_semaphore(%arg21 : memref<!tpu.dma_semaphore, #tpu.memory_space<semaphore_mem>>)
    %add3A_753 = arith.constant 24832 : i32
    %add3A_754 = arith.addi %mul3A_2, %add3A_753 : i32
    %dma_wait3A_755 = arith.constant 2 : i32
    %dma_wait3A_756 = arith.constant 0 : i32
    %dma_wait3A_757 = arith.constant 0 : i32
    %dma_wait3A_758 = tpu.memref_slice %arg6[%dma_wait3A_755, %dma_wait3A_756, %dma_wait3A_757] : memref<8x128x64xf32, #tpu.memory_space<vmem>> -> memref<1x128x64xf32, #tpu.memory_space<vmem>>
    %dma_wait3A_759 = tpu.memref_squeeze %dma_wait3A_758 : memref<1x128x64xf32, #tpu.memory_space<vmem>> -> memref<128x64xf32, #tpu.memory_space<vmem>>
    %dma_wait3A_760 = arith.constant 0 : i32
    %dma_wait3A_761 = tpu.memref_slice %arg4[%add3A_754, %dma_wait3A_760] : memref<819200x64xf32, #tpu.memory_space<hbm>> -> memref<128x64xf32, #tpu.memory_space<hbm>>
    %dma_wait3A_762 = arith.constant 0 : i32
    %dma_wait3A_763 = tpu.memref_slice %arg4[%add3A_754, %dma_wait3A_762] : memref<819200x64xf32, #tpu.memory_space<hbm>> -> memref<128x64xf32, #tpu.memory_space<hbm>>
    %dma_wait3A_764 = arith.constant 0 : i32
    %dma_wait3A_765 = arith.constant 0 : i32
    %dma_wait3A_766 = tpu.memref_slice %arg6[%dma_wait3A_755, %dma_wait3A_764, %dma_wait3A_765] : memref<8x128x64xf32, #tpu.memory_space<vmem>> -> memref<1x128x64xf32, #tpu.memory_space<vmem>>
    %dma_wait3A_767 = tpu.memref_squeeze %dma_wait3A_766 : memref<1x128x64xf32, #tpu.memory_space<vmem>> -> memref<128x64xf32, #tpu.memory_space<vmem>>
    tpu.wait_dma2 semaphore(%arg17 : memref<!tpu.dma_semaphore, #tpu.memory_space<semaphore_mem>>) src(%dma_wait3A_767 : memref<128x64xf32, #tpu.memory_space<vmem>>) dst(%dma_wait3A_763 : memref<128x64xf32, #tpu.memory_space<hbm>>)
    %dma_wait3A_768 = arith.constant 199 : i32
    %dma_wait3A_769 = arith.constant 7 : i32
    %dma_wait3A_770 = arith.constant 0 : i32
    %dma_wait3A_771 = arith.constant 0 : i32
    %dma_wait3A_772 = tpu.memref_slice %arg6[%dma_wait3A_769, %dma_wait3A_770, %dma_wait3A_771] : memref<8x128x64xf32, #tpu.memory_space<vmem>> -> memref<1x128x64xf32, #tpu.memory_space<vmem>>
    %dma_wait3A_773 = tpu.memref_squeeze %dma_wait3A_772 : memref<1x128x64xf32, #tpu.memory_space<vmem>> -> memref<128x64xf32, #tpu.memory_space<vmem>>
    %dma_wait3A_774 = arith.constant 0 : i32
    %dma_wait3A_775 = tpu.memref_slice %arg5[%dma_wait3A_768, %dma_wait3A_774] : memref<200x128xi32, #tpu.memory_space<vmem>> -> memref<1x128xi32, #tpu.memory_space<vmem>>
    %dma_wait3A_776 = tpu.memref_squeeze %dma_wait3A_775 : memref<1x128xi32, #tpu.memory_space<vmem>> -> memref<128xi32, #tpu.memory_space<vmem>>
    %dma_wait3A_777 = arith.constant 0 : i32
    %dma_wait3A_778 = arith.constant 0 : i32
    %dma_wait3A_779 = tpu.memref_slice %arg3[%dma_wait3A_777, %dma_wait3A_778] : memref<1000000x64xf32, #tpu.memory_space<hbm>> -> memref<1000000x64xf32, #tpu.memory_space<hbm>>
    tpu.wait_indirect_dma semaphore(%arg14 : memref<!tpu.dma_semaphore, #tpu.memory_space<semaphore_mem>>) src(%dma_wait3A_779 : memref<1000000x64xf32, #tpu.memory_space<hbm>>) dst(%dma_wait3A_773 : memref<128x64xf32, #tpu.memory_space<vmem>>)
    %add3A_780 = arith.constant 25472 : i32
    %add3A_781 = arith.addi %mul3A_2, %add3A_780 : i32
    %dma_start3A_782 = arith.constant 7 : i32
    %dma_start3A_783 = arith.constant 0 : i32
    %dma_start3A_784 = arith.constant 0 : i32
    %dma_start3A_785 = tpu.memref_slice %arg6[%dma_start3A_782, %dma_start3A_783, %dma_start3A_784] : memref<8x128x64xf32, #tpu.memory_space<vmem>> -> memref<1x128x64xf32, #tpu.memory_space<vmem>>
    %dma_start3A_786 = tpu.memref_squeeze %dma_start3A_785 : memref<1x128x64xf32, #tpu.memory_space<vmem>> -> memref<128x64xf32, #tpu.memory_space<vmem>>
    %dma_start3A_787 = arith.constant 0 : i32
    %dma_start3A_788 = tpu.memref_slice %arg4[%add3A_781, %dma_start3A_787] : memref<819200x64xf32, #tpu.memory_space<hbm>> -> memref<128x64xf32, #tpu.memory_space<hbm>>
    %dma_start3A_789 = arith.constant 0 : i32
    %dma_start3A_790 = tpu.memref_slice %arg4[%add3A_781, %dma_start3A_789] : memref<819200x64xf32, #tpu.memory_space<hbm>> -> memref<128x64xf32, #tpu.memory_space<hbm>>
    %dma_start3A_791 = arith.constant 0 : i32
    %dma_start3A_792 = arith.constant 0 : i32
    %dma_start3A_793 = tpu.memref_slice %arg6[%dma_start3A_782, %dma_start3A_791, %dma_start3A_792] : memref<8x128x64xf32, #tpu.memory_space<vmem>> -> memref<1x128x64xf32, #tpu.memory_space<vmem>>
    %dma_start3A_794 = tpu.memref_squeeze %dma_start3A_793 : memref<1x128x64xf32, #tpu.memory_space<vmem>> -> memref<128x64xf32, #tpu.memory_space<vmem>>
    tpu.enqueue_dma source(%dma_start3A_794 : memref<128x64xf32, #tpu.memory_space<vmem>>) target(%dma_start3A_790 : memref<128x64xf32, #tpu.memory_space<hbm>>) target_semaphore(%arg22 : memref<!tpu.dma_semaphore, #tpu.memory_space<semaphore_mem>>)
    %add3A_795 = arith.constant 24960 : i32
    %add3A_796 = arith.addi %mul3A_2, %add3A_795 : i32
    %dma_wait3A_797 = arith.constant 3 : i32
    %dma_wait3A_798 = arith.constant 0 : i32
    %dma_wait3A_799 = arith.constant 0 : i32
    %dma_wait3A_800 = tpu.memref_slice %arg6[%dma_wait3A_797, %dma_wait3A_798, %dma_wait3A_799] : memref<8x128x64xf32, #tpu.memory_space<vmem>> -> memref<1x128x64xf32, #tpu.memory_space<vmem>>
    %dma_wait3A_801 = tpu.memref_squeeze %dma_wait3A_800 : memref<1x128x64xf32, #tpu.memory_space<vmem>> -> memref<128x64xf32, #tpu.memory_space<vmem>>
    %dma_wait3A_802 = arith.constant 0 : i32
    %dma_wait3A_803 = tpu.memref_slice %arg4[%add3A_796, %dma_wait3A_802] : memref<819200x64xf32, #tpu.memory_space<hbm>> -> memref<128x64xf32, #tpu.memory_space<hbm>>
    %dma_wait3A_804 = arith.constant 0 : i32
    %dma_wait3A_805 = tpu.memref_slice %arg4[%add3A_796, %dma_wait3A_804] : memref<819200x64xf32, #tpu.memory_space<hbm>> -> memref<128x64xf32, #tpu.memory_space<hbm>>
    %dma_wait3A_806 = arith.constant 0 : i32
    %dma_wait3A_807 = arith.constant 0 : i32
    %dma_wait3A_808 = tpu.memref_slice %arg6[%dma_wait3A_797, %dma_wait3A_806, %dma_wait3A_807] : memref<8x128x64xf32, #tpu.memory_space<vmem>> -> memref<1x128x64xf32, #tpu.memory_space<vmem>>
    %dma_wait3A_809 = tpu.memref_squeeze %dma_wait3A_808 : memref<1x128x64xf32, #tpu.memory_space<vmem>> -> memref<128x64xf32, #tpu.memory_space<vmem>>
    tpu.wait_dma2 semaphore(%arg18 : memref<!tpu.dma_semaphore, #tpu.memory_space<semaphore_mem>>) src(%dma_wait3A_809 : memref<128x64xf32, #tpu.memory_space<vmem>>) dst(%dma_wait3A_805 : memref<128x64xf32, #tpu.memory_space<hbm>>)
    %add3A_810 = arith.constant 25088 : i32
    %add3A_811 = arith.addi %mul3A_2, %add3A_810 : i32
    %dma_wait3A_812 = arith.constant 4 : i32
    %dma_wait3A_813 = arith.constant 0 : i32
    %dma_wait3A_814 = arith.constant 0 : i32
    %dma_wait3A_815 = tpu.memref_slice %arg6[%dma_wait3A_812, %dma_wait3A_813, %dma_wait3A_814] : memref<8x128x64xf32, #tpu.memory_space<vmem>> -> memref<1x128x64xf32, #tpu.memory_space<vmem>>
    %dma_wait3A_816 = tpu.memref_squeeze %dma_wait3A_815 : memref<1x128x64xf32, #tpu.memory_space<vmem>> -> memref<128x64xf32, #tpu.memory_space<vmem>>
    %dma_wait3A_817 = arith.constant 0 : i32
    %dma_wait3A_818 = tpu.memref_slice %arg4[%add3A_811, %dma_wait3A_817] : memref<819200x64xf32, #tpu.memory_space<hbm>> -> memref<128x64xf32, #tpu.memory_space<hbm>>
    %dma_wait3A_819 = arith.constant 0 : i32
    %dma_wait3A_820 = tpu.memref_slice %arg4[%add3A_811, %dma_wait3A_819] : memref<819200x64xf32, #tpu.memory_space<hbm>> -> memref<128x64xf32, #tpu.memory_space<hbm>>
    %dma_wait3A_821 = arith.constant 0 : i32
    %dma_wait3A_822 = arith.constant 0 : i32
    %dma_wait3A_823 = tpu.memref_slice %arg6[%dma_wait3A_812, %dma_wait3A_821, %dma_wait3A_822] : memref<8x128x64xf32, #tpu.memory_space<vmem>> -> memref<1x128x64xf32, #tpu.memory_space<vmem>>
    %dma_wait3A_824 = tpu.memref_squeeze %dma_wait3A_823 : memref<1x128x64xf32, #tpu.memory_space<vmem>> -> memref<128x64xf32, #tpu.memory_space<vmem>>
    tpu.wait_dma2 semaphore(%arg19 : memref<!tpu.dma_semaphore, #tpu.memory_space<semaphore_mem>>) src(%dma_wait3A_824 : memref<128x64xf32, #tpu.memory_space<vmem>>) dst(%dma_wait3A_820 : memref<128x64xf32, #tpu.memory_space<hbm>>)
    %add3A_825 = arith.constant 25216 : i32
    %add3A_826 = arith.addi %mul3A_2, %add3A_825 : i32
    %dma_wait3A_827 = arith.constant 5 : i32
    %dma_wait3A_828 = arith.constant 0 : i32
    %dma_wait3A_829 = arith.constant 0 : i32
    %dma_wait3A_830 = tpu.memref_slice %arg6[%dma_wait3A_827, %dma_wait3A_828, %dma_wait3A_829] : memref<8x128x64xf32, #tpu.memory_space<vmem>> -> memref<1x128x64xf32, #tpu.memory_space<vmem>>
    %dma_wait3A_831 = tpu.memref_squeeze %dma_wait3A_830 : memref<1x128x64xf32, #tpu.memory_space<vmem>> -> memref<128x64xf32, #tpu.memory_space<vmem>>
    %dma_wait3A_832 = arith.constant 0 : i32
    %dma_wait3A_833 = tpu.memref_slice %arg4[%add3A_826, %dma_wait3A_832] : memref<819200x64xf32, #tpu.memory_space<hbm>> -> memref<128x64xf32, #tpu.memory_space<hbm>>
    %dma_wait3A_834 = arith.constant 0 : i32
    %dma_wait3A_835 = tpu.memref_slice %arg4[%add3A_826, %dma_wait3A_834] : memref<819200x64xf32, #tpu.memory_space<hbm>> -> memref<128x64xf32, #tpu.memory_space<hbm>>
    %dma_wait3A_836 = arith.constant 0 : i32
    %dma_wait3A_837 = arith.constant 0 : i32
    %dma_wait3A_838 = tpu.memref_slice %arg6[%dma_wait3A_827, %dma_wait3A_836, %dma_wait3A_837] : memref<8x128x64xf32, #tpu.memory_space<vmem>> -> memref<1x128x64xf32, #tpu.memory_space<vmem>>
    %dma_wait3A_839 = tpu.memref_squeeze %dma_wait3A_838 : memref<1x128x64xf32, #tpu.memory_space<vmem>> -> memref<128x64xf32, #tpu.memory_space<vmem>>
    tpu.wait_dma2 semaphore(%arg20 : memref<!tpu.dma_semaphore, #tpu.memory_space<semaphore_mem>>) src(%dma_wait3A_839 : memref<128x64xf32, #tpu.memory_space<vmem>>) dst(%dma_wait3A_835 : memref<128x64xf32, #tpu.memory_space<hbm>>)
    %add3A_840 = arith.constant 25344 : i32
    %add3A_841 = arith.addi %mul3A_2, %add3A_840 : i32
    %dma_wait3A_842 = arith.constant 6 : i32
    %dma_wait3A_843 = arith.constant 0 : i32
    %dma_wait3A_844 = arith.constant 0 : i32
    %dma_wait3A_845 = tpu.memref_slice %arg6[%dma_wait3A_842, %dma_wait3A_843, %dma_wait3A_844] : memref<8x128x64xf32, #tpu.memory_space<vmem>> -> memref<1x128x64xf32, #tpu.memory_space<vmem>>
    %dma_wait3A_846 = tpu.memref_squeeze %dma_wait3A_845 : memref<1x128x64xf32, #tpu.memory_space<vmem>> -> memref<128x64xf32, #tpu.memory_space<vmem>>
    %dma_wait3A_847 = arith.constant 0 : i32
    %dma_wait3A_848 = tpu.memref_slice %arg4[%add3A_841, %dma_wait3A_847] : memref<819200x64xf32, #tpu.memory_space<hbm>> -> memref<128x64xf32, #tpu.memory_space<hbm>>
    %dma_wait3A_849 = arith.constant 0 : i32
    %dma_wait3A_850 = tpu.memref_slice %arg4[%add3A_841, %dma_wait3A_849] : memref<819200x64xf32, #tpu.memory_space<hbm>> -> memref<128x64xf32, #tpu.memory_space<hbm>>
    %dma_wait3A_851 = arith.constant 0 : i32
    %dma_wait3A_852 = arith.constant 0 : i32
    %dma_wait3A_853 = tpu.memref_slice %arg6[%dma_wait3A_842, %dma_wait3A_851, %dma_wait3A_852] : memref<8x128x64xf32, #tpu.memory_space<vmem>> -> memref<1x128x64xf32, #tpu.memory_space<vmem>>
    %dma_wait3A_854 = tpu.memref_squeeze %dma_wait3A_853 : memref<1x128x64xf32, #tpu.memory_space<vmem>> -> memref<128x64xf32, #tpu.memory_space<vmem>>
    tpu.wait_dma2 semaphore(%arg21 : memref<!tpu.dma_semaphore, #tpu.memory_space<semaphore_mem>>) src(%dma_wait3A_854 : memref<128x64xf32, #tpu.memory_space<vmem>>) dst(%dma_wait3A_850 : memref<128x64xf32, #tpu.memory_space<hbm>>)
    %add3A_855 = arith.constant 25472 : i32
    %add3A_856 = arith.addi %mul3A_2, %add3A_855 : i32
    %dma_wait3A_857 = arith.constant 7 : i32
    %dma_wait3A_858 = arith.constant 0 : i32
    %dma_wait3A_859 = arith.constant 0 : i32
    %dma_wait3A_860 = tpu.memref_slice %arg6[%dma_wait3A_857, %dma_wait3A_858, %dma_wait3A_859] : memref<8x128x64xf32, #tpu.memory_space<vmem>> -> memref<1x128x64xf32, #tpu.memory_space<vmem>>
    %dma_wait3A_861 = tpu.memref_squeeze %dma_wait3A_860 : memref<1x128x64xf32, #tpu.memory_space<vmem>> -> memref<128x64xf32, #tpu.memory_space<vmem>>
    %dma_wait3A_862 = arith.constant 0 : i32
    %dma_wait3A_863 = tpu.memref_slice %arg4[%add3A_856, %dma_wait3A_862] : memref<819200x64xf32, #tpu.memory_space<hbm>> -> memref<128x64xf32, #tpu.memory_space<hbm>>
    %dma_wait3A_864 = arith.constant 0 : i32
    %dma_wait3A_865 = tpu.memref_slice %arg4[%add3A_856, %dma_wait3A_864] : memref<819200x64xf32, #tpu.memory_space<hbm>> -> memref<128x64xf32, #tpu.memory_space<hbm>>
    %dma_wait3A_866 = arith.constant 0 : i32
    %dma_wait3A_867 = arith.constant 0 : i32
    %dma_wait3A_868 = tpu.memref_slice %arg6[%dma_wait3A_857, %dma_wait3A_866, %dma_wait3A_867] : memref<8x128x64xf32, #tpu.memory_space<vmem>> -> memref<1x128x64xf32, #tpu.memory_space<vmem>>
    %dma_wait3A_869 = tpu.memref_squeeze %dma_wait3A_868 : memref<1x128x64xf32, #tpu.memory_space<vmem>> -> memref<128x64xf32, #tpu.memory_space<vmem>>
    tpu.wait_dma2 semaphore(%arg22 : memref<!tpu.dma_semaphore, #tpu.memory_space<semaphore_mem>>) src(%dma_wait3A_869 : memref<128x64xf32, #tpu.memory_space<vmem>>) dst(%dma_wait3A_865 : memref<128x64xf32, #tpu.memory_space<hbm>>)
    return
  }
}

</mosaic_0001>

<sc_bundles>
// kernel: _emb_call.3.cloned.1.call-start
scs
__scs_entry_jumppad:
0x0: {  	(pc) =	sbr.rel $0x88, $3  }
0x1: {  	(tag) =	ssettag $0x0;
	lr =	simm.s32 $0x1  }
0x2: {  	[smem:$0x3F9F] =	sst lr;
	_ =	strace $0xD0000000  }
0x3: {  	_ = 	snop  }
0x4: {  	_ = 	snop  }
0x5: {  	_ = 	snop  }
0x6: {  	_ = 	snop  }
0x7: {  	_ = 	snop  }
__scs_overlays_trampoline_lowered:
0x8: {  	[smem:$0x3FAE] =	sst s0  }
0x9: {  	[smem:$0x3FAF] =	sst s1  }
0xa: {  	[smem:$0x3FB0] =	sst s2  }
0xb: {  	[smem:$0x3FB1] =	sst s3  }
0xc: {  	[smem:$0x3FB2] =	sst s4  }
0xd: {  	[smem:$0x3FB3] =	sst s5  }
0xe: {  	[smem:$0x3FB4] =	sst s6  }
0xf: {  	[smem:$0x3FB5] =	sst s7  }
0x10: {  	[smem:$0x3FB6] =	sst s8  }
0x11: {  	[smem:$0x3FB7] =	sst s9;
	s0 =	simm.s32 @!p0 $0x0  }
0x12: {  	s1 =	sld [smem:$0x3F9D];
	s0 =	simm.s32 @p0 $0x1  }
0x13: {  	[smem:$0x3FB8] =	sst s0;
	s0 =	simm.s32 @!p1 $0x0  }
0x14: {  	s2 =	sld [smem:$0x3F9C];
	s0 =	simm.s32 @p1 $0x1  }
0x15: {  	[smem:$0x3FB9] =	sst s0;
	s0 =	simm.s32 @!p2 $0x0  }
0x16: {  	s3 =	sld [smem:$0x3FDB];
	s0 =	simm.s32 @p2 $0x1  }
0x17: {  	s4 =	simm.s32 $0x1BF5;
	[smem:$0x3FBB] =	sst s0  }
0x18: {  	s0 =	sld [smem:$0x3F9E];
	_ =	swait.ge [sflag:s4], $0x0  }
0x19: {  	s7 =	sld [smem:$0x3F9F]  }
0x1a: {  	s8 =	sadd.s32 $0xFFFFE003, lr  }
0x1b: {  	s9 =	sadd.s32 $0xFFFFFEF7, lr;
	s5 =	simm.s32 $0xFFFFFFFF;
	p2 =	slt.u32 s8, $0xFFFFF086  }
0x1c: {  	p1 =	slt.u32 s9, $0xF7A;
	s5 =	simm.s32 @!p2 $0x0  }
0x1d: {  	s5 =	simm.s32 @p1 $0x1;
	p0 =	seq.s32 s7, s2  }
0x1e: {  	s7 =	smul.u32 @!p0 $0xF7A, s2;
	p2 =	seq.s32 @!p0 s5, $0x0  }
0x1f: {  	s9 =	smul.u32 $0xF7A, s1;
	s8 =	simm.s32 @!p0 $0x1BF5;
	p2 =	por !p2, p0  }
0x20: {  	[sflag:s8] =	ssyncset.s32 @!p0 $0xFFFFF086;
	s6 =	sadd.s32 @!p0 s3, s7;
	s7 =	simm.s32 @!p0 $0x108  }
0x21: {  	s3 =	sadd.s32 s3, s9;
	s6 =	sadd.s32 @!p0 $0x88, s6;
	s7 =	simm.s32 @p2 $0x1082  }
0x22: {  	[simem:s7], [sflag:s8] =	dma.local @!p0 [hbm:s6], $0xF7A  }
0x23: {  	s9 =	sor.u32 $0xD0000000, s2;
	s6 =	simm.s32 $0x108;
	_ =	swait.ge @!p0 [sflag:s8], $0x0  }
0x24: {  	s3 =	sadd.s32 $0x88, s3;
	s6 =	simm.s32 @!p1 $0x1082;
	[sflag:s4] =	ssyncset.s32 $0xFFFFF086  }
0x25: {  	[simem:s6], [sflag:s4] =	dma.local [hbm:s3], $0xF7A  }
0x26: {  	[smem:$0x3F9F] =	sst s1;
	(tag) =	ssettag s2;
	_ =	strace s9  }
0x27: {  	s1 =	sld [smem:$0x3FAF]  }
0x28: {  	s2 =	sld [smem:$0x3FB0]  }
0x29: {  	s4 =	sld [smem:$0x3FB2]  }
0x2a: {  	p0 =	seq.s32 s5, $0x0;
	s5 =	sld [smem:$0x3FB3]  }
0x2b: {  	s6 =	sld [smem:$0x3FB4]  }
0x2c: {  	s7 =	sld [smem:$0x3FB5]  }
0x2d: {  	s3 =	simm.s32 $0x108;
	s8 =	sld [smem:$0x3FB6]  }
0x2e: {  	s3 =	simm.s32 @!p0 $0x1082;
	s9 =	sld [smem:$0x3FB7]  }
0x2f: {  	lr =	sadd.s32 s0, s3;
	s0 =	sld [smem:$0x3FAE]  }
0x30: {  	s3 =	sld [smem:$0x3FB1]  }
0x31: {  	[smem:$0x3FBA] =	sst s10  }
0x32: {  	s10 =	sld [smem:$0x3FB8];
	_ =	sdelay $0x3  }
0x33: {  	p0 =	seq.s32 s10, $0x1;
	s10 =	sld [smem:$0x3FBA];
	_ =	sdelay $0x3  }
0x34: {  	[smem:$0x3FBA] =	sst s10  }
0x35: {  	s10 =	sld [smem:$0x3FB9];
	_ =	sdelay $0x3  }
0x36: {  	p1 =	seq.s32 s10, $0x1;
	s10 =	sld [smem:$0x3FBA];
	_ =	sdelay $0x3  }
0x37: {  	[smem:$0x3FBA] =	sst s10  }
0x38: {  	s10 =	sld [smem:$0x3FBB]  }
0x39: {  	_ = 	snop;
	(pc) =	sbr.ind lr, $3  }
0x3a: {  	_ = 	snop  }
0x3b: {  	_ = 	snop  }
0x3c: {  	p2 =	seq.s32 s10, $0x1;
	s10 =	sld [smem:$0x3FBA]  }
0x3d: {  	_ =	shalt  }
0x3e: {  	_ =	shalt  }
0x3f: {  	_ =	shalt  }
0x40: {  	_ =	shalt  }
0x41: {  	_ =	shalt  }
0x42: {  	_ =	shalt  }
0x43: {  	_ =	shalt  }
0x44: {  	_ =	shalt  }
0x45: {  	_ =	shalt  }
0x46: {  	_ =	shalt  }
0x47: {  	_ =	shalt  }
0x48: {  	_ =	shalt  }
0x49: {  	_ =	shalt  }
0x4a: {  	_ =	shalt  }
0x4b: {  	_ =	shalt  }
0x4c: {  	_ =	shalt  }
0x4d: {  	_ =	shalt  }
0x4e: {  	_ =	shalt  }
0x4f: {  	_ =	shalt  }
0x50: {  	_ =	shalt  }
0x51: {  	_ =	shalt  }
0x52: {  	_ =	shalt  }
0x53: {  	_ =	shalt  }
0x54: {  	_ =	shalt  }
0x55: {  	_ =	shalt  }
0x56: {  	_ =	shalt  }
0x57: {  	_ =	shalt  }
0x58: {  	_ =	shalt  }
0x59: {  	_ =	shalt  }
0x5a: {  	_ =	shalt  }
0x5b: {  	_ =	shalt  }
0x5c: {  	_ =	shalt  }
0x5d: {  	_ =	shalt  }
0x5e: {  	_ =	shalt  }
0x5f: {  	_ =	shalt  }
0x60: {  	_ =	shalt  }
0x61: {  	_ =	shalt  }
0x62: {  	_ =	shalt  }
0x63: {  	_ =	shalt  }
0x64: {  	_ =	shalt  }
0x65: {  	_ =	shalt  }
0x66: {  	_ =	shalt  }
0x67: {  	_ =	shalt  }
0x68: {  	_ =	shalt  }
0x69: {  	_ =	shalt  }
0x6a: {  	_ =	shalt  }
0x6b: {  	_ =	shalt  }
0x6c: {  	_ =	shalt  }
0x6d: {  	_ =	shalt  }
0x6e: {  	_ =	shalt  }
0x6f: {  	_ =	shalt  }
0x70: {  	_ =	shalt  }
0x71: {  	_ =	shalt  }
0x72: {  	_ =	shalt  }
0x73: {  	_ =	shalt  }
0x74: {  	_ =	shalt  }
0x75: {  	_ =	shalt  }
0x76: {  	_ =	shalt  }
0x77: {  	_ =	shalt  }
0x78: {  	_ =	shalt  }
0x79: {  	_ =	shalt  }
0x7a: {  	_ =	shalt  }
0x7b: {  	_ =	shalt  }
0x7c: {  	_ =	shalt  }
0x7d: {  	_ =	shalt  }
0x7e: {  	_ =	shalt  }
0x7f: {  	_ =	shalt  }
0x80: {  	_ =	shalt  }
0x81: {  	_ =	shalt  }
0x82: {  	_ =	shalt  }
0x83: {  	_ =	shalt  }
0x84: {  	_ =	shalt  }
0x85: {  	_ =	shalt  }
0x86: {  	_ =	shalt  }
0x87: {  	_ =	shalt  }
.Lfunc_end0:
.L_simem_size_0:
called_computation.1_lowered:
.L_overlay_start_0:
0x88: {  	s2 =	sld [smem:$0x3FD9]  }
0x89: {  	s3 =	sld [smem:$0x3FFE];
	_ =	sdelay $0x1  }
0x8a: {  	s1 =	srdreg.scid  }
0x8b: {  	s0 =	sand.u32 $0x1, s1  }
0x8c: {  	s17 =	sshll.u32 s0, $0xA;
	s2 =	sadd.s32 s3, s2  }
0x8d: {  	s2 =	sadd.s32 s2, s17  }
0x8e: {  	[smem:$0x3FC6] =	sst s2  }
0x8f: {  	_ = 	snop  }
0x90: {  	s2 =	sld [smem:$0x3FC9]  }
0x91: {  	s18 =	sld [smem:$0x3FD0];
	(tm) =	ssettm $0x1  }
0x92: {  	s4 =	sld [smem:$0x3FFB];
	_ =	sdelay $0x3  }
0x93: {  	_ =	strace s4  }
0x94: {  	s4 =	sld [smem:$0x3FFC];
	_ =	sdelay $0x3  }
0x95: {  	_ =	strace s4  }
0x96: {  	s4 =	sld [smem:$0x3FFD];
	_ =	sdelay $0x3  }
0x97: {  	_ =	strace s4  }
0x98: {  	_ =	strace $0x8FFFFFFF  }
0x99: {  	s19 =	sld [smem:$0x3FDB];
	_ =	sdelay $0x1  }
0x9a: {  	s5 =	simm.s32 $_scs_section_size  }
0x9b: {  	s6 =	simm.s32 $_size__tile_overlayer_lowered;
	s7 =	simm.s32 $_tile_overlayer_lowered  }
0x9c: {  	s22 =	simm.s32 $0x1BFF;
	s21 =	sshll.u32 s7, $0x1;
	s4 =	sadd.s32 s5, s19  }
0x9d: {  	s8 =	simm.s32 $0x0;
	s20 =	sshll.u32 s6, $0x1;
	s6 =	sadd.s32 s21, s4  }
0x9e: {  	[timem:s8], [sflag:s22] =	dma.local [hbm:s6], s20  }
0x9f: {  	_ =	swait.ge [sflag:s22], s20  }
0xa0: {  	s5 =	ssub.s32 $0x0, s20;
	[sflag:s22] =	ssyncset.done $0x0  }
0xa1: {  	[sflag:s22] =	ssyncadd.s32 s5;
	_ =	sdelay $0x1  }
0xa2: {  	s23 =	simm.s32 $0x1B8B  }
0xa3: {  	_ =	swait.ge [sflag:s23], $0x1  }
0xa4: {  	[sflag:s23] =	ssyncset.done $0x0  }
0xa5: {  	s25 =	simm.s32 $0x1B8E;
	s24 =	sld [smem:$0x3FFE];
	[sflag:s23] =	ssyncadd.s32 $0xFFFFFFFF  }
0xa6: {  	s26 =	simm.s32 $execute0_lowered;
	[smem:$0x3FD2] =	sst s25  }
0xa7: {  	s6 =	sshll.u32 s26, $0x1;
	_ =	strace $0x80000046;
	[dreg:$0x1] =	wrdreg $0xFFFFFFFF  }
0xa8: {  	s28 =	simm.s32 $_size_execute0_lowered;
	s4 =	sadd.s32 s4, s6;
	[dreg:$0x0] =	wrdreg $0x0  }
0xa9: {  	s6 =	sshll.u32 s28, $0x1;
	[dreg:$0x2] =	wrdreg s4  }
0xaa: {  	[dreg:$0x3] =	wrdreg s6  }
0xab: {  	[dreg:$0x4] =	wrdreg $0xC0  }
0xac: {  	_ =	task [dreg:s8], $0x5FFFF  }
0xad: {  	[dreg:$0x1] =	wrdreg $0xFFFFFFFF  }
0xae: {  	[dreg:$0x0] =	wrdreg $0x60  }
0xaf: {  	[dreg:$0x2] =	wrdreg s2  }
0xb0: {  	[dreg:$0x3] =	wrdreg s24  }
0xb1: {  	[dreg:$0x4] =	wrdreg s18  }
0xb2: {  	[dreg:$0x5] =	wrdreg $0x9  }
0xb3: {  	_ =	task.clear_ibuf [dreg:s8], $0x6FFFF;
	_ =	strace $0x90000046  }
0xb4: {  	s29 =	simm.s32 $0x9;
	_ =	strace $0x80000048  }
0xb5: {  	_ =	swait.ge [sflag:s29], $0x1  }
0xb6: {  	[sflag:s29] =	ssyncadd.s32 $0xFFFFFFFF  }
0xb7: {  	_ =	strace $0x90000048  }
0xb8: {  	_ =	sfence  }
0xb9: {  	s30 =	sld [smem:$0x0];
	_ =	sdelay $0x2  }
0xba: {  	s31 =	sshll.u32 s1, $0xD;
	s1 =	sshrl.u32 s1, $0x2  }
0xbb: {  	s3 =	sand.u32 $0x4000, s31;
	s1 =	sadd.s32 s1, s30  }
0xbc: {  	s0 =	sor.u32 s3, s0;
	s1 =	sshll.u32 s1, $0x11  }
0xbd: {  	s0 =	sor.u32 s1, s0  }
0xbe: {  	s0 =	sadd.s32 $0x8F2B, s0  }
0xbf: {  	[sflag:s0] =	ssyncadd.remote.s32 $0x1  }
0xc0: {  	_ =	sfence.sel $0xFFFF  }
0xc1: {  	[dreg:$0x0] =	wrdreg $0xFFFFFFFF;
	(pc) =	sbr.abs _section_cstart, $3  }
0xc2: {  	[dreg:$0x1] =	wrdreg $0xFFFFFFFF  }
0xc3: {  	_ =	task.clear_ibuf [dreg:s8], $0x2FFFF;
	_ =	strace $0x9FFFFFFF  }
0xc4: {  	(tm) =	ssettm $0x7FFFFFFF  }
0xc5: {  	_ =	shalt  }
tec
execute0_lowered:
.L_overlay_start_1:
0x0: {  	(tag) =	ssettag $0x1  }
0x1: {  	s0 =	rddreg [dreg:$0x0]  }
0x2: {  	s2 =	srdreg.scid;
	s10 =	stileid.u32  }
0x3: {  	s1 =	rddreg [dreg:$0x1];
	s2 =	sand.u32 $0x1, s2;
	s4 =	sshll.u32 s10, $0x1  }
0x4: {  	s28 =	rddreg [dreg:$0x2];
	s3 =	simm.s32 $0x0;
	s5 =	sor.u32 s2, s4  }
0x5: {  	[smem:$0x7FF] =	sst s3;
	s6 =	ssub.s32 $0x2, s2;
	s9 =	smul.u32 $0x32000, s5  }
0x6: {  	_ =	strace $0x80000047;
	s7 =	smul.u32 $0x6400, s5;
	s8 =	sshrl.u32 s6, $0x1  }
0x7: {  	s4 =	sadd.s32 $0xF42C00, s1;
	s1 =	ssub.s32 s6, s8;
	s26 =	sadd.s32 s28, s9  }
0x8: {  	s25 =	sshrl.u32 s7, $0x3;
	s1 =	smax.u32 s1, $0x1;
	[dreg:$0xc] =	wrdreg s26  }
0x9: {  	s0 =	sadd.s32 s0, s25;
	[dreg:$0x1c] =	wrdreg s1  }
0xa: {  	s30 =	sadd.s32 $0x400, s26;
	[dreg:$0xb] =	wrdreg s0  }
0xb: {  	s18 =	smul.u32 $0x320000, s10;
	s31 =	sadd.s32 $0x800, s26;
	[dreg:$0xd] =	wrdreg s30  }
0xc: {  	s12 =	smul.u32 $0x6400, s2;
	s6 =	sadd.s32 $0xC00, s26;
	[dreg:$0xe] =	wrdreg s31  }
0xd: {  	s2 =	smul.u32 $0x190000, s2;
	s8 =	sadd.s32 $0x1000, s26;
	[dreg:$0xf] =	wrdreg s6  }
0xe: {  	s29 =	smul.u32 $0x190000, s5;
	s11 =	sadd.s32 $0x1400, s26;
	[dreg:$0x10] =	wrdreg s8  }
0xf: {  	s2 =	sadd.s32 s2, s18;
	s13 =	sadd.s32 $0x1800, s26;
	[dreg:$0x11] =	wrdreg s11  }
0x10: {  	s7 =	sadd.s32 $0x1C00, s26;
	s0 =	sshrl.u32 s29, $0x3;
	[dreg:$0x12] =	wrdreg s13  }
0x11: {  	[dreg:$0x13] =	wrdreg s7;
	s30 =	sadd.s32 $0x10000, s2;
	s0 =	sadd.s32 s28, s0  }
0x12: {  	[dreg:$0x1d] =	wrdreg s30;
	s14 =	sadd.s32 $0x30000, s0  }
0x13: {  	s15 =	sadd.s32 $0x30400, s0;
	[dreg:$0x14] =	wrdreg s14  }
0x14: {  	s9 =	smul.u32 $0xC800, s10;
	s16 =	sadd.s32 $0x30800, s0;
	[dreg:$0x15] =	wrdreg s15  }
0x15: {  	s17 =	sadd.s32 $0x30C00, s0;
	[dreg:$0x16] =	wrdreg s16  }
0x16: {  	s5 =	sadd.s32 s12, s9;
	s19 =	sadd.s32 $0x31000, s0;
	[dreg:$0x17] =	wrdreg s17  }
0x17: {  	s5 =	sshll.u32 s5, $0x3;
	s21 =	sadd.s32 $0x31400, s0;
	[dreg:$0x18] =	wrdreg s19  }
0x18: {  	s20 =	sadd.s32 $0x2C00, s5;
	[dreg:$0x19] =	wrdreg s21  }
0x19: {  	s22 =	sadd.s32 $0x2800, s5;
	[dreg:$0x4] =	wrdreg s20  }
0x1a: {  	s24 =	sadd.s32 $0x31800, s0;
	[dreg:$0x5] =	wrdreg s22  }
0x1b: {  	s23 =	sadd.s32 $0x2400, s5;
	[dreg:$0x1a] =	wrdreg s24  }
0x1c: {  	s18 =	simm.s32 $0xC;
	s0 =	sadd.s32 $0x31C00, s0;
	[dreg:$0x6] =	wrdreg s23  }
0x1d: {  	s7 =	simm.s32 $0x3;
	s25 =	sadd.s32 $0x3C00, s5;
	[dreg:$0x1b] =	wrdreg s0  }
0x1e: {  	s9 =	simm.s32 $0x4;
	s26 =	sadd.s32 $0x3800, s5;
	[dreg:$0x7] =	wrdreg s25  }
0x1f: {  	s11 =	simm.s32 $0x5;
	s29 =	sadd.s32 $0x3400, s5;
	[dreg:$0x8] =	wrdreg s26  }
0x20: {  	s12 =	simm.s32 $0x9;
	s31 =	sadd.s32 $0x3000, s5;
	[dreg:$0x9] =	wrdreg s29  }
0x21: {  	s13 =	simm.s32 $0x6;
	[dreg:$0xa] =	wrdreg s31;
	s25 =	simm.s32 $0x80  }
0x22: {  	s14 =	simm.s32 $0xA;
	s15 =	simm.s32 $0x7;
	s16 =	simm.s32 $0xB  }
0x23: {  	s17 =	simm.s32 $0x8;
	s19 =	simm.s32 $0xD;
	s20 =	simm.s32 $0xE  }
0x24: {  	s21 =	simm.s32 $0xF;
	s22 =	simm.s32 $0x10;
	s0 =	simm.s32 $0x0  }
.LBB2_1:
0x25: {  	[dreg:$0x1e] =	wrdreg s0  }
0x26: {  	s2 =	rddreg [dreg:$0xb];
	s8 =	simm.s32 $0x11  }
0x27: {  	[tilespmem:s3], [sflag:$0x11] =	stream.linear.gather [hbm4b:s2+s3], $0x6400, $0x38;
	[tilespmem:$0x16400] =	vst v63  }
0x28: {  	_ =	swait.ge [sflag:s8], $0x6400  }
0x29: {  	[sflag:s8] =	ssyncset.done $0x0  }
0x2a: {  	s23 =	simm.s32 $0x6400;
	[sflag:s8] =	ssyncadd.s32 $0xFFFF9C00  }
0x2b: {  	[tilespmem:s23], [sflag:$0x1] =	stream.indirect.gather [hbm4b:s4+s25], $0x40, s3, s25, $0xb8;
	[tilespmem:$0x16400] =	vst v63  }
0x2c: {  	s1 =	simm.s32 $0x8400  }
0x2d: {  	[tilespmem:s1], [sflag:$0x2] =	stream.indirect.gather [hbm4b:s4+s25], $0x40, s25, s25, $0xb8;
	[tilespmem:$0x16400] =	vst v63  }
0x2e: {  	s10 =	simm.s32 $0x100;
	s24 =	simm.s32 $0xA400  }
0x2f: {  	[tilespmem:s24], [sflag:$0x3] =	stream.indirect.gather [hbm4b:s4+s25], $0x40, s10, s25, $0xb8;
	[tilespmem:$0x16400] =	vst v63  }
0x30: {  	s26 =	simm.s32 $0x180;
	s5 =	simm.s32 $0xC400;
	s0 =	simm.s32 $0x1  }
0x31: {  	[tilespmem:s5], [sflag:$0x4] =	stream.indirect.gather [hbm4b:s4+s25], $0x40, s26, s25, $0xb8;
	[tilespmem:$0x16400] =	vst v63  }
0x32: {  	_ =	swait.ge [sflag:s0], $0x2000  }
0x33: {  	[sflag:s0] =	ssyncset.done $0x0  }
0x34: {  	s29 =	rddreg [dreg:$0xc];
	[sflag:s0] =	ssyncadd.s32 $0xFFFFE000  }
0x35: {  	[hbm4b:s29+s3] =	stream.linear.scatter [tilespmem:s23], [sflag:$0x9], $0x2000, $0x38;
	[tilespmem:$0x16400] =	vst v63  }
0x36: {  	s30 =	simm.s32 $0x200;
	s26 =	simm.s32 $0xE400;
	s29 =	simm.s32 $0x2  }
0x37: {  	[tilespmem:s26], [sflag:$0x5] =	stream.indirect.gather [hbm4b:s4+s25], $0x40, s30, s25, $0xb8;
	[tilespmem:$0x16400] =	vst v63  }
0x38: {  	_ =	swait.ge [sflag:s29], $0x2000  }
0x39: {  	[sflag:s29] =	ssyncset.done $0x0  }
0x3a: {  	s31 =	rddreg [dreg:$0xd];
	[sflag:s29] =	ssyncadd.s32 $0xFFFFE000  }
0x3b: {  	[hbm4b:s31+s3] =	stream.linear.scatter [tilespmem:s1], [sflag:$0xA], $0x2000, $0x38;
	[tilespmem:$0x16400] =	vst v63  }
0x3c: {  	s6 =	simm.s32 $0x280;
	s8 =	simm.s32 $0x10400  }
0x3d: {  	[tilespmem:s8], [sflag:$0x6] =	stream.indirect.gather [hbm4b:s4+s25], $0x40, s6, s25, $0xb8;
	[tilespmem:$0x16400] =	vst v63  }
0x3e: {  	_ =	swait.ge [sflag:s7], $0x2000  }
0x3f: {  	[sflag:s7] =	ssyncset.done $0x0  }
0x40: {  	s10 =	rddreg [dreg:$0xe];
	[sflag:s7] =	ssyncadd.s32 $0xFFFFE000  }
0x41: {  	[hbm4b:s10+s3] =	stream.linear.scatter [tilespmem:s24], [sflag:$0xB], $0x2000, $0x38;
	[tilespmem:$0x16400] =	vst v63  }
0x42: {  	s30 =	simm.s32 $0x300;
	s10 =	simm.s32 $0x12400  }
0x43: {  	[tilespmem:s10], [sflag:$0x7] =	stream.indirect.gather [hbm4b:s4+s25], $0x40, s30, s25, $0xb8;
	[tilespmem:$0x16400] =	vst v63  }
0x44: {  	_ =	swait.ge [sflag:s9], $0x2000  }
0x45: {  	[sflag:s9] =	ssyncset.done $0x0  }
0x46: {  	s31 =	rddreg [dreg:$0xf];
	[sflag:s9] =	ssyncadd.s32 $0xFFFFE000  }
0x47: {  	[hbm4b:s31+s3] =	stream.linear.scatter [tilespmem:s5], [sflag:$0xC], $0x2000, $0x38;
	[tilespmem:$0x16400] =	vst v63  }
0x48: {  	s6 =	simm.s32 $0x380;
	s30 =	simm.s32 $0x14400  }
0x49: {  	[tilespmem:s30], [sflag:$0x8] =	stream.indirect.gather [hbm4b:s4+s25], $0x40, s6, s25, $0xb8;
	[tilespmem:$0x16400] =	vst v63  }
0x4a: {  	_ =	swait.ge [sflag:s11], $0x2000  }
0x4b: {  	[sflag:s11] =	ssyncset.done $0x0  }
0x4c: {  	s31 =	rddreg [dreg:$0x10];
	[sflag:s11] =	ssyncadd.s32 $0xFFFFE000  }
0x4d: {  	[hbm4b:s31+s3] =	stream.linear.scatter [tilespmem:s26], [sflag:$0xD], $0x2000, $0x38;
	[tilespmem:$0x16400] =	vst v63  }
0x4e: {  	_ =	swait.ge [sflag:s12], $0x2000  }
0x4f: {  	[sflag:s12] =	ssyncset.done $0x0  }
0x50: {  	s6 =	simm.s32 $0x400;
	[sflag:s12] =	ssyncadd.s32 $0xFFFFE000  }
0x51: {  	[tilespmem:s23], [sflag:$0x1] =	stream.indirect.gather [hbm4b:s4+s25], $0x40, s6, s25, $0xb8;
	[tilespmem:$0x16400] =	vst v63  }
0x52: {  	_ =	swait.ge [sflag:s13], $0x2000  }
0x53: {  	[sflag:s13] =	ssyncset.done $0x0  }
0x54: {  	s31 =	rddreg [dreg:$0x11];
	[sflag:s13] =	ssyncadd.s32 $0xFFFFE000  }
0x55: {  	[hbm4b:s31+s3] =	stream.linear.scatter [tilespmem:s8], [sflag:$0xE], $0x2000, $0x38;
	[tilespmem:$0x16400] =	vst v63  }
0x56: {  	_ =	swait.ge [sflag:s14], $0x2000  }
0x57: {  	[sflag:s14] =	ssyncset.done $0x0  }
0x58: {  	s6 =	simm.s32 $0x480;
	[sflag:s14] =	ssyncadd.s32 $0xFFFFE000  }
0x59: {  	[tilespmem:s1], [sflag:$0x2] =	stream.indirect.gather [hbm4b:s4+s25], $0x40, s6, s25, $0xb8;
	[tilespmem:$0x16400] =	vst v63  }
0x5a: {  	_ =	swait.ge [sflag:s15], $0x2000  }
0x5b: {  	[sflag:s15] =	ssyncset.done $0x0  }
0x5c: {  	s31 =	rddreg [dreg:$0x12];
	[sflag:s15] =	ssyncadd.s32 $0xFFFFE000  }
0x5d: {  	[hbm4b:s31+s3] =	stream.linear.scatter [tilespmem:s10], [sflag:$0xF], $0x2000, $0x38;
	[tilespmem:$0x16400] =	vst v63  }
0x5e: {  	_ =	swait.ge [sflag:s16], $0x2000  }
0x5f: {  	[sflag:s16] =	ssyncset.done $0x0  }
0x60: {  	s6 =	simm.s32 $0x500;
	[sflag:s16] =	ssyncadd.s32 $0xFFFFE000  }
0x61: {  	[tilespmem:s24], [sflag:$0x3] =	stream.indirect.gather [hbm4b:s4+s25], $0x40, s6, s25, $0xb8;
	[tilespmem:$0x16400] =	vst v63  }
0x62: {  	_ =	swait.ge [sflag:s17], $0x2000  }
0x63: {  	[sflag:s17] =	ssyncset.done $0x0  }
0x64: {  	s31 =	rddreg [dreg:$0x13];
	[sflag:s17] =	ssyncadd.s32 $0xFFFFE000  }
0x65: {  	[hbm4b:s31+s3] =	stream.linear.scatter [tilespmem:s30], [sflag:$0x10], $0x2000, $0x38;
	[tilespmem:$0x16400] =	vst v63  }
0x66: {  	_ =	swait.ge [sflag:s18], $0x2000  }
0x67: {  	[sflag:s18] =	ssyncset.done $0x0  }
0x68: {  	s6 =	simm.s32 $0x580;
	[sflag:s18] =	ssyncadd.s32 $0xFFFFE000  }
0x69: {  	[tilespmem:s5], [sflag:$0x4] =	stream.indirect.gather [hbm4b:s4+s25], $0x40, s6, s25, $0xb8;
	[tilespmem:$0x16400] =	vst v63  }
0x6a: {  	_ =	swait.ge [sflag:s0], $0x2000  }
0x6b: {  	s6 =	rddreg [dreg:$0x1d]  }
0x6c: {  	[sflag:s0] =	ssyncset.done $0x0;
	s31 =	sshrl.u32 s6, $0x3  }
0x6d: {  	[sflag:s0] =	ssyncadd.s32 $0xFFFFE000;
	s2 =	sadd.s32 s28, s31  }
0x6e: {  	[hbm4b:s2+s3] =	stream.linear.scatter [tilespmem:s23], [sflag:$0x9], $0x2000, $0x38;
	[tilespmem:$0x16400] =	vst v63  }
0x6f: {  	_ =	swait.ge [sflag:s19], $0x2000  }
0x70: {  	[sflag:s19] =	ssyncset.done $0x0  }
0x71: {  	s0 =	simm.s32 $0x600;
	[sflag:s19] =	ssyncadd.s32 $0xFFFFE000  }
0x72: {  	[tilespmem:s26], [sflag:$0x5] =	stream.indirect.gather [hbm4b:s4+s25], $0x40, s0, s25, $0xb8;
	[tilespmem:$0x16400] =	vst v63  }
0x73: {  	_ =	swait.ge [sflag:s29], $0x2000  }
0x74: {  	s31 =	rddreg [dreg:$0x6];
	[sflag:s29] =	ssyncset.done $0x0  }
0x75: {  	[sflag:s29] =	ssyncadd.s32 $0xFFFFE000;
	s2 =	sadd.s32 s28, s31  }
0x76: {  	[hbm4b:s2+s3] =	stream.linear.scatter [tilespmem:s1], [sflag:$0xA], $0x2000, $0x38;
	[tilespmem:$0x16400] =	vst v63  }
0x77: {  	_ =	swait.ge [sflag:s20], $0x2000  }
0x78: {  	[sflag:s20] =	ssyncset.done $0x0  }
0x79: {  	s0 =	simm.s32 $0x680;
	[sflag:s20] =	ssyncadd.s32 $0xFFFFE000  }
0x7a: {  	[tilespmem:s8], [sflag:$0x6] =	stream.indirect.gather [hbm4b:s4+s25], $0x40, s0, s25, $0xb8;
	[tilespmem:$0x16400] =	vst v63  }
0x7b: {  	_ =	swait.ge [sflag:s7], $0x2000  }
0x7c: {  	s29 =	rddreg [dreg:$0x5];
	[sflag:s7] =	ssyncset.done $0x0  }
0x7d: {  	[sflag:s7] =	ssyncadd.s32 $0xFFFFE000;
	s2 =	sadd.s32 s28, s29  }
0x7e: {  	[hbm4b:s2+s3] =	stream.linear.scatter [tilespmem:s24], [sflag:$0xB], $0x2000, $0x38;
	[tilespmem:$0x16400] =	vst v63  }
0x7f: {  	_ =	swait.ge [sflag:s21], $0x2000  }
0x80: {  	[sflag:s21] =	ssyncset.done $0x0  }
0x81: {  	s31 =	simm.s32 $0x700;
	[sflag:s21] =	ssyncadd.s32 $0xFFFFE000  }
0x82: {  	[tilespmem:s10], [sflag:$0x7] =	stream.indirect.gather [hbm4b:s4+s25], $0x40, s31, s25, $0xb8;
	[tilespmem:$0x16400] =	vst v63  }
0x83: {  	_ =	swait.ge [sflag:s9], $0x2000  }
0x84: {  	s0 =	rddreg [dreg:$0x4];
	[sflag:s9] =	ssyncset.done $0x0  }
0x85: {  	[sflag:s9] =	ssyncadd.s32 $0xFFFFE000;
	s2 =	sadd.s32 s28, s0  }
0x86: {  	[hbm4b:s2+s3] =	stream.linear.scatter [tilespmem:s5], [sflag:$0xC], $0x2000, $0x38;
	[tilespmem:$0x16400] =	vst v63  }
0x87: {  	_ =	swait.ge [sflag:s22], $0x2000  }
0x88: {  	[sflag:s22] =	ssyncset.done $0x0  }
0x89: {  	s29 =	simm.s32 $0x780;
	[sflag:s22] =	ssyncadd.s32 $0xFFFFE000  }
0x8a: {  	[tilespmem:s30], [sflag:$0x8] =	stream.indirect.gather [hbm4b:s4+s25], $0x40, s29, s25, $0xb8;
	[tilespmem:$0x16400] =	vst v63  }
0x8b: {  	_ =	swait.ge [sflag:s11], $0x2000  }
0x8c: {  	s31 =	rddreg [dreg:$0xa];
	[sflag:s11] =	ssyncset.done $0x0  }
0x8d: {  	[sflag:s11] =	ssyncadd.s32 $0xFFFFE000;
	s2 =	sadd.s32 s28, s31  }
0x8e: {  	[hbm4b:s2+s3] =	stream.linear.scatter [tilespmem:s26], [sflag:$0xD], $0x2000, $0x38;
	[tilespmem:$0x16400] =	vst v63  }
0x8f: {  	_ =	swait.ge [sflag:s12], $0x2000  }
0x90: {  	[sflag:s12] =	ssyncset.done $0x0  }
0x91: {  	s0 =	simm.s32 $0x800;
	[sflag:s12] =	ssyncadd.s32 $0xFFFFE000  }
0x92: {  	[tilespmem:s23], [sflag:$0x1] =	stream.indirect.gather [hbm4b:s4+s25], $0x40, s0, s25, $0xb8;
	[tilespmem:$0x16400] =	vst v63  }
0x93: {  	_ =	swait.ge [sflag:s13], $0x2000  }
0x94: {  	s5 =	rddreg [dreg:$0x9];
	[sflag:s13] =	ssyncset.done $0x0  }
0x95: {  	[sflag:s13] =	ssyncadd.s32 $0xFFFFE000;
	s2 =	sadd.s32 s28, s5  }
0x96: {  	[hbm4b:s2+s3] =	stream.linear.scatter [tilespmem:s8], [sflag:$0xE], $0x2000, $0x38;
	[tilespmem:$0x16400] =	vst v63  }
0x97: {  	_ =	swait.ge [sflag:s14], $0x2000  }
0x98: {  	[sflag:s14] =	ssyncset.done $0x0  }
0x99: {  	s23 =	simm.s32 $0x880;
	[sflag:s14] =	ssyncadd.s32 $0xFFFFE000  }
0x9a: {  	[tilespmem:s1], [sflag:$0x2] =	stream.indirect.gather [hbm4b:s4+s25], $0x40, s23, s25, $0xb8;
	[tilespmem:$0x16400] =	vst v63  }
0x9b: {  	_ =	swait.ge [sflag:s15], $0x2000  }
0x9c: {  	s26 =	rddreg [dreg:$0x8];
	[sflag:s15] =	ssyncset.done $0x0  }
0x9d: {  	[sflag:s15] =	ssyncadd.s32 $0xFFFFE000;
	s2 =	sadd.s32 s28, s26  }
0x9e: {  	[hbm4b:s2+s3] =	stream.linear.scatter [tilespmem:s10], [sflag:$0xF], $0x2000, $0x38;
	[tilespmem:$0x16400] =	vst v63  }
0x9f: {  	_ =	swait.ge [sflag:s16], $0x2000  }
0xa0: {  	[sflag:s16] =	ssyncset.done $0x0  }
0xa1: {  	s29 =	simm.s32 $0x900;
	[sflag:s16] =	ssyncadd.s32 $0xFFFFE000  }
0xa2: {  	[tilespmem:s24], [sflag:$0x3] =	stream.indirect.gather [hbm4b:s4+s25], $0x40, s29, s25, $0xb8;
	[tilespmem:$0x16400] =	vst v63  }
0xa3: {  	_ =	swait.ge [sflag:s17], $0x2000  }
0xa4: {  	s31 =	rddreg [dreg:$0x7];
	[sflag:s17] =	ssyncset.done $0x0  }
0xa5: {  	[sflag:s17] =	ssyncadd.s32 $0xFFFFE000;
	s2 =	sadd.s32 s28, s31  }
0xa6: {  	[hbm4b:s2+s3] =	stream.linear.scatter [tilespmem:s30], [sflag:$0x10], $0x2000, $0x38;
	[tilespmem:$0x16400] =	vst v63  }
0xa7: {  	_ =	swait.ge [sflag:s18], $0x2000  }
0xa8: {  	s6 =	sadd.s32 $0x10000, s6;
	s23 =	sadd.s32 $0x2000, s28;
	[sflag:s18] =	ssyncset.done $0x0  }
0xa9: {  	s24 =	simm.s32 $0x1000;
	s2 =	simm.s32 $0x980;
	[sflag:s18] =	ssyncadd.s32 $0xFFFFE000  }
.LBB2_2:
0xaa: {  	s1 =	simm.s32 $0xC400;
	s0 =	simm.s32 $0x1  }
0xab: {  	[tilespmem:s1], [sflag:$0x4] =	stream.indirect.gather [hbm4b:s4+s25], $0x40, s2, s25, $0xb8;
	[tilespmem:$0x16400] =	vst v63  }
0xac: {  	_ =	swait.ge [sflag:s0], $0x2000  }
0xad: {  	s26 =	sshrl.u32 s6, $0x3;
	[sflag:s0] =	ssyncset.done $0x0  }
0xae: {  	s30 =	simm.s32 $0x6400;
	s26 =	sadd.s32 s28, s26;
	[sflag:s0] =	ssyncadd.s32 $0xFFFFE000  }
0xaf: {  	[hbm4b:s26+s3] =	stream.linear.scatter [tilespmem:s30], [sflag:$0x9], $0x2000, $0x38;
	[tilespmem:$0x16400] =	vst v63  }
0xb0: {  	s8 =	smov.u32 s24;
	_ =	swait.ge [sflag:s19], $0x2000  }
0xb1: {  	s2 =	sshra.s32 s8, $0x2;
	s8 =	simm.s32 $0xE400;
	[sflag:s19] =	ssyncset.done $0x0  }
0xb2: {  	s10 =	sadd.s32 $0x600, s2;
	s26 =	simm.s32 $0x2;
	[sflag:s19] =	ssyncadd.s32 $0xFFFFE000  }
0xb3: {  	[tilespmem:s8], [sflag:$0x5] =	stream.indirect.gather [hbm4b:s4+s25], $0x40, s10, s25, $0xb8;
	[tilespmem:$0x16400] =	vst v63  }
0xb4: {  	_ =	swait.ge [sflag:s26], $0x2000  }
0xb5: {  	s29 =	rddreg [dreg:$0x6];
	[sflag:s26] =	ssyncset.done $0x0  }
0xb6: {  	s31 =	simm.s32 $0x8400;
	[sflag:s26] =	ssyncadd.s32 $0xFFFFE000;
	s26 =	sadd.s32 s23, s29  }
0xb7: {  	[hbm4b:s26+s3] =	stream.linear.scatter [tilespmem:s31], [sflag:$0xA], $0x2000, $0x38;
	[tilespmem:$0x16400] =	vst v63  }
0xb8: {  	_ =	swait.ge [sflag:s20], $0x2000  }
0xb9: {  	[sflag:s20] =	ssyncset.done $0x0  }
0xba: {  	s0 =	sadd.s32 $0x680, s2;
	s10 =	simm.s32 $0x10400;
	[sflag:s20] =	ssyncadd.s32 $0xFFFFE000  }
0xbb: {  	[tilespmem:s10], [sflag:$0x6] =	stream.indirect.gather [hbm4b:s4+s25], $0x40, s0, s25, $0xb8;
	[tilespmem:$0x16400] =	vst v63  }
0xbc: {  	_ =	swait.ge [sflag:s7], $0x2000  }
0xbd: {  	s5 =	rddreg [dreg:$0x5];
	[sflag:s7] =	ssyncset.done $0x0  }
0xbe: {  	[sflag:s7] =	ssyncadd.s32 $0xFFFFE000;
	s26 =	sadd.s32 s23, s5;
	s5 =	simm.s32 $0xA400  }
0xbf: {  	[hbm4b:s26+s3] =	stream.linear.scatter [tilespmem:s5], [sflag:$0xB], $0x2000, $0x38;
	[tilespmem:$0x16400] =	vst v63  }
0xc0: {  	_ =	swait.ge [sflag:s21], $0x2000  }
0xc1: {  	[sflag:s21] =	ssyncset.done $0x0  }
0xc2: {  	s29 =	sadd.s32 $0x700, s2;
	s0 =	simm.s32 $0x12400;
	[sflag:s21] =	ssyncadd.s32 $0xFFFFE000  }
0xc3: {  	[tilespmem:s0], [sflag:$0x7] =	stream.indirect.gather [hbm4b:s4+s25], $0x40, s29, s25, $0xb8;
	[tilespmem:$0x16400] =	vst v63  }
0xc4: {  	_ =	swait.ge [sflag:s9], $0x2000  }
0xc5: {  	s29 =	rddreg [dreg:$0x4];
	[sflag:s9] =	ssyncset.done $0x0  }
0xc6: {  	[sflag:s9] =	ssyncadd.s32 $0xFFFFE000;
	s26 =	sadd.s32 s23, s29  }
0xc7: {  	[hbm4b:s26+s3] =	stream.linear.scatter [tilespmem:s1], [sflag:$0xC], $0x2000, $0x38;
	[tilespmem:$0x16400] =	vst v63  }
0xc8: {  	_ =	swait.ge [sflag:s22], $0x2000  }
0xc9: {  	[sflag:s22] =	ssyncset.done $0x0  }
0xca: {  	s29 =	simm.s32 $0x14400;
	s1 =	sadd.s32 $0x780, s2;
	[sflag:s22] =	ssyncadd.s32 $0xFFFFE000  }
0xcb: {  	[tilespmem:s29], [sflag:$0x8] =	stream.indirect.gather [hbm4b:s4+s25], $0x40, s1, s25, $0xb8;
	[tilespmem:$0x16400] =	vst v63  }
0xcc: {  	_ =	swait.ge [sflag:s11], $0x2000  }
0xcd: {  	s1 =	rddreg [dreg:$0xa];
	[sflag:s11] =	ssyncset.done $0x0  }
0xce: {  	[sflag:s11] =	ssyncadd.s32 $0xFFFFE000;
	s26 =	sadd.s32 s23, s1  }
0xcf: {  	[hbm4b:s26+s3] =	stream.linear.scatter [tilespmem:s8], [sflag:$0xD], $0x2000, $0x38;
	[tilespmem:$0x16400] =	vst v63  }
0xd0: {  	_ =	swait.ge [sflag:s12], $0x2000  }
0xd1: {  	[sflag:s12] =	ssyncset.done $0x0  }
0xd2: {  	s8 =	sadd.s32 $0x800, s2;
	[sflag:s12] =	ssyncadd.s32 $0xFFFFE000  }
0xd3: {  	[tilespmem:s30], [sflag:$0x1] =	stream.indirect.gather [hbm4b:s4+s25], $0x40, s8, s25, $0xb8;
	[tilespmem:$0x16400] =	vst v63  }
0xd4: {  	_ =	swait.ge [sflag:s13], $0x2000  }
0xd5: {  	s8 =	rddreg [dreg:$0x9];
	[sflag:s13] =	ssyncset.done $0x0  }
0xd6: {  	[sflag:s13] =	ssyncadd.s32 $0xFFFFE000;
	s26 =	sadd.s32 s23, s8  }
0xd7: {  	[hbm4b:s26+s3] =	stream.linear.scatter [tilespmem:s10], [sflag:$0xE], $0x2000, $0x38;
	[tilespmem:$0x16400] =	vst v63  }
0xd8: {  	_ =	swait.ge [sflag:s14], $0x2000  }
0xd9: {  	[sflag:s14] =	ssyncset.done $0x0  }
0xda: {  	s8 =	sadd.s32 $0x880, s2;
	[sflag:s14] =	ssyncadd.s32 $0xFFFFE000  }
0xdb: {  	[tilespmem:s31], [sflag:$0x2] =	stream.indirect.gather [hbm4b:s4+s25], $0x40, s8, s25, $0xb8;
	[tilespmem:$0x16400] =	vst v63  }
0xdc: {  	_ =	swait.ge [sflag:s15], $0x2000  }
0xdd: {  	s10 =	rddreg [dreg:$0x8];
	[sflag:s15] =	ssyncset.done $0x0  }
0xde: {  	[sflag:s15] =	ssyncadd.s32 $0xFFFFE000;
	s26 =	sadd.s32 s23, s10  }
0xdf: {  	[hbm4b:s26+s3] =	stream.linear.scatter [tilespmem:s0], [sflag:$0xF], $0x2000, $0x38;
	[tilespmem:$0x16400] =	vst v63  }
0xe0: {  	_ =	swait.ge [sflag:s16], $0x2000  }
0xe1: {  	[sflag:s16] =	ssyncset.done $0x0  }
0xe2: {  	s8 =	sadd.s32 $0x900, s2;
	[sflag:s16] =	ssyncadd.s32 $0xFFFFE000  }
0xe3: {  	[tilespmem:s5], [sflag:$0x3] =	stream.indirect.gather [hbm4b:s4+s25], $0x40, s8, s25, $0xb8;
	[tilespmem:$0x16400] =	vst v63  }
0xe4: {  	p0 =	sne.s32 s24, $0x16000;
	_ =	swait.ge [sflag:s17], $0x2000  }
0xe5: {  	s24 =	sadd.s32 $0x1000, s24;
	s10 =	rddreg [dreg:$0x7];
	[sflag:s17] =	ssyncset.done $0x0  }
.Ltmp0:
0xe6: {  	[sflag:s17] =	ssyncadd.s32 $0xFFFFE000;
	s26 =	sadd.s32 s23, s10;
	(pc) =	sbr.rel @p0 .LBB2_2-.Ltmp0, $4  }
0xe7: {  	[hbm4b:s26+s3] =	stream.linear.scatter [tilespmem:s29], [sflag:$0x10], $0x2000, $0x38;
	[tilespmem:$0x16400] =	vst v63  }
0xe8: {  	s6 =	sadd.s32 $0x10000, s6;
	s1 =	simm.s32 $0x6400;
	_ =	swait.ge [sflag:s18], $0x2000  }
0xe9: {  	s30 =	simm.s32 $0x8400;
	s31 =	simm.s32 $0xA400;
	[sflag:s18] =	ssyncset.done $0x0  }
0xea: {  	s2 =	sadd.s32 $0x980, s2;
	s23 =	sadd.s32 $0x2000, s23;
	[sflag:s18] =	ssyncadd.s32 $0xFFFFE000  }
0xeb: {  	s5 =	simm.s32 $0xC400;
	s0 =	simm.s32 $0x1  }
0xec: {  	[tilespmem:s5], [sflag:$0x4] =	stream.indirect.gather [hbm4b:s4+s25], $0x40, s2, s25, $0xb8;
	[tilespmem:$0x16400] =	vst v63  }
0xed: {  	_ =	swait.ge [sflag:s0], $0x2000  }
0xee: {  	[sflag:s0] =	ssyncset.done $0x0  }
0xef: {  	s6 =	rddreg [dreg:$0x14];
	[sflag:s0] =	ssyncadd.s32 $0xFFFFE000  }
0xf0: {  	[hbm4b:s6+s3] =	stream.linear.scatter [tilespmem:s1], [sflag:$0x9], $0x2000, $0x38;
	[tilespmem:$0x16400] =	vst v63  }
0xf1: {  	_ =	swait.ge [sflag:s19], $0x2000  }
0xf2: {  	s8 =	simm.s32 $0x6200;
	[sflag:s19] =	ssyncset.done $0x0  }
0xf3: {  	s10 =	simm.s32 $0x2;
	s1 =	simm.s32 $0xE400;
	[sflag:s19] =	ssyncadd.s32 $0xFFFFE000  }
0xf4: {  	[tilespmem:s1], [sflag:$0x5] =	stream.indirect.gather [hbm4b:s4+s25], $0x40, s8, s25, $0xb8;
	[tilespmem:$0x16400] =	vst v63  }
0xf5: {  	_ =	swait.ge [sflag:s10], $0x2000  }
0xf6: {  	[sflag:s10] =	ssyncset.done $0x0  }
0xf7: {  	s23 =	rddreg [dreg:$0x15];
	[sflag:s10] =	ssyncadd.s32 $0xFFFFE000  }
0xf8: {  	[hbm4b:s23+s3] =	stream.linear.scatter [tilespmem:s30], [sflag:$0xA], $0x2000, $0x38;
	[tilespmem:$0x16400] =	vst v63  }
0xf9: {  	_ =	swait.ge [sflag:s20], $0x2000  }
0xfa: {  	[sflag:s20] =	ssyncset.done $0x0  }
0xfb: {  	s24 =	simm.s32 $0x6280;
	s6 =	simm.s32 $0x10400;
	[sflag:s20] =	ssyncadd.s32 $0xFFFFE000  }
0xfc: {  	[tilespmem:s6], [sflag:$0x6] =	stream.indirect.gather [hbm4b:s4+s25], $0x40, s24, s25, $0xb8;
	[tilespmem:$0x16400] =	vst v63  }
0xfd: {  	_ =	swait.ge [sflag:s7], $0x2000  }
0xfe: {  	[sflag:s7] =	ssyncset.done $0x0  }
0xff: {  	s26 =	rddreg [dreg:$0x16];
	[sflag:s7] =	ssyncadd.s32 $0xFFFFE000  }
0x100: {  	[hbm4b:s26+s3] =	stream.linear.scatter [tilespmem:s31], [sflag:$0xB], $0x2000, $0x38;
	[tilespmem:$0x16400] =	vst v63  }
0x101: {  	_ =	swait.ge [sflag:s21], $0x2000  }
0x102: {  	[sflag:s21] =	ssyncset.done $0x0  }
0x103: {  	s29 =	simm.s32 $0x12400;
	s30 =	simm.s32 $0x6300;
	[sflag:s21] =	ssyncadd.s32 $0xFFFFE000  }
0x104: {  	[tilespmem:s29], [sflag:$0x7] =	stream.indirect.gather [hbm4b:s4+s25], $0x40, s30, s25, $0xb8;
	[tilespmem:$0x16400] =	vst v63  }
0x105: {  	_ =	swait.ge [sflag:s9], $0x2000  }
0x106: {  	[sflag:s9] =	ssyncset.done $0x0  }
0x107: {  	s31 =	rddreg [dreg:$0x17];
	[sflag:s9] =	ssyncadd.s32 $0xFFFFE000  }
0x108: {  	[hbm4b:s31+s3] =	stream.linear.scatter [tilespmem:s5], [sflag:$0xC], $0x2000, $0x38;
	[tilespmem:$0x16400] =	vst v63  }
0x109: {  	_ =	swait.ge [sflag:s22], $0x2000  }
0x10a: {  	[sflag:s22] =	ssyncset.done $0x0  }
0x10b: {  	s8 =	simm.s32 $0x14400;
	s10 =	simm.s32 $0x6380;
	[sflag:s22] =	ssyncadd.s32 $0xFFFFE000  }
0x10c: {  	[tilespmem:s8], [sflag:$0x8] =	stream.indirect.gather [hbm4b:s4+s25], $0x40, s10, s25, $0xb8;
	[tilespmem:$0x16400] =	vst v63  }
0x10d: {  	_ =	swait.ge [sflag:s11], $0x2000  }
0x10e: {  	[sflag:s11] =	ssyncset.done $0x0  }
0x10f: {  	s23 =	rddreg [dreg:$0x18];
	[sflag:s11] =	ssyncadd.s32 $0xFFFFE000  }
0x110: {  	[hbm4b:s23+s3] =	stream.linear.scatter [tilespmem:s1], [sflag:$0xD], $0x2000, $0x38;
	[tilespmem:$0x16400] =	vst v63  }
0x111: {  	_ =	swait.ge [sflag:s12], $0x2000  }
0x112: {  	[sflag:s12] =	ssyncset.done $0x0  }
0x113: {  	[sflag:s12] =	ssyncadd.s32 $0xFFFFE000  }
0x114: {  	_ =	swait.ge [sflag:s13], $0x2000  }
0x115: {  	[sflag:s13] =	ssyncset.done $0x0  }
0x116: {  	s24 =	rddreg [dreg:$0x19];
	[sflag:s13] =	ssyncadd.s32 $0xFFFFE000  }
0x117: {  	[hbm4b:s24+s3] =	stream.linear.scatter [tilespmem:s6], [sflag:$0xE], $0x2000, $0x38;
	[tilespmem:$0x16400] =	vst v63  }
0x118: {  	_ =	swait.ge [sflag:s14], $0x2000  }
0x119: {  	[sflag:s14] =	ssyncset.done $0x0  }
0x11a: {  	[sflag:s14] =	ssyncadd.s32 $0xFFFFE000  }
0x11b: {  	_ =	swait.ge [sflag:s15], $0x2000  }
0x11c: {  	[sflag:s15] =	ssyncset.done $0x0  }
0x11d: {  	s26 =	rddreg [dreg:$0x1a];
	[sflag:s15] =	ssyncadd.s32 $0xFFFFE000  }
0x11e: {  	[hbm4b:s26+s3] =	stream.linear.scatter [tilespmem:s29], [sflag:$0xF], $0x2000, $0x38;
	[tilespmem:$0x16400] =	vst v63  }
0x11f: {  	_ =	swait.ge [sflag:s16], $0x2000  }
0x120: {  	[sflag:s16] =	ssyncset.done $0x0  }
0x121: {  	[sflag:s16] =	ssyncadd.s32 $0xFFFFE000  }
0x122: {  	_ =	swait.ge [sflag:s17], $0x2000  }
0x123: {  	[sflag:s17] =	ssyncset.done $0x0  }
0x124: {  	s29 =	rddreg [dreg:$0x1b];
	[sflag:s17] =	ssyncadd.s32 $0xFFFFE000  }
0x125: {  	[hbm4b:s29+s3] =	stream.linear.scatter [tilespmem:s8], [sflag:$0x10], $0x2000, $0x38;
	[tilespmem:$0x16400] =	vst v63  }
0x126: {  	_ =	swait.ge [sflag:s18], $0x2000  }
0x127: {  	[sflag:s18] =	ssyncset.done $0x0  }
0x128: {  	[sflag:s18] =	ssyncadd.s32 $0xFFFFE000  }
0x129: {  	_ =	swait.ge [sflag:s19], $0x2000  }
0x12a: {  	[sflag:s19] =	ssyncset.done $0x0  }
0x12b: {  	[sflag:s19] =	ssyncadd.s32 $0xFFFFE000  }
0x12c: {  	_ =	swait.ge [sflag:s20], $0x2000  }
0x12d: {  	[sflag:s20] =	ssyncset.done $0x0  }
0x12e: {  	[sflag:s20] =	ssyncadd.s32 $0xFFFFE000  }
0x12f: {  	_ =	swait.ge [sflag:s21], $0x2000  }
0x130: {  	[sflag:s21] =	ssyncset.done $0x0  }
0x131: {  	[sflag:s21] =	ssyncadd.s32 $0xFFFFE000  }
0x132: {  	_ =	swait.ge [sflag:s22], $0x2000  }
0x133: {  	s30 =	rddreg [dreg:$0x1e]  }
0x134: {  	s31 =	rddreg [dreg:$0x1c];
	s0 =	sadd.s32 $0x1, s30  }
0x135: {  	p0 =	sne.s32 s0, s31  }
.Ltmp1:
0x136: {  	_ = 	snop;
	(pc) =	sbr.rel @p0 .LBB2_1-.Ltmp1, $3  }
0x137: {  	_ =	sdelay $0x1  }
0x138: {  	[sflag:s22] =	ssyncset.done $0x0  }
0x139: {  	[sflag:s22] =	ssyncadd.s32 $0xFFFFE000  }
0x13a: {  	_ =	sfence.sel $0x180000  }
0x13b: {  	[bflag:$0x0] =	sbarrier.arrive $0xFFFF  }
0x13c: {  	_ =	strace $0x90000047  }
0x13d: {  	s0 =	stileid.u32;
	[bflag:$0x2] =	sbarrier.arrive $0xFFFF  }
0x13e: {  	p0 =	sne.s32 s0, $0x0;
	s0 =	rddreg [dreg:$0x3]  }
0x13f: {  	s0 =	sadd.s32 @!p0 $0x100000, s0  }
0x140: {  	[sflag:s0] =	ssyncadd.tile.s32 @!p0 $0x1;
	_ =	shalt  }
.Lfunc_end2:
_tile_overlayer_lowered:
.L_overlay_start_2:
0x141: {  	(tag) =	ssettag $0x2  }
0x142: {  	s0 =	rddreg [dreg:$0x0];
	s2 =	stileid.u32  }
0x143: {  	s1 =	rddreg [dreg:$0x1];
	p0 =	sne.s32 s2, $0x0  }
0x144: {  	s3 =	rddreg [dreg:$0x2];
	[bflag:$0x3] =	sbarrier.arrive $0xFFFF;
	s2 =	simm.s32 @!p0 $0x1C11  }
0x145: {  	[timem:s3], [sflag:s2] =	dma.local @!p0 [hbm:s0], s1  }
0x146: {  	s0 =	simm.s32 @!p0 $0x11  }
0x147: {  	_ =	swait.ge @!p0 [sflag:s0], s1  }
0x148: {  	s1 =	ssub.s32 @!p0 $0x0, s1;
	[sflag:s0] =	ssyncset.done @!p0 $0x0  }
0x149: {  	[sflag:s0] =	ssyncadd.s32 @!p0 s1  }
0x14a: {  	[bflag:$0x3] =	sbarrier.arrive $0xFFFF  }
0x14b: {  	_ =	shalt  }

// kernel: sparse-core-data-format-call.cloned.1.call-start
scs
called_computation_lowered:
.L_overlay_start_0:
0x0: {  	s2 =	sld [smem:$0x3FD9]  }
0x1: {  	s3 =	sld [smem:$0x3FFE];
	_ =	sdelay $0x1  }
0x2: {  	s1 =	srdreg.scid  }
0x3: {  	s0 =	sand.u32 $0x1, s1  }
0x4: {  	s18 =	sshll.u32 s0, $0xA;
	s2 =	sadd.s32 s3, s2  }
0x5: {  	s2 =	sadd.s32 s2, s18  }
0x6: {  	[smem:$0x3FC6] =	sst s2  }
0x7: {  	_ = 	snop  }
0x8: {  	s2 =	sld [smem:$0x3FD0];
	(tm) =	ssettm $0x1  }
0x9: {  	s19 =	sld [smem:$0x3FFB];
	_ =	sdelay $0x3  }
0xa: {  	_ =	strace s19  }
0xb: {  	s3 =	sld [smem:$0x3FFC];
	_ =	sdelay $0x3  }
0xc: {  	_ =	strace s3  }
0xd: {  	s3 =	sld [smem:$0x3FFD];
	_ =	sdelay $0x3  }
0xe: {  	_ =	strace s3  }
0xf: {  	_ =	strace $0x8FFFFFFF  }
0x10: {  	s20 =	sld [smem:$0x3FDB];
	_ =	sdelay $0x1  }
0x11: {  	s4 =	simm.s32 $_scs_section_size  }
0x12: {  	s5 =	simm.s32 $_size__tile_overlayer_lowered;
	s6 =	simm.s32 $_tile_overlayer_lowered  }
0x13: {  	s23 =	simm.s32 $0x1BFF;
	s22 =	sshll.u32 s6, $0x1;
	s3 =	sadd.s32 s4, s20  }
0x14: {  	s7 =	simm.s32 $0x0;
	s21 =	sshll.u32 s5, $0x1;
	s5 =	sadd.s32 s22, s3  }
0x15: {  	[timem:s7], [sflag:s23] =	dma.local [hbm:s5], s21  }
0x16: {  	_ =	swait.ge [sflag:s23], s21  }
0x17: {  	s4 =	ssub.s32 $0x0, s21;
	[sflag:s23] =	ssyncset.done $0x0  }
0x18: {  	[sflag:s23] =	ssyncadd.s32 s4;
	_ =	sdelay $0x1  }
0x19: {  	s24 =	simm.s32 $0x1B8B  }
0x1a: {  	_ =	swait.ge [sflag:s24], $0x1  }
0x1b: {  	[sflag:s24] =	ssyncset.done $0x0  }
0x1c: {  	s26 =	simm.s32 $0x1B8E;
	s25 =	sld [smem:$0x3FFE];
	[sflag:s24] =	ssyncadd.s32 $0xFFFFFFFF  }
0x1d: {  	s27 =	simm.s32 $execute0_lowered;
	[smem:$0x3FD2] =	sst s26  }
0x1e: {  	s5 =	sshll.u32 s27, $0x1;
	_ =	strace $0x80000049;
	[dreg:$0x1] =	wrdreg $0xFFFFFFFF  }
0x1f: {  	s28 =	simm.s32 $_size_execute0_lowered;
	s3 =	sadd.s32 s3, s5;
	[dreg:$0x0] =	wrdreg $0x0  }
0x20: {  	s5 =	sshll.u32 s28, $0x1;
	[dreg:$0x2] =	wrdreg s3  }
0x21: {  	[dreg:$0x3] =	wrdreg s5  }
0x22: {  	[dreg:$0x4] =	wrdreg $0xC0  }
0x23: {  	_ =	task [dreg:s7], $0x5FFFF  }
0x24: {  	[dreg:$0x1] =	wrdreg $0xFFFFFFFF  }
0x25: {  	[dreg:$0x0] =	wrdreg $0x60  }
0x26: {  	[dreg:$0x2] =	wrdreg s25  }
0x27: {  	[dreg:$0x3] =	wrdreg s2  }
0x28: {  	[dreg:$0x4] =	wrdreg $0x9  }
0x29: {  	_ =	task.clear_ibuf [dreg:s7], $0x5FFFF;
	_ =	strace $0x90000049  }
0x2a: {  	s29 =	simm.s32 $0x9;
	_ =	strace $0x8000004B  }
0x2b: {  	_ =	swait.ge [sflag:s29], $0x1  }
0x2c: {  	[sflag:s29] =	ssyncadd.s32 $0xFFFFFFFF  }
0x2d: {  	_ =	strace $0x9000004B  }
0x2e: {  	_ =	sfence  }
0x2f: {  	s30 =	sld [smem:$0x0];
	_ =	sdelay $0x2  }
0x30: {  	s31 =	sshll.u32 s1, $0xD;
	s1 =	sshrl.u32 s1, $0x2  }
0x31: {  	s3 =	sand.u32 $0x4000, s31;
	s1 =	sadd.s32 s1, s30  }
0x32: {  	s0 =	sor.u32 s3, s0;
	s1 =	sshll.u32 s1, $0x11  }
0x33: {  	s0 =	sor.u32 s1, s0  }
0x34: {  	s0 =	sadd.s32 $0x8F2B, s0  }
0x35: {  	[sflag:s0] =	ssyncadd.remote.s32 $0x1  }
0x36: {  	_ =	sfence.sel $0xFFFF  }
0x37: {  	[dreg:$0x0] =	wrdreg $0xFFFFFFFF;
	(pc) =	sbr.abs _section_cstart, $3  }
0x38: {  	[dreg:$0x1] =	wrdreg $0xFFFFFFFF  }
0x39: {  	_ =	task.clear_ibuf [dreg:s7], $0x2FFFF;
	_ =	strace $0x9FFFFFFF  }
0x3a: {  	(tm) =	ssettm $0x7FFFFFFF  }
0x3b: {  	_ =	shalt  }
tec
execute0_lowered:
.L_overlay_start_1:
0x0: {  	(tag) =	ssettag $0x1  }
0x1: {  	s0 =	srdreg.scid  }
0x2: {  	s1 =	sshll.u32 s0, $0x4  }
0x3: {  	s4 =	rddreg [dreg:$0x0];
	s0 =	stileid.u32;
	s1 =	sand.u32 $0x10, s1  }
0x4: {  	s2 =	rddreg [dreg:$0x1];
	s7 =	simm.s32 $0x1;
	s1 =	sor.u32 s0, s1  }
0x5: {  	s8 =	simm.s32 $0x2;
	s11 =	simm.s32 $0x0;
	s3 =	sshll.u32 s1, $0x7  }
0x6: {  	s10 =	simm.s32 $0x0;
	s4 =	sadd.s32 $0x800, s4;
	s6 =	ssub.s32 $0xC8000, s3  }
.Ltmp0:
0x7: {  	s1 =	rddreg [dreg:$0x2];
	s5 =	sand.u32 $0xF80, s6;
	(pc) =	sbr.rel .LBB1_1-.Ltmp0, $4  }
0x8: {  	_ =	strace $0x8000004A;
	s9 =	smov.u32 s3;
	p0 =	sne.s32 s5, $0x0  }
0x9: {  	s6 =	sshrl.u32 s6, $0xC;
	s5 =	simm.s32 $0x1;
	s7 =	simm.s32 @!p0 $0x0  }
0xa: {  	[sflag:s5] =	ssyncpa.u1 $0x0;
	p0 =	por $0x0, $0x0;
	s6 =	sadd.s32 s7, s6  }
0xb: {  	[sflag:s8] =	ssyncpa.u1 $0x0;
	s8 =	simm.s32 $0x640000;
	s7 =	sadd.s32 $0x1, s6  }
.LBB1_4:
0xc: {  	s14 =	sshll.u32 s11, $0x3  }
0xd: {  	s30 =	sand.u32 $0x7F, s11;
	s15 =	sand.u32 $0xFFFFFC00, s14  }
0xe: {  	s11 =	sor.u32 s30, s15  }
0xf: {  	s15 =	smulhi.u32 $0x51EB851F, s11  }
0x10: {  	s14 =	smulhi.u32 $0x51EB851F, s14  }
0x11: {  	s15 =	sshrl.u32 s15, $0x12  }
0x12: {  	s14 =	sshrl.u32 s14, $0x12;
	s15 =	smul.u32 $0xC8000, s15  }
0x13: {  	s14 =	sand.u32 $0x3F, s14  }
0x14: {  	s14 =	smul.u32 $0x19000, s14;
	s11 =	ssub.s32 s11, s15  }
0x15: {  	[tilespmem:s13+$0x810 ss:$0x81] =	vst.msk $0xffff, v2;
	s15 =	sand.u32 $0x7, s11  }
0x16: {  	[tilespmem:s13+$0x1020 ss:$0x81] =	vst.msk $0xffff, v0;
	s14 =	sadd.s32 s2, s14;
	s11 =	sshrl.u32 s11, $0x3;
	s15 =	sshll.u32 s15, $0x12  }
0x17: {  	[tilespmem:s13+$0x0 ss:$0x81] =	vst.msk $0xffff, v1;
	s11 =	sadd.s32 s11, s14;
	s31 =	sor.u32 $0x400, s15  }
0x18: {  	[hbm4b:s11+s31] =	stream.strided.scatter [tilespmem:s12], [sflag:$0x2], $0x2000, s8, s31, $0x20;
	[tilespmem:$0x8080] =	vst v63  }
.LBB1_5:
0x19: {  	s13 =	sadd.s32 $0x1000, s9  }
0x1a: {  	p2 =	sgt.s32 s13, $0xC7FFF  }
0x1b: {  	s13 =	smov.u32 @p2 s3;
	p2 =	sne.s32 s10, s7  }
.Ltmp1:
0x1c: {  	p1 =	slt.u32 s10, $0x2;
	(pc) =	sbr.rel @!p2 .LBB1_6-.Ltmp1, $4  }
0x1d: {  	s12 =	simm.s32 @!p1 $0x2  }
0x1e: {  	s14 =	sadd.s32 $0x1, s10;
	_ =	swait.ge @!p1 [sflag:s12], $0x2000  }
0x1f: {  	s11 =	smov.u32 s9;
	p0 =	por !p0, !p0;
	[sflag:s12] =	ssyncset.done @!p1 $0x0  }
0x20: {  	s10 =	smov.u32 s14;
	s9 =	smov.u32 s13;
	[sflag:s12] =	ssyncadd.s32 @!p1 $0xFFFFE000  }
.LBB1_1:
0x21: {  	p1 =	sge.u32 s10, s6  }
0x22: {  	s12 =	sand.u32 @!p1 $0x1FFFFFF, s9  }
0x23: {  	s13 =	smulhi.u32 @!p1 $0x147AE15, s12;
	_ =	sdelay $0x1  }
0x24: {  	s13 =	sshrl.u32 @!p1 s13, $0xC  }
0x25: {  	s13 =	smul.u32 @!p1 $0xC8000, s13;
	_ =	sdelay $0x1  }
0x26: {  	s31 =	sadd.s32 $0xFFFFFFFF, s10;
	s14 =	sxor.u32 @!p1 $0xFFFFFFFF, s10;
	s12 =	ssub.s32 @!p1 s12, s13  }
0x27: {  	s15 =	simm.s32 @!p1 $0x80;
	s14 =	sshll.u32 @!p1 s14, $0xD;
	s12 =	sshll.u32 @!p1 s12, $0x4  }
0x28: {  	s13 =	sand.u32 @!p1 $0x2000, s14;
	s14 =	simm.s32 @!p1 $0x40;
	s12 =	sadd.s32 @!p1 s4, s12  }
0x29: {  	[tilespmem:s13], [sflag:$0x1] =	stream.strided.gather @!p1 [hbm4b:s12+s14], $0x2000, s15, s14, $0x38;
	[tilespmem:$0x8080] =	vst v63  }
0x2a: {  	p1 =	sge.u32 s31, s6  }
.Ltmp2:
0x2b: {  	_ = 	snop;
	(pc) =	sbr.rel @p1 .LBB1_5-.Ltmp2, $1  }
0x2c: {  	_ =	sdelay $0x3  }
0x2d: {  	s12 =	simm.s32 $0x1  }
0x2e: {  	_ =	swait.ge [sflag:s5], $0x2000;
	s12 =	simm.s32 @!p0 $0x0  }
0x2f: {  	[sflag:s5] =	ssyncset.done $0x0;
	s13 =	sshll.u32 s12, $0xD  }
0x30: {  	[sflag:s5] =	ssyncadd.s32 $0xFFFFE000;
	s16 =	sor.u32 $0x20, s13  }
0x31: {  	s12 =	smul.u32 $0x8100, s12;
	v3 =	vld [tilespmem:s16+$0x10]  }
0x32: {  	s30 =	sand.u32 $0x1, s10;
	v2 =	vld [tilespmem:s16+$0xFFFFFFF0]  }
0x33: {  	s13 =	smul.u32 $0x8100, s30;
	s12 =	sshrl.u32 s12, $0x2;
	v0 =	vld [tilespmem:s16+$0x0]  }
0x34: {  	v1 =	vld [tilespmem:s16+$0xFFFFFFE0];
	s14 =	sor.u32 $0x4000, s12  }
0x35: {  	s31 =	sshrl.u32 s13, $0x2;
	s13 =	sadd.s32 $0x0, s14  }
0x36: {  	s15 =	simm.s32 $0x4;
	s16 =	sadd.s32 $0x40, s16;
	s12 =	sor.u32 $0x4000, s31;
	[tilespmem:s13+$0x1830 ss:$0x81] =	vst.msk $0xffff, v3  }
.LBB1_3:
0x37: {  	v3 =	vld [tilespmem:s16+$0x10];
	p1 =	sne.s32 s15, $0x1FC;
	[tilespmem:s13+$0x810 ss:$0x81] =	vst.msk $0xffff, v2;
	s17 =	smov.u32 s15;
	s15 =	sadd.s32 $0x4, s15  }
.Ltmp3:
0x38: {  	v2 =	vld [tilespmem:s16+$0xFFFFFFF0];
	[tilespmem:s13+$0x1020 ss:$0x81] =	vst.msk $0xffff, v0;
	(pc) =	sbr.rel @p1 .LBB1_3-.Ltmp3, $4  }
0x39: {  	v0 =	vld [tilespmem:s16+$0x0];
	[tilespmem:s13+$0x0 ss:$0x81] =	vst.msk $0xffff, v1  }
0x3a: {  	s13 =	sshra.s32 s17, $0x2;
	v1 =	vld [tilespmem:s16+$0xFFFFFFE0]  }
0x3b: {  	s13 =	sadd.s32 s13, s14  }
0x3c: {  	s16 =	sadd.s32 $0x40, s16;
	[tilespmem:s13+$0x1830 ss:$0x81] =	vst.msk $0xffff, v3  }
.Ltmp4:
0x3d: {  	_ = 	snop;
	(pc) =	sbr.rel .LBB1_4-.Ltmp4, $1  }
0x3e: {  	_ =	sdelay $0x3  }
.LBB1_6:
0x3f: {  	_ =	sfence.sel $0x180000  }
0x40: {  	s2 =	simm.s32 $0x1;
	[bflag:$0x0] =	sbarrier.arrive $0xFFFF  }
0x41: {  	s31 =	simm.s32 $0x2;
	[sflag:s2] =	ssyncpa.u1 $0x1  }
0x42: {  	[sflag:s31] =	ssyncpa.u1 $0x1  }
0x43: {  	p0 =	sne.s32 s0, $0x0;
	_ =	strace $0x9000004A  }
0x44: {  	s0 =	sadd.s32 @!p0 $0x100000, s1;
	[bflag:$0x2] =	sbarrier.arrive $0xFFFF  }
0x45: {  	[sflag:s0] =	ssyncadd.tile.s32 @!p0 $0x1;
	_ =	shalt  }
.Lfunc_end1:
_tile_overlayer_lowered:
.L_overlay_start_2:
0x46: {  	(tag) =	ssettag $0x2  }
0x47: {  	s0 =	rddreg [dreg:$0x0];
	s2 =	stileid.u32  }
0x48: {  	s1 =	rddreg [dreg:$0x1];
	p0 =	sne.s32 s2, $0x0  }
0x49: {  	s3 =	rddreg [dreg:$0x2];
	[bflag:$0x3] =	sbarrier.arrive $0xFFFF;
	s2 =	simm.s32 @!p0 $0x1C01  }
0x4a: {  	[timem:s3], [sflag:s2] =	dma.local @!p0 [hbm:s0], s1  }
0x4b: {  	s0 =	simm.s32 @!p0 $0x1  }
0x4c: {  	_ =	swait.ge @!p0 [sflag:s0], s1  }
0x4d: {  	s1 =	ssub.s32 @!p0 $0x0, s1;
	[sflag:s0] =	ssyncset.done @!p0 $0x0  }
0x4e: {  	[sflag:s0] =	ssyncadd.s32 @!p0 s1  }
0x4f: {  	[bflag:$0x3] =	sbarrier.arrive $0xFFFF  }
0x50: {  	_ =	shalt  }

</sc_bundles>
